<compile_context>
chip_gen: v7x
topology: tpu7x:2x2x1
jax: 0.10.2.dev20260603
libtpu: 0.0.44.dev20260713+nightly
codegen_flags: <defaults>
</compile_context>

<pallas_src>
import jax
import jax.numpy as jnp
from jax import lax
from jax.experimental import pallas as pl
from jax.experimental.pallas import tpu as pltpu
from jax.experimental.pallas import tpu_sc as plsc

N = 10000
E = 320000
NC, NS = 2, 16
NW = NC * NS
CH = 80
NCH = E // NW // CH
PH0, PH1 = 64, 61
NP = 10240
RPT = NP // NS
BR = 1024
mesh = plsc.VectorSubcoreMesh(core_axis_name="c", subcore_axis_name="s")


def _make_agg(width, with_counts):

  def fill(rows_v, val):
    def vstep(r, carry):
      for cc in range(8):
        rows_v[0, r, pl.ds(cc * 16, 16)] = jnp.full((16,), val, jnp.float32)
      return carry

    lax.fori_loop(0, CH, vstep, 0)

  def zero_acc(rows_v, acc_sh, s):
    def zstep(k, carry):
      pltpu.sync_copy(rows_v.at[0],
                      acc_sh.at[pl.ds(s * RPT + k * CH, CH)])
      return carry

    lax.fori_loop(0, RPT // CH, zstep, 0)

  def body(y_hbm, edge_hbm, out_hbm, *rest):
    if with_counts:
      cnt_hbm, idx_v, rows_v, acc_sh, sem = rest
    else:
      idx_v, rows_v, acc_sh, sem = rest
    c = lax.axis_index("c")
    s = lax.axis_index("s")
    wid = c * NS + s

    fill(rows_v, 0.0)
    zero_acc(rows_v, acc_sh, s)
    pltpu.sync_copy(edge_hbm.at[wid, :, pl.ds(0, PH0)], idx_v)
    src_v = idx_v.at[0]
    dst_v = idx_v.at[1]
    plsc.subcore_barrier()

    def run_phase(nch):
      pltpu.async_copy(y_hbm.at[src_v.at[0]], rows_v.at[0], sem)

      def step(j, carry):
        p = lax.rem(j, 2)
        q = 1 - p
        pltpu.make_async_copy(y_hbm.at[src_v.at[j]], rows_v.at[p],
                              sem).wait()

        @pl.when(j + 1 < nch)
        def _():
          pltpu.async_copy(y_hbm.at[src_v.at[j + 1]], rows_v.at[q], sem)

        pltpu.sync_copy(rows_v.at[p], acc_sh.at[dst_v.at[j]], add=True)
        return carry

      lax.fori_loop(0, nch, step, 0)

    run_phase(PH0)
    pltpu.sync_copy(edge_hbm.at[wid, :, pl.ds(PH0, PH1)],
                    idx_v.at[:, pl.ds(0, PH1)])
    run_phase(PH1)

    plsc.subcore_barrier()
    pltpu.sync_copy(acc_sh.at[pl.ds(s * RPT, RPT)],
                    out_hbm.at[pl.ds(c * NP + s * RPT, RPT)])

    if with_counts:
      plsc.subcore_barrier()
      fill(rows_v, 0.0)
      zero_acc(rows_v, acc_sh, s)
      fill(rows_v, 1.0)
      plsc.subcore_barrier()

      def cstep(nch):
        def cs4(k, carry):
          j = 4 * k
          for t in range(4):
            pltpu.async_copy(rows_v.at[0],
                             acc_sh.at[idx_v.at[1].at[j + t]], sem,
                             add=True)
          for t in range(4):
            pltpu.make_async_copy(rows_v.at[0],
                                  acc_sh.at[idx_v.at[1].at[j + t]],
                                  sem).wait()
          return carry

        lax.fori_loop(0, nch // 4, cs4, 0)
        for t in range(nch % 4):
          j = 4 * (nch // 4) + t
          pltpu.sync_copy(rows_v.at[0], acc_sh.at[idx_v.at[1].at[j]],
                          add=True)

      pltpu.sync_copy(edge_hbm.at[wid, :, pl.ds(0, PH0)], idx_v)
      cstep(PH0)
      pltpu.sync_copy(edge_hbm.at[wid, :, pl.ds(PH0, PH1)],
                      idx_v.at[:, pl.ds(0, PH1)])
      cstep(PH1)
      plsc.subcore_barrier()
      pltpu.sync_copy(acc_sh.at[pl.ds(s * RPT, RPT)],
                      cnt_hbm.at[pl.ds(c * NP + s * RPT, RPT)])

  out_type = [jax.ShapeDtypeStruct((NC * NP, width), jnp.float32)]
  if with_counts:
    out_type.append(jax.ShapeDtypeStruct((NC * NP, width), jnp.float32))
  return pl.kernel(
      body,
      out_type=out_type,
      mesh=mesh,
      scratch_types=[
          pltpu.VMEM((2, PH0, CH), jnp.int32),
          pltpu.VMEM((2, CH, width), jnp.float32),
          pltpu.VMEM_SHARED((NP, width), jnp.float32),
          pltpu.SemaphoreType.DMA,
      ])


_agg128c = _make_agg(128, True)
_agg128 = _make_agg(128, False)


def _pre_body(x_ref, wl_ref, wr_ref, b_ref, y_ref, r_ref):
  xb = x_ref[...]
  y_ref[...] = jnp.dot(xb, wl_ref[...], preferred_element_type=jnp.float32)
  r_ref[...] = (jnp.dot(xb, wr_ref[...], preferred_element_type=jnp.float32)
                + b_ref[...])


def _mid_body(p_ref, c_ref, r1_ref, wr_ref, b_ref, h_ref, r_ref, cm_ref):
  cm = jnp.maximum(c_ref[0, :, 0:1] + c_ref[1, :, 0:1], 1.0)
  cm_ref[...] = cm
  mean = (p_ref[0] + p_ref[1]) / cm
  h = jnp.maximum(mean + r1_ref[...], 0.0)
  h_ref[...] = h
  r_ref[...] = (jnp.dot(h, wr_ref[...], preferred_element_type=jnp.float32)
                + b_ref[...])


def _post_body(p_ref, cm_ref, r2_ref, wl_ref, wt_ref, b_ref, o_ref):
  mean = (p_ref[0] + p_ref[1]) / cm_ref[...]
  agg = jnp.dot(mean, wl_ref[...], preferred_element_type=jnp.float32)
  h = jnp.maximum(agg + r2_ref[...], 0.0)
  l0 = jnp.sum(h * wt_ref[0:1, :], axis=1, keepdims=True) + b_ref[0, 0]
  l1 = jnp.sum(h * wt_ref[1:2, :], axis=1, keepdims=True) + b_ref[0, 1]
  m = jnp.maximum(l0, l1)
  lse = m + jnp.log(jnp.exp(l0 - m) + jnp.exp(l1 - m))
  o_ref[...] = jnp.concatenate([l0 - lse, l1 - lse], axis=1)


def _full(shape):
  return pl.BlockSpec(shape, lambda i: (0,) * len(shape))


def _rows(shape):
  return pl.BlockSpec(shape, lambda i: (i,) + (0,) * (len(shape) - 1))


def _pre(x, wl, wr, b):
  return pl.pallas_call(
      _pre_body,
      grid=(NP // BR,),
      in_specs=[_rows((BR, 128)), _full((128, 128)), _full((128, 128)),
                _full((1, 128))],
      out_specs=[_rows((BR, 128)), _rows((BR, 128))],
      out_shape=[jax.ShapeDtypeStruct((NP, 128), jnp.float32)] * 2,
  )(x, wl, wr, b)


def _mid(p, cnt, r1, wr, b):
  return pl.pallas_call(
      _mid_body,
      grid=(NP // BR,),
      in_specs=[pl.BlockSpec((2, BR, 128), lambda i: (0, i, 0)),
                pl.BlockSpec((2, BR, 128), lambda i: (0, i, 0)),
                _rows((BR, 128)), _full((128, 64)), _full((1, 64))],
      out_specs=[_rows((BR, 128)), _rows((BR, 64)), _rows((BR, 1))],
      out_shape=[jax.ShapeDtypeStruct((NP, 128), jnp.float32),
                 jax.ShapeDtypeStruct((NP, 64), jnp.float32),
                 jax.ShapeDtypeStruct((NP, 1), jnp.float32)],
  )(p, cnt, r1, wr, b)


def _post(p, cm, r2, wl, wt, b):
  return pl.pallas_call(
      _post_body,
      grid=(NP // BR,),
      in_specs=[pl.BlockSpec((2, BR, 128), lambda i: (0, i, 0)),
                _rows((BR, 1)), _rows((BR, 64)), _full((128, 64)),
                _full((2, 64)), _full((1, 2))],
      out_specs=_rows((BR, 2)),
      out_shape=jax.ShapeDtypeStruct((NP, 2), jnp.float32),
  )(p, cm, r2, wl, wt, b)


def kernel(x, edge_index, W1_l, b1, W1_r, W2_l, b2, W2_r, W_lin, b_lin):
  src3 = edge_index[0].astype(jnp.int32).reshape(NW, NCH, CH)
  dst3 = edge_index[1].astype(jnp.int32).reshape(NW, NCH, CH)
  edge3 = jnp.stack([src3, dst3], axis=1)
  x_p = jnp.pad(x, ((0, NP - N), (0, 0)))

  y1, r1 = _pre(x_p, W1_l, W1_r, b1.reshape(1, -1))
  p1, cnt = _agg128c(y1, edge3)
  p1 = p1.reshape(NC, NP, 128)
  cnt = cnt.reshape(NC, NP, 128)
  h1, r2, cm = _mid(p1, cnt, r1, W2_r, b2.reshape(1, -1))
  (p2,) = _agg128(h1, edge3)
  p2 = p2.reshape(NC, NP, 128)
  out = _post(p2, cm, r2, W2_l, W_lin.T, b_lin.reshape(1, -1))
  return out[:N]

# --- scband reference (transcript-rebuilt; emitter-appended) ---
"""Pipeline reference for scband-graph-sage-17755394802084 (READ-ONLY COPY).

The authoritative reference and input builder live on the scoring server;
editing this copy changes nothing except your own understanding.
"""

import jax, jax.numpy as jnp
import numpy as np

N_NODES = 10000
N_EDGES = 320000
D_IN = 128
H1 = 128
H2 = 64
N_CLASSES = 2


def setup_inputs(seed: int = 0) -> dict:
    key = jax.random.key(seed)
    ks = jax.random.split(key, 10)
    x = jax.random.normal(ks[0], (N_NODES, D_IN), dtype=jnp.float32)
    edge_index = jax.random.randint(ks[1], (2, N_EDGES), 0, N_NODES, dtype=jnp.int64 if jax.config.jax_enable_x64 else jnp.int32)
    # SAGEConv params: lin_l (aggregated neighbors, with bias), lin_r (root/self, no bias)
    def glorot(k, shape):
        fan_in, fan_out = shape[0], shape[1]
        limit = jnp.sqrt(6.0 / (fan_in + fan_out))
        return jax.random.uniform(k, shape, jnp.float32, -limit, limit)
    W1_l = glorot(ks[2], (D_IN, H1))
    b1 = jnp.zeros((H1,), jnp.float32)
    W1_r = glorot(ks[3], (D_IN, H1))
    W2_l = glorot(ks[4], (H1, H2))
    b2 = jnp.zeros((H2,), jnp.float32)
    W2_r = glorot(ks[5], (H1, H2))
    W_lin = glorot(ks[6], (H2, N_CLASSES))
    b_lin = jnp.zeros((N_CLASSES,), jnp.float32)
    return {"x": x, "edge_index": edge_index, "W1_l": W1_l, "b1": b1, "W1_r": W1_r,
            "W2_l": W2_l, "b2": b2, "W2_r": W2_r, "W_lin": W_lin, "b_lin": b_lin}


def _sage_conv(x, src, dst, W_l, b_l, W_r, n_nodes):
    # mean aggregation of neighbor messages (gather + scatter-add)
    msgs = jnp.take(x, src, axis=0)
    summed = jax.ops.segment_sum(msgs, dst, num_segments=n_nodes)
    cnt = jax.ops.segment_sum(jnp.ones((src.shape[0], 1), jnp.float32), dst, num_segments=n_nodes)
    mean = summed / jnp.maximum(cnt, 1.0)
    return mean @ W_l + b_l + x @ W_r


def reference(x, edge_index, W1_l, b1, W1_r, W2_l, b2, W2_r, W_lin, b_lin):
    src = edge_index[0]
    dst = edge_index[1]
    n = x.shape[0]
    h = _sage_conv(x, src, dst, W1_l, b1, W1_r, n)
    h = jax.nn.relu(h)
    # dropout is identity in eval mode
    h = _sage_conv(h, src, dst, W2_l, b2, W2_r, n)
    h = jax.nn.relu(h)
    h = h @ W_lin + b_lin
    return jax.nn.log_softmax(h, axis=1)

if __name__ == "__main__":
    import jax
    _d = setup_inputs()
    print(jax.jit(kernel)(*tuple(_d.values())))

</pallas_src>

<mosaic_0001>
#map = affine_map<(d0, d1) -> (0, 0)>
#map1 = affine_map<(d0, d1) -> (0, 0, 0, 0)>
module attributes {stable_mosaic.version = 14 : i64} {
  func.func @body(%arg0: i32, %arg1: i32, %arg2: memref<10240x128xf32, #tpu.memory_space<hbm>>, %arg3: memref<32x2x125x80xi32, #tpu.memory_space<hbm>>, %arg4: memref<20480x128xf32, #tpu.memory_space<hbm>>, %arg5: memref<2x64x80xi32, #tpu.memory_space<vmem>>, %arg6: memref<2x80x128xf32, #tpu.memory_space<vmem>>, %arg7: memref<10240x128xf32, #tpu.memory_space<vmem_shared>>, %arg8: memref<!tpu.dma_semaphore, #tpu.memory_space<semaphore_mem>>) attributes {dimension_semantics = [#tpu.dimension_semantics<core_parallel>, #tpu.dimension_semantics<subcore_parallel>], iteration_bounds = array<i64: 2, 16>, scalar_prefetch = 0 : i64, scratch_operands = 4 : i64, tpu.core_type = #tpu.core_type<sc_vector_subcore>, window_params = [{transform_indices = #map}, {transform_indices = #map1}, {transform_indices = #map}]} {
    %mul3A = arith.constant 16 : i32
    %mul3A_0 = arith.muli %arg0, %mul3A : i32
    %add3A = arith.addi %mul3A_0, %arg1 : i32
    %scan3A = arith.constant 0 : i32
    %scan3A_1 = arith.constant 0 : i32
    %scan3A_2 = arith.constant 80 : i32
    %scan3A_3 = arith.addi %scan3A_1, %scan3A_2 : i32
    %scan3A_4 = arith.constant 1 : i32
    scf.for %scan3A_69 = %scan3A_1 to %scan3A_3 step %scan3A_4  : i32 {
      %broadcast_in_dim3A = arith.constant 0.000000e+00 : f32
      %broadcast_in_dim3A_70 = vector.broadcast %broadcast_in_dim3A : f32 to vector<16xf32>
      %swap3A = arith.constant 0 : i32
      %swap3A_71 = arith.index_cast %swap3A : i32 to index
      %swap3A_72 = arith.index_cast %scan3A_69 : i32 to index
      %swap3A_73 = arith.constant 0 : index
      %swap3A_74 = tpu.vector_load %arg6[%swap3A_71, %swap3A_72, %swap3A_73] {strides = array<i32>} : memref<2x80x128xf32, #tpu.memory_space<vmem>>, vector<1x1x16xf32>,
      %swap3A_75 = vector.shape_cast %swap3A_74 : vector<1x1x16xf32> to vector<16xf32>
      %swap3A_76 = vector.shape_cast %broadcast_in_dim3A_70 : vector<16xf32> to vector<1x1x16xf32>
      tpu.vector_store %arg6[%swap3A_71, %swap3A_72, %swap3A_73], %swap3A_76 {strides = array<i32>} : memref<2x80x128xf32, #tpu.memory_space<vmem>>, vector<1x1x16xf32>,
      %broadcast_in_dim3A_77 = arith.constant 0.000000e+00 : f32
      %broadcast_in_dim3A_78 = vector.broadcast %broadcast_in_dim3A_77 : f32 to vector<16xf32>
      %swap3A_79 = arith.constant 0 : i32
      %swap3A_80 = arith.index_cast %swap3A_79 : i32 to index
      %swap3A_81 = arith.index_cast %scan3A_69 : i32 to index
      %swap3A_82 = arith.constant 16 : index
      %swap3A_83 = tpu.vector_load %arg6[%swap3A_80, %swap3A_81, %swap3A_82] {strides = array<i32>} : memref<2x80x128xf32, #tpu.memory_space<vmem>>, vector<1x1x16xf32>,
      %swap3A_84 = vector.shape_cast %swap3A_83 : vector<1x1x16xf32> to vector<16xf32>
      %swap3A_85 = vector.shape_cast %broadcast_in_dim3A_78 : vector<16xf32> to vector<1x1x16xf32>
      tpu.vector_store %arg6[%swap3A_80, %swap3A_81, %swap3A_82], %swap3A_85 {strides = array<i32>} : memref<2x80x128xf32, #tpu.memory_space<vmem>>, vector<1x1x16xf32>,
      %broadcast_in_dim3A_86 = arith.constant 0.000000e+00 : f32
      %broadcast_in_dim3A_87 = vector.broadcast %broadcast_in_dim3A_86 : f32 to vector<16xf32>
      %swap3A_88 = arith.constant 0 : i32
      %swap3A_89 = arith.index_cast %swap3A_88 : i32 to index
      %swap3A_90 = arith.index_cast %scan3A_69 : i32 to index
      %swap3A_91 = arith.constant 32 : index
      %swap3A_92 = tpu.vector_load %arg6[%swap3A_89, %swap3A_90, %swap3A_91] {strides = array<i32>} : memref<2x80x128xf32, #tpu.memory_space<vmem>>, vector<1x1x16xf32>,
      %swap3A_93 = vector.shape_cast %swap3A_92 : vector<1x1x16xf32> to vector<16xf32>
      %swap3A_94 = vector.shape_cast %broadcast_in_dim3A_87 : vector<16xf32> to vector<1x1x16xf32>
      tpu.vector_store %arg6[%swap3A_89, %swap3A_90, %swap3A_91], %swap3A_94 {strides = array<i32>} : memref<2x80x128xf32, #tpu.memory_space<vmem>>, vector<1x1x16xf32>,
      %broadcast_in_dim3A_95 = arith.constant 0.000000e+00 : f32
      %broadcast_in_dim3A_96 = vector.broadcast %broadcast_in_dim3A_95 : f32 to vector<16xf32>
      %swap3A_97 = arith.constant 0 : i32
      %swap3A_98 = arith.index_cast %swap3A_97 : i32 to index
      %swap3A_99 = arith.index_cast %scan3A_69 : i32 to index
      %swap3A_100 = arith.constant 48 : index
      %swap3A_101 = tpu.vector_load %arg6[%swap3A_98, %swap3A_99, %swap3A_100] {strides = array<i32>} : memref<2x80x128xf32, #tpu.memory_space<vmem>>, vector<1x1x16xf32>,
      %swap3A_102 = vector.shape_cast %swap3A_101 : vector<1x1x16xf32> to vector<16xf32>
      %swap3A_103 = vector.shape_cast %broadcast_in_dim3A_96 : vector<16xf32> to vector<1x1x16xf32>
      tpu.vector_store %arg6[%swap3A_98, %swap3A_99, %swap3A_100], %swap3A_103 {strides = array<i32>} : memref<2x80x128xf32, #tpu.memory_space<vmem>>, vector<1x1x16xf32>,
      %broadcast_in_dim3A_104 = arith.constant 0.000000e+00 : f32
      %broadcast_in_dim3A_105 = vector.broadcast %broadcast_in_dim3A_104 : f32 to vector<16xf32>
      %swap3A_106 = arith.constant 0 : i32
      %swap3A_107 = arith.index_cast %swap3A_106 : i32 to index
      %swap3A_108 = arith.index_cast %scan3A_69 : i32 to index
      %swap3A_109 = arith.constant 64 : index
      %swap3A_110 = tpu.vector_load %arg6[%swap3A_107, %swap3A_108, %swap3A_109] {strides = array<i32>} : memref<2x80x128xf32, #tpu.memory_space<vmem>>, vector<1x1x16xf32>,
      %swap3A_111 = vector.shape_cast %swap3A_110 : vector<1x1x16xf32> to vector<16xf32>
      %swap3A_112 = vector.shape_cast %broadcast_in_dim3A_105 : vector<16xf32> to vector<1x1x16xf32>
      tpu.vector_store %arg6[%swap3A_107, %swap3A_108, %swap3A_109], %swap3A_112 {strides = array<i32>} : memref<2x80x128xf32, #tpu.memory_space<vmem>>, vector<1x1x16xf32>,
      %broadcast_in_dim3A_113 = arith.constant 0.000000e+00 : f32
      %broadcast_in_dim3A_114 = vector.broadcast %broadcast_in_dim3A_113 : f32 to vector<16xf32>
      %swap3A_115 = arith.constant 0 : i32
      %swap3A_116 = arith.index_cast %swap3A_115 : i32 to index
      %swap3A_117 = arith.index_cast %scan3A_69 : i32 to index
      %swap3A_118 = arith.constant 80 : index
      %swap3A_119 = tpu.vector_load %arg6[%swap3A_116, %swap3A_117, %swap3A_118] {strides = array<i32>} : memref<2x80x128xf32, #tpu.memory_space<vmem>>, vector<1x1x16xf32>,
      %swap3A_120 = vector.shape_cast %swap3A_119 : vector<1x1x16xf32> to vector<16xf32>
      %swap3A_121 = vector.shape_cast %broadcast_in_dim3A_114 : vector<16xf32> to vector<1x1x16xf32>
      tpu.vector_store %arg6[%swap3A_116, %swap3A_117, %swap3A_118], %swap3A_121 {strides = array<i32>} : memref<2x80x128xf32, #tpu.memory_space<vmem>>, vector<1x1x16xf32>,
      %broadcast_in_dim3A_122 = arith.constant 0.000000e+00 : f32
      %broadcast_in_dim3A_123 = vector.broadcast %broadcast_in_dim3A_122 : f32 to vector<16xf32>
      %swap3A_124 = arith.constant 0 : i32
      %swap3A_125 = arith.index_cast %swap3A_124 : i32 to index
      %swap3A_126 = arith.index_cast %scan3A_69 : i32 to index
      %swap3A_127 = arith.constant 96 : index
      %swap3A_128 = tpu.vector_load %arg6[%swap3A_125, %swap3A_126, %swap3A_127] {strides = array<i32>} : memref<2x80x128xf32, #tpu.memory_space<vmem>>, vector<1x1x16xf32>,
      %swap3A_129 = vector.shape_cast %swap3A_128 : vector<1x1x16xf32> to vector<16xf32>
      %swap3A_130 = vector.shape_cast %broadcast_in_dim3A_123 : vector<16xf32> to vector<1x1x16xf32>
      tpu.vector_store %arg6[%swap3A_125, %swap3A_126, %swap3A_127], %swap3A_130 {strides = array<i32>} : memref<2x80x128xf32, #tpu.memory_space<vmem>>, vector<1x1x16xf32>,
      %broadcast_in_dim3A_131 = arith.constant 0.000000e+00 : f32
      %broadcast_in_dim3A_132 = vector.broadcast %broadcast_in_dim3A_131 : f32 to vector<16xf32>
      %swap3A_133 = arith.constant 0 : i32
      %swap3A_134 = arith.index_cast %swap3A_133 : i32 to index
      %swap3A_135 = arith.index_cast %scan3A_69 : i32 to index
      %swap3A_136 = arith.constant 112 : index
      %swap3A_137 = tpu.vector_load %arg6[%swap3A_134, %swap3A_135, %swap3A_136] {strides = array<i32>} : memref<2x80x128xf32, #tpu.memory_space<vmem>>, vector<1x1x16xf32>,
      %swap3A_138 = vector.shape_cast %swap3A_137 : vector<1x1x16xf32> to vector<16xf32>
      %swap3A_139 = vector.shape_cast %broadcast_in_dim3A_132 : vector<16xf32> to vector<1x1x16xf32>
      tpu.vector_store %arg6[%swap3A_134, %swap3A_135, %swap3A_136], %swap3A_139 {strides = array<i32>} : memref<2x80x128xf32, #tpu.memory_space<vmem>>, vector<1x1x16xf32>,
    }
    %scan3A_5 = arith.constant 80 : i32
    %scan3A_6 = arith.constant 0 : i32
    %scan3A_7 = arith.constant 0 : i32
    %scan3A_8 = arith.constant 8 : i32
    %scan3A_9 = arith.addi %scan3A_7, %scan3A_8 : i32
    %scan3A_10 = arith.constant 1 : i32
    scf.for %scan3A_69 = %scan3A_7 to %scan3A_9 step %scan3A_10  : i32 {
      %mul3A_70 = arith.constant 640 : i32
      %mul3A_71 = arith.muli %arg1, %mul3A_70 : i32
      %mul3A_72 = arith.constant 80 : i32
      %mul3A_73 = arith.muli %scan3A_69, %mul3A_72 : i32
      %add3A_74 = arith.addi %mul3A_71, %mul3A_73 : i32
      %run_scoped3A = arith.constant 0 : i32
      "tpu.region"() ({
        %run_scoped3A_75 = tpu.sem_alloc : memref<!tpu.dma_semaphore, #tpu.memory_space<semaphore_mem>>
        %dma_start3A_76 = arith.constant 0 : i32
        %dma_start3A_77 = arith.constant 0 : i32
        %dma_start3A_78 = tpu.memref_slice %arg6[%run_scoped3A, %dma_start3A_76, %dma_start3A_77] : memref<2x80x128xf32, #tpu.memory_space<vmem>> -> memref<1x80x128xf32, #tpu.memory_space<vmem>>
        %dma_start3A_79 = tpu.memref_squeeze %dma_start3A_78 : memref<1x80x128xf32, #tpu.memory_space<vmem>> -> memref<80x128xf32, #tpu.memory_space<vmem>>
        %dma_start3A_80 = arith.constant 0 : i32
        %dma_start3A_81 = tpu.memref_slice %arg7[%add3A_74, %dma_start3A_80] : memref<10240x128xf32, #tpu.memory_space<vmem_shared>> -> memref<80x128xf32, #tpu.memory_space<vmem_shared>>
        %dma_start3A_82 = arith.constant 0 : i32
        %dma_start3A_83 = tpu.memref_slice %arg7[%add3A_74, %dma_start3A_82] : memref<10240x128xf32, #tpu.memory_space<vmem_shared>> -> memref<80x128xf32, #tpu.memory_space<vmem_shared>>
        %dma_start3A_84 = arith.constant 0 : i32
        %dma_start3A_85 = arith.constant 0 : i32
        %dma_start3A_86 = tpu.memref_slice %arg6[%run_scoped3A, %dma_start3A_84, %dma_start3A_85] : memref<2x80x128xf32, #tpu.memory_space<vmem>> -> memref<1x80x128xf32, #tpu.memory_space<vmem>>
        %dma_start3A_87 = tpu.memref_squeeze %dma_start3A_86 : memref<1x80x128xf32, #tpu.memory_space<vmem>> -> memref<80x128xf32, #tpu.memory_space<vmem>>
        tpu.enqueue_dma source(%dma_start3A_87 : memref<80x128xf32, #tpu.memory_space<vmem>>) target(%dma_start3A_83 : memref<80x128xf32, #tpu.memory_space<vmem_shared>>) target_semaphore(%run_scoped3A_75 : memref<!tpu.dma_semaphore, #tpu.memory_space<semaphore_mem>>)
        %dma_wait3A = arith.constant 0 : i32
        %dma_wait3A_88 = arith.constant 0 : i32
        %dma_wait3A_89 = tpu.memref_slice %arg6[%run_scoped3A, %dma_wait3A, %dma_wait3A_88] : memref<2x80x128xf32, #tpu.memory_space<vmem>> -> memref<1x80x128xf32, #tpu.memory_space<vmem>>
        %dma_wait3A_90 = tpu.memref_squeeze %dma_wait3A_89 : memref<1x80x128xf32, #tpu.memory_space<vmem>> -> memref<80x128xf32, #tpu.memory_space<vmem>>
        %dma_wait3A_91 = arith.constant 0 : i32
        %dma_wait3A_92 = tpu.memref_slice %arg7[%add3A_74, %dma_wait3A_91] : memref<10240x128xf32, #tpu.memory_space<vmem_shared>> -> memref<80x128xf32, #tpu.memory_space<vmem_shared>>
        %dma_wait3A_93 = arith.constant 0 : i32
        %dma_wait3A_94 = tpu.memref_slice %arg7[%add3A_74, %dma_wait3A_93] : memref<10240x128xf32, #tpu.memory_space<vmem_shared>> -> memref<80x128xf32, #tpu.memory_space<vmem_shared>>
        %dma_wait3A_95 = arith.constant 0 : i32
        %dma_wait3A_96 = arith.constant 0 : i32
        %dma_wait3A_97 = tpu.memref_slice %arg6[%run_scoped3A, %dma_wait3A_95, %dma_wait3A_96] : memref<2x80x128xf32, #tpu.memory_space<vmem>> -> memref<1x80x128xf32, #tpu.memory_space<vmem>>
        %dma_wait3A_98 = tpu.memref_squeeze %dma_wait3A_97 : memref<1x80x128xf32, #tpu.memory_space<vmem>> -> memref<80x128xf32, #tpu.memory_space<vmem>>
        tpu.wait_dma2 semaphore(%run_scoped3A_75 : memref<!tpu.dma_semaphore, #tpu.memory_space<semaphore_mem>>) src(%dma_wait3A_98 : memref<80x128xf32, #tpu.memory_space<vmem>>) dst(%dma_wait3A_94 : memref<80x128xf32, #tpu.memory_space<vmem_shared>>)
        tpu.yield
      }) : () -> ()
    }
    %scan3A_11 = arith.constant 8 : i32
    "tpu.region"() ({
      %run_scoped3A = tpu.sem_alloc : memref<!tpu.dma_semaphore, #tpu.memory_space<semaphore_mem>>
      %dma_start3A_69 = arith.constant 0 : i32
      %dma_start3A_70 = arith.constant 0 : i32
      %dma_start3A_71 = arith.constant 0 : i32
      %dma_start3A_72 = tpu.memref_slice %arg3[%add3A, %dma_start3A_69, %dma_start3A_70, %dma_start3A_71] : memref<32x2x125x80xi32, #tpu.memory_space<hbm>> -> memref<1x2x64x80xi32, #tpu.memory_space<hbm>>
      %dma_start3A_73 = tpu.memref_squeeze %dma_start3A_72 : memref<1x2x64x80xi32, #tpu.memory_space<hbm>> -> memref<2x64x80xi32, #tpu.memory_space<hbm>>
      %dma_start3A_74 = arith.constant 0 : i32
      %dma_start3A_75 = arith.constant 0 : i32
      %dma_start3A_76 = arith.constant 0 : i32
      %dma_start3A_77 = tpu.memref_slice %arg3[%add3A, %dma_start3A_74, %dma_start3A_75, %dma_start3A_76] : memref<32x2x125x80xi32, #tpu.memory_space<hbm>> -> memref<1x2x64x80xi32, #tpu.memory_space<hbm>>
      %dma_start3A_78 = tpu.memref_squeeze %dma_start3A_77 : memref<1x2x64x80xi32, #tpu.memory_space<hbm>> -> memref<2x64x80xi32, #tpu.memory_space<hbm>>
      tpu.enqueue_dma source(%dma_start3A_78 : memref<2x64x80xi32, #tpu.memory_space<hbm>>) target(%arg5 : memref<2x64x80xi32, #tpu.memory_space<vmem>>) target_semaphore(%run_scoped3A : memref<!tpu.dma_semaphore, #tpu.memory_space<semaphore_mem>>)
      %dma_wait3A = arith.constant 0 : i32
      %dma_wait3A_79 = arith.constant 0 : i32
      %dma_wait3A_80 = arith.constant 0 : i32
      %dma_wait3A_81 = tpu.memref_slice %arg3[%add3A, %dma_wait3A, %dma_wait3A_79, %dma_wait3A_80] : memref<32x2x125x80xi32, #tpu.memory_space<hbm>> -> memref<1x2x64x80xi32, #tpu.memory_space<hbm>>
      %dma_wait3A_82 = tpu.memref_squeeze %dma_wait3A_81 : memref<1x2x64x80xi32, #tpu.memory_space<hbm>> -> memref<2x64x80xi32, #tpu.memory_space<hbm>>
      %dma_wait3A_83 = arith.constant 0 : i32
      %dma_wait3A_84 = arith.constant 0 : i32
      %dma_wait3A_85 = arith.constant 0 : i32
      %dma_wait3A_86 = tpu.memref_slice %arg3[%add3A, %dma_wait3A_83, %dma_wait3A_84, %dma_wait3A_85] : memref<32x2x125x80xi32, #tpu.memory_space<hbm>> -> memref<1x2x64x80xi32, #tpu.memory_space<hbm>>
      %dma_wait3A_87 = tpu.memref_squeeze %dma_wait3A_86 : memref<1x2x64x80xi32, #tpu.memory_space<hbm>> -> memref<2x64x80xi32, #tpu.memory_space<hbm>>
      tpu.wait_dma2 semaphore(%run_scoped3A : memref<!tpu.dma_semaphore, #tpu.memory_space<semaphore_mem>>) src(%dma_wait3A_87 : memref<2x64x80xi32, #tpu.memory_space<hbm>>) dst(%arg5 : memref<2x64x80xi32, #tpu.memory_space<vmem>>)
      tpu.yield
    }) : () -> ()
    %barrier3A = arith.constant 0 : index
    tpu.barrier barrier_id(%barrier3A)
    %dma_start3A = arith.constant 0 : i32
    %dma_start3A_12 = arith.constant 0 : i32
    %dma_start3A_13 = arith.constant 0 : i32
    %dma_start3A_14 = arith.constant 0 : i32
    %dma_start3A_15 = arith.constant 0 : i32
    %dma_start3A_16 = tpu.memref_slice %arg6[%dma_start3A_13, %dma_start3A_14, %dma_start3A_15] : memref<2x80x128xf32, #tpu.memory_space<vmem>> -> memref<1x80x128xf32, #tpu.memory_space<vmem>>
    %dma_start3A_17 = tpu.memref_squeeze %dma_start3A_16 : memref<1x80x128xf32, #tpu.memory_space<vmem>> -> memref<80x128xf32, #tpu.memory_space<vmem>>
    %dma_start3A_18 = arith.constant 0 : i32
    %dma_start3A_19 = arith.constant 0 : i32
    %dma_start3A_20 = tpu.memref_slice %arg5[%dma_start3A, %dma_start3A_18, %dma_start3A_19] : memref<2x64x80xi32, #tpu.memory_space<vmem>> -> memref<1x64x80xi32, #tpu.memory_space<vmem>>
    %dma_start3A_21 = tpu.memref_squeeze %dma_start3A_20 : memref<1x64x80xi32, #tpu.memory_space<vmem>> -> memref<64x80xi32, #tpu.memory_space<vmem>>
    %dma_start3A_22 = arith.constant 0 : i32
    %dma_start3A_23 = tpu.memref_slice %dma_start3A_21[%dma_start3A_12, %dma_start3A_22] : memref<64x80xi32, #tpu.memory_space<vmem>> -> memref<1x80xi32, #tpu.memory_space<vmem>>
    %dma_start3A_24 = tpu.memref_squeeze %dma_start3A_23 : memref<1x80xi32, #tpu.memory_space<vmem>> -> memref<80xi32, #tpu.memory_space<vmem>>
    %dma_start3A_25 = arith.constant 0 : i32
    %dma_start3A_26 = arith.constant 0 : i32
    %dma_start3A_27 = tpu.memref_slice %arg2[%dma_start3A_25, %dma_start3A_26] : memref<10240x128xf32, #tpu.memory_space<hbm>> -> memref<10240x128xf32, #tpu.memory_space<hbm>>
    tpu.enqueue_indirect_dma source(%dma_start3A_27 : memref<10240x128xf32, #tpu.memory_space<hbm>>) target(%dma_start3A_17 : memref<80x128xf32, #tpu.memory_space<vmem>>) offsets(%dma_start3A_24 : memref<80xi32, #tpu.memory_space<vmem>>) semaphore(%arg8 : memref<!tpu.dma_semaphore, #tpu.memory_space<semaphore_mem>>)
    %scan3A_28 = arith.constant 0 : i32
    %scan3A_29 = arith.constant 0 : i32
    %scan3A_30 = arith.constant 1 : i32
    %scan3A_31 = arith.constant 0 : i32
    %scan3A_32 = arith.constant 64 : i32
    %scan3A_33 = arith.addi %scan3A_31, %scan3A_32 : i32
    %scan3A_34 = arith.constant 1 : i32
    scf.for %scan3A_69 = %scan3A_31 to %scan3A_33 step %scan3A_34  : i32 {
      %rem3A = arith.constant 2 : i32
      %rem3A_70 = arith.remsi %scan3A_69, %rem3A : i32
      %sub3A = arith.constant 1 : i32
      %sub3A_71 = arith.subi %sub3A, %rem3A_70 : i32
      %dma_wait3A = arith.constant 0 : i32
      %dma_wait3A_72 = arith.constant 0 : i32
      %dma_wait3A_73 = tpu.memref_slice %arg6[%rem3A_70, %dma_wait3A, %dma_wait3A_72] : memref<2x80x128xf32, #tpu.memory_space<vmem>> -> memref<1x80x128xf32, #tpu.memory_space<vmem>>
      %dma_wait3A_74 = tpu.memref_squeeze %dma_wait3A_73 : memref<1x80x128xf32, #tpu.memory_space<vmem>> -> memref<80x128xf32, #tpu.memory_space<vmem>>
      %dma_wait3A_75 = arith.constant 0 : i32
      %dma_wait3A_76 = arith.constant 0 : i32
      %dma_wait3A_77 = tpu.memref_slice %arg5[%scan3A_29, %dma_wait3A_75, %dma_wait3A_76] : memref<2x64x80xi32, #tpu.memory_space<vmem>> -> memref<1x64x80xi32, #tpu.memory_space<vmem>>
      %dma_wait3A_78 = tpu.memref_squeeze %dma_wait3A_77 : memref<1x64x80xi32, #tpu.memory_space<vmem>> -> memref<64x80xi32, #tpu.memory_space<vmem>>
      %dma_wait3A_79 = arith.constant 0 : i32
      %dma_wait3A_80 = tpu.memref_slice %dma_wait3A_78[%scan3A_69, %dma_wait3A_79] : memref<64x80xi32, #tpu.memory_space<vmem>> -> memref<1x80xi32, #tpu.memory_space<vmem>>
      %dma_wait3A_81 = tpu.memref_squeeze %dma_wait3A_80 : memref<1x80xi32, #tpu.memory_space<vmem>> -> memref<80xi32, #tpu.memory_space<vmem>>
      %dma_wait3A_82 = arith.constant 0 : i32
      %dma_wait3A_83 = arith.constant 0 : i32
      %dma_wait3A_84 = tpu.memref_slice %arg2[%dma_wait3A_82, %dma_wait3A_83] : memref<10240x128xf32, #tpu.memory_space<hbm>> -> memref<10240x128xf32, #tpu.memory_space<hbm>>
      tpu.wait_indirect_dma semaphore(%arg8 : memref<!tpu.dma_semaphore, #tpu.memory_space<semaphore_mem>>) src(%dma_wait3A_84 : memref<10240x128xf32, #tpu.memory_space<hbm>>) dst(%dma_wait3A_74 : memref<80x128xf32, #tpu.memory_space<vmem>>)
      %add3A_85 = arith.constant 1 : i32
      %add3A_86 = arith.addi %scan3A_69, %add3A_85 : i32
      %lt3A = arith.constant 64 : i32
      %lt3A_87 = arith.cmpi slt, %add3A_86, %lt3A : i32
      %convert_element_type3A = arith.extui %lt3A_87 : i1 to i32
      %cond3A = arith.constant 0 : i32
      %cond3A_88 = arith.cmpi ne, %convert_element_type3A, %cond3A : i32
      scf.if %cond3A_88 {
        %add3A_89 = arith.constant 1 : i32
        %add3A_90 = arith.addi %scan3A_69, %add3A_89 : i32
        %dma_start3A_91 = arith.constant 0 : i32
        %dma_start3A_92 = arith.constant 0 : i32
        %dma_start3A_93 = tpu.memref_slice %arg6[%sub3A_71, %dma_start3A_91, %dma_start3A_92] : memref<2x80x128xf32, #tpu.memory_space<vmem>> -> memref<1x80x128xf32, #tpu.memory_space<vmem>>
        %dma_start3A_94 = tpu.memref_squeeze %dma_start3A_93 : memref<1x80x128xf32, #tpu.memory_space<vmem>> -> memref<80x128xf32, #tpu.memory_space<vmem>>
        %dma_start3A_95 = arith.constant 0 : i32
        %dma_start3A_96 = arith.constant 0 : i32
        %dma_start3A_97 = tpu.memref_slice %arg5[%scan3A_29, %dma_start3A_95, %dma_start3A_96] : memref<2x64x80xi32, #tpu.memory_space<vmem>> -> memref<1x64x80xi32, #tpu.memory_space<vmem>>
        %dma_start3A_98 = tpu.memref_squeeze %dma_start3A_97 : memref<1x64x80xi32, #tpu.memory_space<vmem>> -> memref<64x80xi32, #tpu.memory_space<vmem>>
        %dma_start3A_99 = arith.constant 0 : i32
        %dma_start3A_100 = tpu.memref_slice %dma_start3A_98[%add3A_90, %dma_start3A_99] : memref<64x80xi32, #tpu.memory_space<vmem>> -> memref<1x80xi32, #tpu.memory_space<vmem>>
        %dma_start3A_101 = tpu.memref_squeeze %dma_start3A_100 : memref<1x80xi32, #tpu.memory_space<vmem>> -> memref<80xi32, #tpu.memory_space<vmem>>
        %dma_start3A_102 = arith.constant 0 : i32
        %dma_start3A_103 = arith.constant 0 : i32
        %dma_start3A_104 = tpu.memref_slice %arg2[%dma_start3A_102, %dma_start3A_103] : memref<10240x128xf32, #tpu.memory_space<hbm>> -> memref<10240x128xf32, #tpu.memory_space<hbm>>
        tpu.enqueue_indirect_dma source(%dma_start3A_104 : memref<10240x128xf32, #tpu.memory_space<hbm>>) target(%dma_start3A_94 : memref<80x128xf32, #tpu.memory_space<vmem>>) offsets(%dma_start3A_101 : memref<80xi32, #tpu.memory_space<vmem>>) semaphore(%arg8 : memref<!tpu.dma_semaphore, #tpu.memory_space<semaphore_mem>>)
      } else {
      }
      "tpu.region"() ({
        %run_scoped3A = tpu.sem_alloc : memref<!tpu.dma_semaphore, #tpu.memory_space<semaphore_mem>>
        %dma_start3A_89 = arith.constant 0 : i32
        %dma_start3A_90 = arith.constant 0 : i32
        %dma_start3A_91 = tpu.memref_slice %arg6[%rem3A_70, %dma_start3A_89, %dma_start3A_90] : memref<2x80x128xf32, #tpu.memory_space<vmem>> -> memref<1x80x128xf32, #tpu.memory_space<vmem>>
        %dma_start3A_92 = tpu.memref_squeeze %dma_start3A_91 : memref<1x80x128xf32, #tpu.memory_space<vmem>> -> memref<80x128xf32, #tpu.memory_space<vmem>>
        %dma_start3A_93 = arith.constant 0 : i32
        %dma_start3A_94 = arith.constant 0 : i32
        %dma_start3A_95 = tpu.memref_slice %arg5[%scan3A_30, %dma_start3A_93, %dma_start3A_94] : memref<2x64x80xi32, #tpu.memory_space<vmem>> -> memref<1x64x80xi32, #tpu.memory_space<vmem>>
        %dma_start3A_96 = tpu.memref_squeeze %dma_start3A_95 : memref<1x64x80xi32, #tpu.memory_space<vmem>> -> memref<64x80xi32, #tpu.memory_space<vmem>>
        %dma_start3A_97 = arith.constant 0 : i32
        %dma_start3A_98 = tpu.memref_slice %dma_start3A_96[%scan3A_69, %dma_start3A_97] : memref<64x80xi32, #tpu.memory_space<vmem>> -> memref<1x80xi32, #tpu.memory_space<vmem>>
        %dma_start3A_99 = tpu.memref_squeeze %dma_start3A_98 : memref<1x80xi32, #tpu.memory_space<vmem>> -> memref<80xi32, #tpu.memory_space<vmem>>
        %dma_start3A_100 = arith.constant 0 : i32
        %dma_start3A_101 = arith.constant 0 : i32
        %dma_start3A_102 = tpu.memref_slice %arg7[%dma_start3A_100, %dma_start3A_101] : memref<10240x128xf32, #tpu.memory_space<vmem_shared>> -> memref<10240x128xf32, #tpu.memory_space<vmem_shared>>
        tpu.enqueue_indirect_dma source(%dma_start3A_92 : memref<80x128xf32, #tpu.memory_space<vmem>>) target(%dma_start3A_102 : memref<10240x128xf32, #tpu.memory_space<vmem_shared>>) offsets(%dma_start3A_99 : memref<80xi32, #tpu.memory_space<vmem>>) semaphore(%run_scoped3A : memref<!tpu.dma_semaphore, #tpu.memory_space<semaphore_mem>>) {add = true}
        %dma_wait3A_103 = arith.constant 0 : i32
        %dma_wait3A_104 = arith.constant 0 : i32
        %dma_wait3A_105 = tpu.memref_slice %arg6[%rem3A_70, %dma_wait3A_103, %dma_wait3A_104] : memref<2x80x128xf32, #tpu.memory_space<vmem>> -> memref<1x80x128xf32, #tpu.memory_space<vmem>>
        %dma_wait3A_106 = tpu.memref_squeeze %dma_wait3A_105 : memref<1x80x128xf32, #tpu.memory_space<vmem>> -> memref<80x128xf32, #tpu.memory_space<vmem>>
        %dma_wait3A_107 = arith.constant 0 : i32
        %dma_wait3A_108 = arith.constant 0 : i32
        %dma_wait3A_109 = tpu.memref_slice %arg5[%scan3A_30, %dma_wait3A_107, %dma_wait3A_108] : memref<2x64x80xi32, #tpu.memory_space<vmem>> -> memref<1x64x80xi32, #tpu.memory_space<vmem>>
        %dma_wait3A_110 = tpu.memref_squeeze %dma_wait3A_109 : memref<1x64x80xi32, #tpu.memory_space<vmem>> -> memref<64x80xi32, #tpu.memory_space<vmem>>
        %dma_wait3A_111 = arith.constant 0 : i32
        %dma_wait3A_112 = tpu.memref_slice %dma_wait3A_110[%scan3A_69, %dma_wait3A_111] : memref<64x80xi32, #tpu.memory_space<vmem>> -> memref<1x80xi32, #tpu.memory_space<vmem>>
        %dma_wait3A_113 = tpu.memref_squeeze %dma_wait3A_112 : memref<1x80xi32, #tpu.memory_space<vmem>> -> memref<80xi32, #tpu.memory_space<vmem>>
        %dma_wait3A_114 = arith.constant 0 : i32
        %dma_wait3A_115 = arith.constant 0 : i32
        %dma_wait3A_116 = tpu.memref_slice %arg7[%dma_wait3A_114, %dma_wait3A_115] : memref<10240x128xf32, #tpu.memory_space<vmem_shared>> -> memref<10240x128xf32, #tpu.memory_space<vmem_shared>>
        tpu.wait_indirect_dma semaphore(%run_scoped3A : memref<!tpu.dma_semaphore, #tpu.memory_space<semaphore_mem>>) src(%dma_wait3A_106 : memref<80x128xf32, #tpu.memory_space<vmem>>) dst(%dma_wait3A_116 : memref<10240x128xf32, #tpu.memory_space<vmem_shared>>)
        tpu.yield
      }) : () -> ()
    }
    %scan3A_35 = arith.constant 64 : i32
    "tpu.region"() ({
      %run_scoped3A = tpu.sem_alloc : memref<!tpu.dma_semaphore, #tpu.memory_space<semaphore_mem>>
      %dma_start3A_69 = arith.constant 0 : i32
      %dma_start3A_70 = arith.constant 0 : i32
      %dma_start3A_71 = arith.constant 0 : i32
      %dma_start3A_72 = tpu.memref_slice %arg5[%dma_start3A_69, %dma_start3A_70, %dma_start3A_71] : memref<2x64x80xi32, #tpu.memory_space<vmem>> -> memref<2x61x80xi32, #tpu.memory_space<vmem>>
      %dma_start3A_73 = arith.constant 0 : i32
      %dma_start3A_74 = arith.constant 64 : i32
      %dma_start3A_75 = arith.constant 0 : i32
      %dma_start3A_76 = tpu.memref_slice %arg3[%add3A, %dma_start3A_73, %dma_start3A_74, %dma_start3A_75] : memref<32x2x125x80xi32, #tpu.memory_space<hbm>> -> memref<1x2x61x80xi32, #tpu.memory_space<hbm>>
      %dma_start3A_77 = tpu.memref_squeeze %dma_start3A_76 : memref<1x2x61x80xi32, #tpu.memory_space<hbm>> -> memref<2x61x80xi32, #tpu.memory_space<hbm>>
      %dma_start3A_78 = arith.constant 0 : i32
      %dma_start3A_79 = arith.constant 0 : i32
      %dma_start3A_80 = arith.constant 0 : i32
      %dma_start3A_81 = tpu.memref_slice %arg5[%dma_start3A_78, %dma_start3A_79, %dma_start3A_80] : memref<2x64x80xi32, #tpu.memory_space<vmem>> -> memref<2x61x80xi32, #tpu.memory_space<vmem>>
      %dma_start3A_82 = arith.constant 0 : i32
      %dma_start3A_83 = arith.constant 64 : i32
      %dma_start3A_84 = arith.constant 0 : i32
      %dma_start3A_85 = tpu.memref_slice %arg3[%add3A, %dma_start3A_82, %dma_start3A_83, %dma_start3A_84] : memref<32x2x125x80xi32, #tpu.memory_space<hbm>> -> memref<1x2x61x80xi32, #tpu.memory_space<hbm>>
      %dma_start3A_86 = tpu.memref_squeeze %dma_start3A_85 : memref<1x2x61x80xi32, #tpu.memory_space<hbm>> -> memref<2x61x80xi32, #tpu.memory_space<hbm>>
      tpu.enqueue_dma source(%dma_start3A_86 : memref<2x61x80xi32, #tpu.memory_space<hbm>>) target(%dma_start3A_81 : memref<2x61x80xi32, #tpu.memory_space<vmem>>) target_semaphore(%run_scoped3A : memref<!tpu.dma_semaphore, #tpu.memory_space<semaphore_mem>>)
      %dma_wait3A = arith.constant 0 : i32
      %dma_wait3A_87 = arith.constant 0 : i32
      %dma_wait3A_88 = arith.constant 0 : i32
      %dma_wait3A_89 = tpu.memref_slice %arg5[%dma_wait3A, %dma_wait3A_87, %dma_wait3A_88] : memref<2x64x80xi32, #tpu.memory_space<vmem>> -> memref<2x61x80xi32, #tpu.memory_space<vmem>>
      %dma_wait3A_90 = arith.constant 0 : i32
      %dma_wait3A_91 = arith.constant 64 : i32
      %dma_wait3A_92 = arith.constant 0 : i32
      %dma_wait3A_93 = tpu.memref_slice %arg3[%add3A, %dma_wait3A_90, %dma_wait3A_91, %dma_wait3A_92] : memref<32x2x125x80xi32, #tpu.memory_space<hbm>> -> memref<1x2x61x80xi32, #tpu.memory_space<hbm>>
      %dma_wait3A_94 = tpu.memref_squeeze %dma_wait3A_93 : memref<1x2x61x80xi32, #tpu.memory_space<hbm>> -> memref<2x61x80xi32, #tpu.memory_space<hbm>>
      %dma_wait3A_95 = arith.constant 0 : i32
      %dma_wait3A_96 = arith.constant 0 : i32
      %dma_wait3A_97 = arith.constant 0 : i32
      %dma_wait3A_98 = tpu.memref_slice %arg5[%dma_wait3A_95, %dma_wait3A_96, %dma_wait3A_97] : memref<2x64x80xi32, #tpu.memory_space<vmem>> -> memref<2x61x80xi32, #tpu.memory_space<vmem>>
      %dma_wait3A_99 = arith.constant 0 : i32
      %dma_wait3A_100 = arith.constant 64 : i32
      %dma_wait3A_101 = arith.constant 0 : i32
      %dma_wait3A_102 = tpu.memref_slice %arg3[%add3A, %dma_wait3A_99, %dma_wait3A_100, %dma_wait3A_101] : memref<32x2x125x80xi32, #tpu.memory_space<hbm>> -> memref<1x2x61x80xi32, #tpu.memory_space<hbm>>
      %dma_wait3A_103 = tpu.memref_squeeze %dma_wait3A_102 : memref<1x2x61x80xi32, #tpu.memory_space<hbm>> -> memref<2x61x80xi32, #tpu.memory_space<hbm>>
      tpu.wait_dma2 semaphore(%run_scoped3A : memref<!tpu.dma_semaphore, #tpu.memory_space<semaphore_mem>>) src(%dma_wait3A_103 : memref<2x61x80xi32, #tpu.memory_space<hbm>>) dst(%dma_wait3A_98 : memref<2x61x80xi32, #tpu.memory_space<vmem>>)
      tpu.yield
    }) : () -> ()
    %dma_start3A_36 = arith.constant 0 : i32
    %dma_start3A_37 = arith.constant 0 : i32
    %dma_start3A_38 = arith.constant 0 : i32
    %dma_start3A_39 = arith.constant 0 : i32
    %dma_start3A_40 = arith.constant 0 : i32
    %dma_start3A_41 = tpu.memref_slice %arg6[%dma_start3A_38, %dma_start3A_39, %dma_start3A_40] : memref<2x80x128xf32, #tpu.memory_space<vmem>> -> memref<1x80x128xf32, #tpu.memory_space<vmem>>
    %dma_start3A_42 = tpu.memref_squeeze %dma_start3A_41 : memref<1x80x128xf32, #tpu.memory_space<vmem>> -> memref<80x128xf32, #tpu.memory_space<vmem>>
    %dma_start3A_43 = arith.constant 0 : i32
    %dma_start3A_44 = arith.constant 0 : i32
    %dma_start3A_45 = tpu.memref_slice %arg5[%dma_start3A_36, %dma_start3A_43, %dma_start3A_44] : memref<2x64x80xi32, #tpu.memory_space<vmem>> -> memref<1x64x80xi32, #tpu.memory_space<vmem>>
    %dma_start3A_46 = tpu.memref_squeeze %dma_start3A_45 : memref<1x64x80xi32, #tpu.memory_space<vmem>> -> memref<64x80xi32, #tpu.memory_space<vmem>>
    %dma_start3A_47 = arith.constant 0 : i32
    %dma_start3A_48 = tpu.memref_slice %dma_start3A_46[%dma_start3A_37, %dma_start3A_47] : memref<64x80xi32, #tpu.memory_space<vmem>> -> memref<1x80xi32, #tpu.memory_space<vmem>>
    %dma_start3A_49 = tpu.memref_squeeze %dma_start3A_48 : memref<1x80xi32, #tpu.memory_space<vmem>> -> memref<80xi32, #tpu.memory_space<vmem>>
    %dma_start3A_50 = arith.constant 0 : i32
    %dma_start3A_51 = arith.constant 0 : i32
    %dma_start3A_52 = tpu.memref_slice %arg2[%dma_start3A_50, %dma_start3A_51] : memref<10240x128xf32, #tpu.memory_space<hbm>> -> memref<10240x128xf32, #tpu.memory_space<hbm>>
    tpu.enqueue_indirect_dma source(%dma_start3A_52 : memref<10240x128xf32, #tpu.memory_space<hbm>>) target(%dma_start3A_42 : memref<80x128xf32, #tpu.memory_space<vmem>>) offsets(%dma_start3A_49 : memref<80xi32, #tpu.memory_space<vmem>>) semaphore(%arg8 : memref<!tpu.dma_semaphore, #tpu.memory_space<semaphore_mem>>)
    %scan3A_53 = arith.constant 0 : i32
    %scan3A_54 = arith.constant 0 : i32
    %scan3A_55 = arith.constant 1 : i32
    %scan3A_56 = arith.constant 0 : i32
    %scan3A_57 = arith.constant 61 : i32
    %scan3A_58 = arith.addi %scan3A_56, %scan3A_57 : i32
    %scan3A_59 = arith.constant 1 : i32
    scf.for %scan3A_69 = %scan3A_56 to %scan3A_58 step %scan3A_59  : i32 {
      %rem3A = arith.constant 2 : i32
      %rem3A_70 = arith.remsi %scan3A_69, %rem3A : i32
      %sub3A = arith.constant 1 : i32
      %sub3A_71 = arith.subi %sub3A, %rem3A_70 : i32
      %dma_wait3A = arith.constant 0 : i32
      %dma_wait3A_72 = arith.constant 0 : i32
      %dma_wait3A_73 = tpu.memref_slice %arg6[%rem3A_70, %dma_wait3A, %dma_wait3A_72] : memref<2x80x128xf32, #tpu.memory_space<vmem>> -> memref<1x80x128xf32, #tpu.memory_space<vmem>>
      %dma_wait3A_74 = tpu.memref_squeeze %dma_wait3A_73 : memref<1x80x128xf32, #tpu.memory_space<vmem>> -> memref<80x128xf32, #tpu.memory_space<vmem>>
      %dma_wait3A_75 = arith.constant 0 : i32
      %dma_wait3A_76 = arith.constant 0 : i32
      %dma_wait3A_77 = tpu.memref_slice %arg5[%scan3A_54, %dma_wait3A_75, %dma_wait3A_76] : memref<2x64x80xi32, #tpu.memory_space<vmem>> -> memref<1x64x80xi32, #tpu.memory_space<vmem>>
      %dma_wait3A_78 = tpu.memref_squeeze %dma_wait3A_77 : memref<1x64x80xi32, #tpu.memory_space<vmem>> -> memref<64x80xi32, #tpu.memory_space<vmem>>
      %dma_wait3A_79 = arith.constant 0 : i32
      %dma_wait3A_80 = tpu.memref_slice %dma_wait3A_78[%scan3A_69, %dma_wait3A_79] : memref<64x80xi32, #tpu.memory_space<vmem>> -> memref<1x80xi32, #tpu.memory_space<vmem>>
      %dma_wait3A_81 = tpu.memref_squeeze %dma_wait3A_80 : memref<1x80xi32, #tpu.memory_space<vmem>> -> memref<80xi32, #tpu.memory_space<vmem>>
      %dma_wait3A_82 = arith.constant 0 : i32
      %dma_wait3A_83 = arith.constant 0 : i32
      %dma_wait3A_84 = tpu.memref_slice %arg2[%dma_wait3A_82, %dma_wait3A_83] : memref<10240x128xf32, #tpu.memory_space<hbm>> -> memref<10240x128xf32, #tpu.memory_space<hbm>>
      tpu.wait_indirect_dma semaphore(%arg8 : memref<!tpu.dma_semaphore, #tpu.memory_space<semaphore_mem>>) src(%dma_wait3A_84 : memref<10240x128xf32, #tpu.memory_space<hbm>>) dst(%dma_wait3A_74 : memref<80x128xf32, #tpu.memory_space<vmem>>)
      %add3A_85 = arith.constant 1 : i32
      %add3A_86 = arith.addi %scan3A_69, %add3A_85 : i32
      %lt3A = arith.constant 61 : i32
      %lt3A_87 = arith.cmpi slt, %add3A_86, %lt3A : i32
      %convert_element_type3A = arith.extui %lt3A_87 : i1 to i32
      %cond3A = arith.constant 0 : i32
      %cond3A_88 = arith.cmpi ne, %convert_element_type3A, %cond3A : i32
      scf.if %cond3A_88 {
        %add3A_89 = arith.constant 1 : i32
        %add3A_90 = arith.addi %scan3A_69, %add3A_89 : i32
        %dma_start3A_91 = arith.constant 0 : i32
        %dma_start3A_92 = arith.constant 0 : i32
        %dma_start3A_93 = tpu.memref_slice %arg6[%sub3A_71, %dma_start3A_91, %dma_start3A_92] : memref<2x80x128xf32, #tpu.memory_space<vmem>> -> memref<1x80x128xf32, #tpu.memory_space<vmem>>
        %dma_start3A_94 = tpu.memref_squeeze %dma_start3A_93 : memref<1x80x128xf32, #tpu.memory_space<vmem>> -> memref<80x128xf32, #tpu.memory_space<vmem>>
        %dma_start3A_95 = arith.constant 0 : i32
        %dma_start3A_96 = arith.constant 0 : i32
        %dma_start3A_97 = tpu.memref_slice %arg5[%scan3A_54, %dma_start3A_95, %dma_start3A_96] : memref<2x64x80xi32, #tpu.memory_space<vmem>> -> memref<1x64x80xi32, #tpu.memory_space<vmem>>
        %dma_start3A_98 = tpu.memref_squeeze %dma_start3A_97 : memref<1x64x80xi32, #tpu.memory_space<vmem>> -> memref<64x80xi32, #tpu.memory_space<vmem>>
        %dma_start3A_99 = arith.constant 0 : i32
        %dma_start3A_100 = tpu.memref_slice %dma_start3A_98[%add3A_90, %dma_start3A_99] : memref<64x80xi32, #tpu.memory_space<vmem>> -> memref<1x80xi32, #tpu.memory_space<vmem>>
        %dma_start3A_101 = tpu.memref_squeeze %dma_start3A_100 : memref<1x80xi32, #tpu.memory_space<vmem>> -> memref<80xi32, #tpu.memory_space<vmem>>
        %dma_start3A_102 = arith.constant 0 : i32
        %dma_start3A_103 = arith.constant 0 : i32
        %dma_start3A_104 = tpu.memref_slice %arg2[%dma_start3A_102, %dma_start3A_103] : memref<10240x128xf32, #tpu.memory_space<hbm>> -> memref<10240x128xf32, #tpu.memory_space<hbm>>
        tpu.enqueue_indirect_dma source(%dma_start3A_104 : memref<10240x128xf32, #tpu.memory_space<hbm>>) target(%dma_start3A_94 : memref<80x128xf32, #tpu.memory_space<vmem>>) offsets(%dma_start3A_101 : memref<80xi32, #tpu.memory_space<vmem>>) semaphore(%arg8 : memref<!tpu.dma_semaphore, #tpu.memory_space<semaphore_mem>>)
      } else {
      }
      "tpu.region"() ({
        %run_scoped3A = tpu.sem_alloc : memref<!tpu.dma_semaphore, #tpu.memory_space<semaphore_mem>>
        %dma_start3A_89 = arith.constant 0 : i32
        %dma_start3A_90 = arith.constant 0 : i32
        %dma_start3A_91 = tpu.memref_slice %arg6[%rem3A_70, %dma_start3A_89, %dma_start3A_90] : memref<2x80x128xf32, #tpu.memory_space<vmem>> -> memref<1x80x128xf32, #tpu.memory_space<vmem>>
        %dma_start3A_92 = tpu.memref_squeeze %dma_start3A_91 : memref<1x80x128xf32, #tpu.memory_space<vmem>> -> memref<80x128xf32, #tpu.memory_space<vmem>>
        %dma_start3A_93 = arith.constant 0 : i32
        %dma_start3A_94 = arith.constant 0 : i32
        %dma_start3A_95 = tpu.memref_slice %arg5[%scan3A_55, %dma_start3A_93, %dma_start3A_94] : memref<2x64x80xi32, #tpu.memory_space<vmem>> -> memref<1x64x80xi32, #tpu.memory_space<vmem>>
        %dma_start3A_96 = tpu.memref_squeeze %dma_start3A_95 : memref<1x64x80xi32, #tpu.memory_space<vmem>> -> memref<64x80xi32, #tpu.memory_space<vmem>>
        %dma_start3A_97 = arith.constant 0 : i32
        %dma_start3A_98 = tpu.memref_slice %dma_start3A_96[%scan3A_69, %dma_start3A_97] : memref<64x80xi32, #tpu.memory_space<vmem>> -> memref<1x80xi32, #tpu.memory_space<vmem>>
        %dma_start3A_99 = tpu.memref_squeeze %dma_start3A_98 : memref<1x80xi32, #tpu.memory_space<vmem>> -> memref<80xi32, #tpu.memory_space<vmem>>
        %dma_start3A_100 = arith.constant 0 : i32
        %dma_start3A_101 = arith.constant 0 : i32
        %dma_start3A_102 = tpu.memref_slice %arg7[%dma_start3A_100, %dma_start3A_101] : memref<10240x128xf32, #tpu.memory_space<vmem_shared>> -> memref<10240x128xf32, #tpu.memory_space<vmem_shared>>
        tpu.enqueue_indirect_dma source(%dma_start3A_92 : memref<80x128xf32, #tpu.memory_space<vmem>>) target(%dma_start3A_102 : memref<10240x128xf32, #tpu.memory_space<vmem_shared>>) offsets(%dma_start3A_99 : memref<80xi32, #tpu.memory_space<vmem>>) semaphore(%run_scoped3A : memref<!tpu.dma_semaphore, #tpu.memory_space<semaphore_mem>>) {add = true}
        %dma_wait3A_103 = arith.constant 0 : i32
        %dma_wait3A_104 = arith.constant 0 : i32
        %dma_wait3A_105 = tpu.memref_slice %arg6[%rem3A_70, %dma_wait3A_103, %dma_wait3A_104] : memref<2x80x128xf32, #tpu.memory_space<vmem>> -> memref<1x80x128xf32, #tpu.memory_space<vmem>>
        %dma_wait3A_106 = tpu.memref_squeeze %dma_wait3A_105 : memref<1x80x128xf32, #tpu.memory_space<vmem>> -> memref<80x128xf32, #tpu.memory_space<vmem>>
        %dma_wait3A_107 = arith.constant 0 : i32
        %dma_wait3A_108 = arith.constant 0 : i32
        %dma_wait3A_109 = tpu.memref_slice %arg5[%scan3A_55, %dma_wait3A_107, %dma_wait3A_108] : memref<2x64x80xi32, #tpu.memory_space<vmem>> -> memref<1x64x80xi32, #tpu.memory_space<vmem>>
        %dma_wait3A_110 = tpu.memref_squeeze %dma_wait3A_109 : memref<1x64x80xi32, #tpu.memory_space<vmem>> -> memref<64x80xi32, #tpu.memory_space<vmem>>
        %dma_wait3A_111 = arith.constant 0 : i32
        %dma_wait3A_112 = tpu.memref_slice %dma_wait3A_110[%scan3A_69, %dma_wait3A_111] : memref<64x80xi32, #tpu.memory_space<vmem>> -> memref<1x80xi32, #tpu.memory_space<vmem>>
        %dma_wait3A_113 = tpu.memref_squeeze %dma_wait3A_112 : memref<1x80xi32, #tpu.memory_space<vmem>> -> memref<80xi32, #tpu.memory_space<vmem>>
        %dma_wait3A_114 = arith.constant 0 : i32
        %dma_wait3A_115 = arith.constant 0 : i32
        %dma_wait3A_116 = tpu.memref_slice %arg7[%dma_wait3A_114, %dma_wait3A_115] : memref<10240x128xf32, #tpu.memory_space<vmem_shared>> -> memref<10240x128xf32, #tpu.memory_space<vmem_shared>>
        tpu.wait_indirect_dma semaphore(%run_scoped3A : memref<!tpu.dma_semaphore, #tpu.memory_space<semaphore_mem>>) src(%dma_wait3A_106 : memref<80x128xf32, #tpu.memory_space<vmem>>) dst(%dma_wait3A_116 : memref<10240x128xf32, #tpu.memory_space<vmem_shared>>)
        tpu.yield
      }) : () -> ()
    }
    %scan3A_60 = arith.constant 61 : i32
    %barrier3A_61 = arith.constant 0 : index
    tpu.barrier barrier_id(%barrier3A_61)
    %mul3A_62 = arith.constant 640 : i32
    %mul3A_63 = arith.muli %arg1, %mul3A_62 : i32
    %mul3A_64 = arith.constant 10240 : i32
    %mul3A_65 = arith.muli %arg0, %mul3A_64 : i32
    %mul3A_66 = arith.constant 640 : i32
    %mul3A_67 = arith.muli %arg1, %mul3A_66 : i32
    %add3A_68 = arith.addi %mul3A_65, %mul3A_67 : i32
    "tpu.region"() ({
      %run_scoped3A = tpu.sem_alloc : memref<!tpu.dma_semaphore, #tpu.memory_space<semaphore_mem>>
      %dma_start3A_69 = arith.constant 0 : i32
      %dma_start3A_70 = tpu.memref_slice %arg4[%add3A_68, %dma_start3A_69] : memref<20480x128xf32, #tpu.memory_space<hbm>> -> memref<640x128xf32, #tpu.memory_space<hbm>>
      %dma_start3A_71 = arith.constant 0 : i32
      %dma_start3A_72 = tpu.memref_slice %arg7[%mul3A_63, %dma_start3A_71] : memref<10240x128xf32, #tpu.memory_space<vmem_shared>> -> memref<640x128xf32, #tpu.memory_space<vmem_shared>>
      tpu.enqueue_dma source(%dma_start3A_72 : memref<640x128xf32, #tpu.memory_space<vmem_shared>>) target(%dma_start3A_70 : memref<640x128xf32, #tpu.memory_space<hbm>>) target_semaphore(%run_scoped3A : memref<!tpu.dma_semaphore, #tpu.memory_space<semaphore_mem>>)
      %dma_wait3A = arith.constant 0 : i32
      %dma_wait3A_73 = tpu.memref_slice %arg4[%add3A_68, %dma_wait3A] : memref<20480x128xf32, #tpu.memory_space<hbm>> -> memref<640x128xf32, #tpu.memory_space<hbm>>
      %dma_wait3A_74 = arith.constant 0 : i32
      %dma_wait3A_75 = tpu.memref_slice %arg7[%mul3A_63, %dma_wait3A_74] : memref<10240x128xf32, #tpu.memory_space<vmem_shared>> -> memref<640x128xf32, #tpu.memory_space<vmem_shared>>
      tpu.wait_dma2 semaphore(%run_scoped3A : memref<!tpu.dma_semaphore, #tpu.memory_space<semaphore_mem>>) src(%dma_wait3A_75 : memref<640x128xf32, #tpu.memory_space<vmem_shared>>) dst(%dma_wait3A_73 : memref<640x128xf32, #tpu.memory_space<hbm>>)
      tpu.yield
    }) : () -> ()
    return
  }
}

#map = affine_map<(d0, d1) -> (0, 0)>
#map1 = affine_map<(d0, d1) -> (0, 0, 0, 0)>
module attributes {stable_mosaic.version = 14 : i64} {
  func.func @body(%arg0: i32, %arg1: i32, %arg2: memref<10240x128xf32, #tpu.memory_space<hbm>>, %arg3: memref<32x2x125x80xi32, #tpu.memory_space<hbm>>, %arg4: memref<20480x128xf32, #tpu.memory_space<hbm>>, %arg5: memref<20480x128xf32, #tpu.memory_space<hbm>>, %arg6: memref<2x64x80xi32, #tpu.memory_space<vmem>>, %arg7: memref<2x80x128xf32, #tpu.memory_space<vmem>>, %arg8: memref<10240x128xf32, #tpu.memory_space<vmem_shared>>, %arg9: memref<!tpu.dma_semaphore, #tpu.memory_space<semaphore_mem>>) attributes {dimension_semantics = [#tpu.dimension_semantics<core_parallel>, #tpu.dimension_semantics<subcore_parallel>], iteration_bounds = array<i64: 2, 16>, scalar_prefetch = 0 : i64, scratch_operands = 4 : i64, tpu.core_type = #tpu.core_type<sc_vector_subcore>, window_params = [{transform_indices = #map}, {transform_indices = #map1}, {transform_indices = #map}, {transform_indices = #map}]} {
    %mul3A = arith.constant 16 : i32
    %mul3A_0 = arith.muli %arg0, %mul3A : i32
    %add3A = arith.addi %mul3A_0, %arg1 : i32
    %scan3A = arith.constant 0 : i32
    %scan3A_1 = arith.constant 0 : i32
    %scan3A_2 = arith.constant 80 : i32
    %scan3A_3 = arith.addi %scan3A_1, %scan3A_2 : i32
    %scan3A_4 = arith.constant 1 : i32
    scf.for %scan3A_111 = %scan3A_1 to %scan3A_3 step %scan3A_4  : i32 {
      %broadcast_in_dim3A = arith.constant 0.000000e+00 : f32
      %broadcast_in_dim3A_112 = vector.broadcast %broadcast_in_dim3A : f32 to vector<16xf32>
      %swap3A = arith.constant 0 : i32
      %swap3A_113 = arith.index_cast %swap3A : i32 to index
      %swap3A_114 = arith.index_cast %scan3A_111 : i32 to index
      %swap3A_115 = arith.constant 0 : index
      %swap3A_116 = tpu.vector_load %arg7[%swap3A_113, %swap3A_114, %swap3A_115] {strides = array<i32>} : memref<2x80x128xf32, #tpu.memory_space<vmem>>, vector<1x1x16xf32>,
      %swap3A_117 = vector.shape_cast %swap3A_116 : vector<1x1x16xf32> to vector<16xf32>
      %swap3A_118 = vector.shape_cast %broadcast_in_dim3A_112 : vector<16xf32> to vector<1x1x16xf32>
      tpu.vector_store %arg7[%swap3A_113, %swap3A_114, %swap3A_115], %swap3A_118 {strides = array<i32>} : memref<2x80x128xf32, #tpu.memory_space<vmem>>, vector<1x1x16xf32>,
      %broadcast_in_dim3A_119 = arith.constant 0.000000e+00 : f32
      %broadcast_in_dim3A_120 = vector.broadcast %broadcast_in_dim3A_119 : f32 to vector<16xf32>
      %swap3A_121 = arith.constant 0 : i32
      %swap3A_122 = arith.index_cast %swap3A_121 : i32 to index
      %swap3A_123 = arith.index_cast %scan3A_111 : i32 to index
      %swap3A_124 = arith.constant 16 : index
      %swap3A_125 = tpu.vector_load %arg7[%swap3A_122, %swap3A_123, %swap3A_124] {strides = array<i32>} : memref<2x80x128xf32, #tpu.memory_space<vmem>>, vector<1x1x16xf32>,
      %swap3A_126 = vector.shape_cast %swap3A_125 : vector<1x1x16xf32> to vector<16xf32>
      %swap3A_127 = vector.shape_cast %broadcast_in_dim3A_120 : vector<16xf32> to vector<1x1x16xf32>
      tpu.vector_store %arg7[%swap3A_122, %swap3A_123, %swap3A_124], %swap3A_127 {strides = array<i32>} : memref<2x80x128xf32, #tpu.memory_space<vmem>>, vector<1x1x16xf32>,
      %broadcast_in_dim3A_128 = arith.constant 0.000000e+00 : f32
      %broadcast_in_dim3A_129 = vector.broadcast %broadcast_in_dim3A_128 : f32 to vector<16xf32>
      %swap3A_130 = arith.constant 0 : i32
      %swap3A_131 = arith.index_cast %swap3A_130 : i32 to index
      %swap3A_132 = arith.index_cast %scan3A_111 : i32 to index
      %swap3A_133 = arith.constant 32 : index
      %swap3A_134 = tpu.vector_load %arg7[%swap3A_131, %swap3A_132, %swap3A_133] {strides = array<i32>} : memref<2x80x128xf32, #tpu.memory_space<vmem>>, vector<1x1x16xf32>,
      %swap3A_135 = vector.shape_cast %swap3A_134 : vector<1x1x16xf32> to vector<16xf32>
      %swap3A_136 = vector.shape_cast %broadcast_in_dim3A_129 : vector<16xf32> to vector<1x1x16xf32>
      tpu.vector_store %arg7[%swap3A_131, %swap3A_132, %swap3A_133], %swap3A_136 {strides = array<i32>} : memref<2x80x128xf32, #tpu.memory_space<vmem>>, vector<1x1x16xf32>,
      %broadcast_in_dim3A_137 = arith.constant 0.000000e+00 : f32
      %broadcast_in_dim3A_138 = vector.broadcast %broadcast_in_dim3A_137 : f32 to vector<16xf32>
      %swap3A_139 = arith.constant 0 : i32
      %swap3A_140 = arith.index_cast %swap3A_139 : i32 to index
      %swap3A_141 = arith.index_cast %scan3A_111 : i32 to index
      %swap3A_142 = arith.constant 48 : index
      %swap3A_143 = tpu.vector_load %arg7[%swap3A_140, %swap3A_141, %swap3A_142] {strides = array<i32>} : memref<2x80x128xf32, #tpu.memory_space<vmem>>, vector<1x1x16xf32>,
      %swap3A_144 = vector.shape_cast %swap3A_143 : vector<1x1x16xf32> to vector<16xf32>
      %swap3A_145 = vector.shape_cast %broadcast_in_dim3A_138 : vector<16xf32> to vector<1x1x16xf32>
      tpu.vector_store %arg7[%swap3A_140, %swap3A_141, %swap3A_142], %swap3A_145 {strides = array<i32>} : memref<2x80x128xf32, #tpu.memory_space<vmem>>, vector<1x1x16xf32>,
      %broadcast_in_dim3A_146 = arith.constant 0.000000e+00 : f32
      %broadcast_in_dim3A_147 = vector.broadcast %broadcast_in_dim3A_146 : f32 to vector<16xf32>
      %swap3A_148 = arith.constant 0 : i32
      %swap3A_149 = arith.index_cast %swap3A_148 : i32 to index
      %swap3A_150 = arith.index_cast %scan3A_111 : i32 to index
      %swap3A_151 = arith.constant 64 : index
      %swap3A_152 = tpu.vector_load %arg7[%swap3A_149, %swap3A_150, %swap3A_151] {strides = array<i32>} : memref<2x80x128xf32, #tpu.memory_space<vmem>>, vector<1x1x16xf32>,
      %swap3A_153 = vector.shape_cast %swap3A_152 : vector<1x1x16xf32> to vector<16xf32>
      %swap3A_154 = vector.shape_cast %broadcast_in_dim3A_147 : vector<16xf32> to vector<1x1x16xf32>
      tpu.vector_store %arg7[%swap3A_149, %swap3A_150, %swap3A_151], %swap3A_154 {strides = array<i32>} : memref<2x80x128xf32, #tpu.memory_space<vmem>>, vector<1x1x16xf32>,
      %broadcast_in_dim3A_155 = arith.constant 0.000000e+00 : f32
      %broadcast_in_dim3A_156 = vector.broadcast %broadcast_in_dim3A_155 : f32 to vector<16xf32>
      %swap3A_157 = arith.constant 0 : i32
      %swap3A_158 = arith.index_cast %swap3A_157 : i32 to index
      %swap3A_159 = arith.index_cast %scan3A_111 : i32 to index
      %swap3A_160 = arith.constant 80 : index
      %swap3A_161 = tpu.vector_load %arg7[%swap3A_158, %swap3A_159, %swap3A_160] {strides = array<i32>} : memref<2x80x128xf32, #tpu.memory_space<vmem>>, vector<1x1x16xf32>,
      %swap3A_162 = vector.shape_cast %swap3A_161 : vector<1x1x16xf32> to vector<16xf32>
      %swap3A_163 = vector.shape_cast %broadcast_in_dim3A_156 : vector<16xf32> to vector<1x1x16xf32>
      tpu.vector_store %arg7[%swap3A_158, %swap3A_159, %swap3A_160], %swap3A_163 {strides = array<i32>} : memref<2x80x128xf32, #tpu.memory_space<vmem>>, vector<1x1x16xf32>,
      %broadcast_in_dim3A_164 = arith.constant 0.000000e+00 : f32
      %broadcast_in_dim3A_165 = vector.broadcast %broadcast_in_dim3A_164 : f32 to vector<16xf32>
      %swap3A_166 = arith.constant 0 : i32
      %swap3A_167 = arith.index_cast %swap3A_166 : i32 to index
      %swap3A_168 = arith.index_cast %scan3A_111 : i32 to index
      %swap3A_169 = arith.constant 96 : index
      %swap3A_170 = tpu.vector_load %arg7[%swap3A_167, %swap3A_168, %swap3A_169] {strides = array<i32>} : memref<2x80x128xf32, #tpu.memory_space<vmem>>, vector<1x1x16xf32>,
      %swap3A_171 = vector.shape_cast %swap3A_170 : vector<1x1x16xf32> to vector<16xf32>
      %swap3A_172 = vector.shape_cast %broadcast_in_dim3A_165 : vector<16xf32> to vector<1x1x16xf32>
      tpu.vector_store %arg7[%swap3A_167, %swap3A_168, %swap3A_169], %swap3A_172 {strides = array<i32>} : memref<2x80x128xf32, #tpu.memory_space<vmem>>, vector<1x1x16xf32>,
      %broadcast_in_dim3A_173 = arith.constant 0.000000e+00 : f32
      %broadcast_in_dim3A_174 = vector.broadcast %broadcast_in_dim3A_173 : f32 to vector<16xf32>
      %swap3A_175 = arith.constant 0 : i32
      %swap3A_176 = arith.index_cast %swap3A_175 : i32 to index
      %swap3A_177 = arith.index_cast %scan3A_111 : i32 to index
      %swap3A_178 = arith.constant 112 : index
      %swap3A_179 = tpu.vector_load %arg7[%swap3A_176, %swap3A_177, %swap3A_178] {strides = array<i32>} : memref<2x80x128xf32, #tpu.memory_space<vmem>>, vector<1x1x16xf32>,
      %swap3A_180 = vector.shape_cast %swap3A_179 : vector<1x1x16xf32> to vector<16xf32>
      %swap3A_181 = vector.shape_cast %broadcast_in_dim3A_174 : vector<16xf32> to vector<1x1x16xf32>
      tpu.vector_store %arg7[%swap3A_176, %swap3A_177, %swap3A_178], %swap3A_181 {strides = array<i32>} : memref<2x80x128xf32, #tpu.memory_space<vmem>>, vector<1x1x16xf32>,
    }
    %scan3A_5 = arith.constant 80 : i32
    %scan3A_6 = arith.constant 0 : i32
    %scan3A_7 = arith.constant 0 : i32
    %scan3A_8 = arith.constant 8 : i32
    %scan3A_9 = arith.addi %scan3A_7, %scan3A_8 : i32
    %scan3A_10 = arith.constant 1 : i32
    scf.for %scan3A_111 = %scan3A_7 to %scan3A_9 step %scan3A_10  : i32 {
      %mul3A_112 = arith.constant 640 : i32
      %mul3A_113 = arith.muli %arg1, %mul3A_112 : i32
      %mul3A_114 = arith.constant 80 : i32
      %mul3A_115 = arith.muli %scan3A_111, %mul3A_114 : i32
      %add3A_116 = arith.addi %mul3A_113, %mul3A_115 : i32
      %run_scoped3A_117 = arith.constant 0 : i32
      "tpu.region"() ({
        %run_scoped3A_118 = tpu.sem_alloc : memref<!tpu.dma_semaphore, #tpu.memory_space<semaphore_mem>>
        %dma_start3A_119 = arith.constant 0 : i32
        %dma_start3A_120 = arith.constant 0 : i32
        %dma_start3A_121 = tpu.memref_slice %arg7[%run_scoped3A_117, %dma_start3A_119, %dma_start3A_120] : memref<2x80x128xf32, #tpu.memory_space<vmem>> -> memref<1x80x128xf32, #tpu.memory_space<vmem>>
        %dma_start3A_122 = tpu.memref_squeeze %dma_start3A_121 : memref<1x80x128xf32, #tpu.memory_space<vmem>> -> memref<80x128xf32, #tpu.memory_space<vmem>>
        %dma_start3A_123 = arith.constant 0 : i32
        %dma_start3A_124 = tpu.memref_slice %arg8[%add3A_116, %dma_start3A_123] : memref<10240x128xf32, #tpu.memory_space<vmem_shared>> -> memref<80x128xf32, #tpu.memory_space<vmem_shared>>
        %dma_start3A_125 = arith.constant 0 : i32
        %dma_start3A_126 = tpu.memref_slice %arg8[%add3A_116, %dma_start3A_125] : memref<10240x128xf32, #tpu.memory_space<vmem_shared>> -> memref<80x128xf32, #tpu.memory_space<vmem_shared>>
        %dma_start3A_127 = arith.constant 0 : i32
        %dma_start3A_128 = arith.constant 0 : i32
        %dma_start3A_129 = tpu.memref_slice %arg7[%run_scoped3A_117, %dma_start3A_127, %dma_start3A_128] : memref<2x80x128xf32, #tpu.memory_space<vmem>> -> memref<1x80x128xf32, #tpu.memory_space<vmem>>
        %dma_start3A_130 = tpu.memref_squeeze %dma_start3A_129 : memref<1x80x128xf32, #tpu.memory_space<vmem>> -> memref<80x128xf32, #tpu.memory_space<vmem>>
        tpu.enqueue_dma source(%dma_start3A_130 : memref<80x128xf32, #tpu.memory_space<vmem>>) target(%dma_start3A_126 : memref<80x128xf32, #tpu.memory_space<vmem_shared>>) target_semaphore(%run_scoped3A_118 : memref<!tpu.dma_semaphore, #tpu.memory_space<semaphore_mem>>)
        %dma_wait3A = arith.constant 0 : i32
        %dma_wait3A_131 = arith.constant 0 : i32
        %dma_wait3A_132 = tpu.memref_slice %arg7[%run_scoped3A_117, %dma_wait3A, %dma_wait3A_131] : memref<2x80x128xf32, #tpu.memory_space<vmem>> -> memref<1x80x128xf32, #tpu.memory_space<vmem>>
        %dma_wait3A_133 = tpu.memref_squeeze %dma_wait3A_132 : memref<1x80x128xf32, #tpu.memory_space<vmem>> -> memref<80x128xf32, #tpu.memory_space<vmem>>
        %dma_wait3A_134 = arith.constant 0 : i32
        %dma_wait3A_135 = tpu.memref_slice %arg8[%add3A_116, %dma_wait3A_134] : memref<10240x128xf32, #tpu.memory_space<vmem_shared>> -> memref<80x128xf32, #tpu.memory_space<vmem_shared>>
        %dma_wait3A_136 = arith.constant 0 : i32
        %dma_wait3A_137 = tpu.memref_slice %arg8[%add3A_116, %dma_wait3A_136] : memref<10240x128xf32, #tpu.memory_space<vmem_shared>> -> memref<80x128xf32, #tpu.memory_space<vmem_shared>>
        %dma_wait3A_138 = arith.constant 0 : i32
        %dma_wait3A_139 = arith.constant 0 : i32
        %dma_wait3A_140 = tpu.memref_slice %arg7[%run_scoped3A_117, %dma_wait3A_138, %dma_wait3A_139] : memref<2x80x128xf32, #tpu.memory_space<vmem>> -> memref<1x80x128xf32, #tpu.memory_space<vmem>>
        %dma_wait3A_141 = tpu.memref_squeeze %dma_wait3A_140 : memref<1x80x128xf32, #tpu.memory_space<vmem>> -> memref<80x128xf32, #tpu.memory_space<vmem>>
        tpu.wait_dma2 semaphore(%run_scoped3A_118 : memref<!tpu.dma_semaphore, #tpu.memory_space<semaphore_mem>>) src(%dma_wait3A_141 : memref<80x128xf32, #tpu.memory_space<vmem>>) dst(%dma_wait3A_137 : memref<80x128xf32, #tpu.memory_space<vmem_shared>>)
        tpu.yield
      }) : () -> ()
    }
    %scan3A_11 = arith.constant 8 : i32
    "tpu.region"() ({
      %run_scoped3A_111 = tpu.sem_alloc : memref<!tpu.dma_semaphore, #tpu.memory_space<semaphore_mem>>
      %dma_start3A_112 = arith.constant 0 : i32
      %dma_start3A_113 = arith.constant 0 : i32
      %dma_start3A_114 = arith.constant 0 : i32
      %dma_start3A_115 = tpu.memref_slice %arg3[%add3A, %dma_start3A_112, %dma_start3A_113, %dma_start3A_114] : memref<32x2x125x80xi32, #tpu.memory_space<hbm>> -> memref<1x2x64x80xi32, #tpu.memory_space<hbm>>
      %dma_start3A_116 = tpu.memref_squeeze %dma_start3A_115 : memref<1x2x64x80xi32, #tpu.memory_space<hbm>> -> memref<2x64x80xi32, #tpu.memory_space<hbm>>
      %dma_start3A_117 = arith.constant 0 : i32
      %dma_start3A_118 = arith.constant 0 : i32
      %dma_start3A_119 = arith.constant 0 : i32
      %dma_start3A_120 = tpu.memref_slice %arg3[%add3A, %dma_start3A_117, %dma_start3A_118, %dma_start3A_119] : memref<32x2x125x80xi32, #tpu.memory_space<hbm>> -> memref<1x2x64x80xi32, #tpu.memory_space<hbm>>
      %dma_start3A_121 = tpu.memref_squeeze %dma_start3A_120 : memref<1x2x64x80xi32, #tpu.memory_space<hbm>> -> memref<2x64x80xi32, #tpu.memory_space<hbm>>
      tpu.enqueue_dma source(%dma_start3A_121 : memref<2x64x80xi32, #tpu.memory_space<hbm>>) target(%arg6 : memref<2x64x80xi32, #tpu.memory_space<vmem>>) target_semaphore(%run_scoped3A_111 : memref<!tpu.dma_semaphore, #tpu.memory_space<semaphore_mem>>)
      %dma_wait3A = arith.constant 0 : i32
      %dma_wait3A_122 = arith.constant 0 : i32
      %dma_wait3A_123 = arith.constant 0 : i32
      %dma_wait3A_124 = tpu.memref_slice %arg3[%add3A, %dma_wait3A, %dma_wait3A_122, %dma_wait3A_123] : memref<32x2x125x80xi32, #tpu.memory_space<hbm>> -> memref<1x2x64x80xi32, #tpu.memory_space<hbm>>
      %dma_wait3A_125 = tpu.memref_squeeze %dma_wait3A_124 : memref<1x2x64x80xi32, #tpu.memory_space<hbm>> -> memref<2x64x80xi32, #tpu.memory_space<hbm>>
      %dma_wait3A_126 = arith.constant 0 : i32
      %dma_wait3A_127 = arith.constant 0 : i32
      %dma_wait3A_128 = arith.constant 0 : i32
      %dma_wait3A_129 = tpu.memref_slice %arg3[%add3A, %dma_wait3A_126, %dma_wait3A_127, %dma_wait3A_128] : memref<32x2x125x80xi32, #tpu.memory_space<hbm>> -> memref<1x2x64x80xi32, #tpu.memory_space<hbm>>
      %dma_wait3A_130 = tpu.memref_squeeze %dma_wait3A_129 : memref<1x2x64x80xi32, #tpu.memory_space<hbm>> -> memref<2x64x80xi32, #tpu.memory_space<hbm>>
      tpu.wait_dma2 semaphore(%run_scoped3A_111 : memref<!tpu.dma_semaphore, #tpu.memory_space<semaphore_mem>>) src(%dma_wait3A_130 : memref<2x64x80xi32, #tpu.memory_space<hbm>>) dst(%arg6 : memref<2x64x80xi32, #tpu.memory_space<vmem>>)
      tpu.yield
    }) : () -> ()
    %barrier3A = arith.constant 0 : index
    tpu.barrier barrier_id(%barrier3A)
    %dma_start3A = arith.constant 0 : i32
    %dma_start3A_12 = arith.constant 0 : i32
    %dma_start3A_13 = arith.constant 0 : i32
    %dma_start3A_14 = arith.constant 0 : i32
    %dma_start3A_15 = arith.constant 0 : i32
    %dma_start3A_16 = tpu.memref_slice %arg7[%dma_start3A_13, %dma_start3A_14, %dma_start3A_15] : memref<2x80x128xf32, #tpu.memory_space<vmem>> -> memref<1x80x128xf32, #tpu.memory_space<vmem>>
    %dma_start3A_17 = tpu.memref_squeeze %dma_start3A_16 : memref<1x80x128xf32, #tpu.memory_space<vmem>> -> memref<80x128xf32, #tpu.memory_space<vmem>>
    %dma_start3A_18 = arith.constant 0 : i32
    %dma_start3A_19 = arith.constant 0 : i32
    %dma_start3A_20 = tpu.memref_slice %arg6[%dma_start3A, %dma_start3A_18, %dma_start3A_19] : memref<2x64x80xi32, #tpu.memory_space<vmem>> -> memref<1x64x80xi32, #tpu.memory_space<vmem>>
    %dma_start3A_21 = tpu.memref_squeeze %dma_start3A_20 : memref<1x64x80xi32, #tpu.memory_space<vmem>> -> memref<64x80xi32, #tpu.memory_space<vmem>>
    %dma_start3A_22 = arith.constant 0 : i32
    %dma_start3A_23 = tpu.memref_slice %dma_start3A_21[%dma_start3A_12, %dma_start3A_22] : memref<64x80xi32, #tpu.memory_space<vmem>> -> memref<1x80xi32, #tpu.memory_space<vmem>>
    %dma_start3A_24 = tpu.memref_squeeze %dma_start3A_23 : memref<1x80xi32, #tpu.memory_space<vmem>> -> memref<80xi32, #tpu.memory_space<vmem>>
    %dma_start3A_25 = arith.constant 0 : i32
    %dma_start3A_26 = arith.constant 0 : i32
    %dma_start3A_27 = tpu.memref_slice %arg2[%dma_start3A_25, %dma_start3A_26] : memref<10240x128xf32, #tpu.memory_space<hbm>> -> memref<10240x128xf32, #tpu.memory_space<hbm>>
    tpu.enqueue_indirect_dma source(%dma_start3A_27 : memref<10240x128xf32, #tpu.memory_space<hbm>>) target(%dma_start3A_17 : memref<80x128xf32, #tpu.memory_space<vmem>>) offsets(%dma_start3A_24 : memref<80xi32, #tpu.memory_space<vmem>>) semaphore(%arg9 : memref<!tpu.dma_semaphore, #tpu.memory_space<semaphore_mem>>)
    %scan3A_28 = arith.constant 0 : i32
    %scan3A_29 = arith.constant 0 : i32
    %scan3A_30 = arith.constant 1 : i32
    %scan3A_31 = arith.constant 0 : i32
    %scan3A_32 = arith.constant 64 : i32
    %scan3A_33 = arith.addi %scan3A_31, %scan3A_32 : i32
    %scan3A_34 = arith.constant 1 : i32
    scf.for %scan3A_111 = %scan3A_31 to %scan3A_33 step %scan3A_34  : i32 {
      %rem3A = arith.constant 2 : i32
      %rem3A_112 = arith.remsi %scan3A_111, %rem3A : i32
      %sub3A = arith.constant 1 : i32
      %sub3A_113 = arith.subi %sub3A, %rem3A_112 : i32
      %dma_wait3A = arith.constant 0 : i32
      %dma_wait3A_114 = arith.constant 0 : i32
      %dma_wait3A_115 = tpu.memref_slice %arg7[%rem3A_112, %dma_wait3A, %dma_wait3A_114] : memref<2x80x128xf32, #tpu.memory_space<vmem>> -> memref<1x80x128xf32, #tpu.memory_space<vmem>>
      %dma_wait3A_116 = tpu.memref_squeeze %dma_wait3A_115 : memref<1x80x128xf32, #tpu.memory_space<vmem>> -> memref<80x128xf32, #tpu.memory_space<vmem>>
      %dma_wait3A_117 = arith.constant 0 : i32
      %dma_wait3A_118 = arith.constant 0 : i32
      %dma_wait3A_119 = tpu.memref_slice %arg6[%scan3A_29, %dma_wait3A_117, %dma_wait3A_118] : memref<2x64x80xi32, #tpu.memory_space<vmem>> -> memref<1x64x80xi32, #tpu.memory_space<vmem>>
      %dma_wait3A_120 = tpu.memref_squeeze %dma_wait3A_119 : memref<1x64x80xi32, #tpu.memory_space<vmem>> -> memref<64x80xi32, #tpu.memory_space<vmem>>
      %dma_wait3A_121 = arith.constant 0 : i32
      %dma_wait3A_122 = tpu.memref_slice %dma_wait3A_120[%scan3A_111, %dma_wait3A_121] : memref<64x80xi32, #tpu.memory_space<vmem>> -> memref<1x80xi32, #tpu.memory_space<vmem>>
      %dma_wait3A_123 = tpu.memref_squeeze %dma_wait3A_122 : memref<1x80xi32, #tpu.memory_space<vmem>> -> memref<80xi32, #tpu.memory_space<vmem>>
      %dma_wait3A_124 = arith.constant 0 : i32
      %dma_wait3A_125 = arith.constant 0 : i32
      %dma_wait3A_126 = tpu.memref_slice %arg2[%dma_wait3A_124, %dma_wait3A_125] : memref<10240x128xf32, #tpu.memory_space<hbm>> -> memref<10240x128xf32, #tpu.memory_space<hbm>>
      tpu.wait_indirect_dma semaphore(%arg9 : memref<!tpu.dma_semaphore, #tpu.memory_space<semaphore_mem>>) src(%dma_wait3A_126 : memref<10240x128xf32, #tpu.memory_space<hbm>>) dst(%dma_wait3A_116 : memref<80x128xf32, #tpu.memory_space<vmem>>)
      %add3A_127 = arith.constant 1 : i32
      %add3A_128 = arith.addi %scan3A_111, %add3A_127 : i32
      %lt3A = arith.constant 64 : i32
      %lt3A_129 = arith.cmpi slt, %add3A_128, %lt3A : i32
      %convert_element_type3A = arith.extui %lt3A_129 : i1 to i32
      %cond3A = arith.constant 0 : i32
      %cond3A_130 = arith.cmpi ne, %convert_element_type3A, %cond3A : i32
      scf.if %cond3A_130 {
        %add3A_131 = arith.constant 1 : i32
        %add3A_132 = arith.addi %scan3A_111, %add3A_131 : i32
        %dma_start3A_133 = arith.constant 0 : i32
        %dma_start3A_134 = arith.constant 0 : i32
        %dma_start3A_135 = tpu.memref_slice %arg7[%sub3A_113, %dma_start3A_133, %dma_start3A_134] : memref<2x80x128xf32, #tpu.memory_space<vmem>> -> memref<1x80x128xf32, #tpu.memory_space<vmem>>
        %dma_start3A_136 = tpu.memref_squeeze %dma_start3A_135 : memref<1x80x128xf32, #tpu.memory_space<vmem>> -> memref<80x128xf32, #tpu.memory_space<vmem>>
        %dma_start3A_137 = arith.constant 0 : i32
        %dma_start3A_138 = arith.constant 0 : i32
        %dma_start3A_139 = tpu.memref_slice %arg6[%scan3A_29, %dma_start3A_137, %dma_start3A_138] : memref<2x64x80xi32, #tpu.memory_space<vmem>> -> memref<1x64x80xi32, #tpu.memory_space<vmem>>
        %dma_start3A_140 = tpu.memref_squeeze %dma_start3A_139 : memref<1x64x80xi32, #tpu.memory_space<vmem>> -> memref<64x80xi32, #tpu.memory_space<vmem>>
        %dma_start3A_141 = arith.constant 0 : i32
        %dma_start3A_142 = tpu.memref_slice %dma_start3A_140[%add3A_132, %dma_start3A_141] : memref<64x80xi32, #tpu.memory_space<vmem>> -> memref<1x80xi32, #tpu.memory_space<vmem>>
        %dma_start3A_143 = tpu.memref_squeeze %dma_start3A_142 : memref<1x80xi32, #tpu.memory_space<vmem>> -> memref<80xi32, #tpu.memory_space<vmem>>
        %dma_start3A_144 = arith.constant 0 : i32
        %dma_start3A_145 = arith.constant 0 : i32
        %dma_start3A_146 = tpu.memref_slice %arg2[%dma_start3A_144, %dma_start3A_145] : memref<10240x128xf32, #tpu.memory_space<hbm>> -> memref<10240x128xf32, #tpu.memory_space<hbm>>
        tpu.enqueue_indirect_dma source(%dma_start3A_146 : memref<10240x128xf32, #tpu.memory_space<hbm>>) target(%dma_start3A_136 : memref<80x128xf32, #tpu.memory_space<vmem>>) offsets(%dma_start3A_143 : memref<80xi32, #tpu.memory_space<vmem>>) semaphore(%arg9 : memref<!tpu.dma_semaphore, #tpu.memory_space<semaphore_mem>>)
      } else {
      }
      "tpu.region"() ({
        %run_scoped3A_131 = tpu.sem_alloc : memref<!tpu.dma_semaphore, #tpu.memory_space<semaphore_mem>>
        %dma_start3A_132 = arith.constant 0 : i32
        %dma_start3A_133 = arith.constant 0 : i32
        %dma_start3A_134 = tpu.memref_slice %arg7[%rem3A_112, %dma_start3A_132, %dma_start3A_133] : memref<2x80x128xf32, #tpu.memory_space<vmem>> -> memref<1x80x128xf32, #tpu.memory_space<vmem>>
        %dma_start3A_135 = tpu.memref_squeeze %dma_start3A_134 : memref<1x80x128xf32, #tpu.memory_space<vmem>> -> memref<80x128xf32, #tpu.memory_space<vmem>>
        %dma_start3A_136 = arith.constant 0 : i32
        %dma_start3A_137 = arith.constant 0 : i32
        %dma_start3A_138 = tpu.memref_slice %arg6[%scan3A_30, %dma_start3A_136, %dma_start3A_137] : memref<2x64x80xi32, #tpu.memory_space<vmem>> -> memref<1x64x80xi32, #tpu.memory_space<vmem>>
        %dma_start3A_139 = tpu.memref_squeeze %dma_start3A_138 : memref<1x64x80xi32, #tpu.memory_space<vmem>> -> memref<64x80xi32, #tpu.memory_space<vmem>>
        %dma_start3A_140 = arith.constant 0 : i32
        %dma_start3A_141 = tpu.memref_slice %dma_start3A_139[%scan3A_111, %dma_start3A_140] : memref<64x80xi32, #tpu.memory_space<vmem>> -> memref<1x80xi32, #tpu.memory_space<vmem>>
        %dma_start3A_142 = tpu.memref_squeeze %dma_start3A_141 : memref<1x80xi32, #tpu.memory_space<vmem>> -> memref<80xi32, #tpu.memory_space<vmem>>
        %dma_start3A_143 = arith.constant 0 : i32
        %dma_start3A_144 = arith.constant 0 : i32
        %dma_start3A_145 = tpu.memref_slice %arg8[%dma_start3A_143, %dma_start3A_144] : memref<10240x128xf32, #tpu.memory_space<vmem_shared>> -> memref<10240x128xf32, #tpu.memory_space<vmem_shared>>
        tpu.enqueue_indirect_dma source(%dma_start3A_135 : memref<80x128xf32, #tpu.memory_space<vmem>>) target(%dma_start3A_145 : memref<10240x128xf32, #tpu.memory_space<vmem_shared>>) offsets(%dma_start3A_142 : memref<80xi32, #tpu.memory_space<vmem>>) semaphore(%run_scoped3A_131 : memref<!tpu.dma_semaphore, #tpu.memory_space<semaphore_mem>>) {add = true}
        %dma_wait3A_146 = arith.constant 0 : i32
        %dma_wait3A_147 = arith.constant 0 : i32
        %dma_wait3A_148 = tpu.memref_slice %arg7[%rem3A_112, %dma_wait3A_146, %dma_wait3A_147] : memref<2x80x128xf32, #tpu.memory_space<vmem>> -> memref<1x80x128xf32, #tpu.memory_space<vmem>>
        %dma_wait3A_149 = tpu.memref_squeeze %dma_wait3A_148 : memref<1x80x128xf32, #tpu.memory_space<vmem>> -> memref<80x128xf32, #tpu.memory_space<vmem>>
        %dma_wait3A_150 = arith.constant 0 : i32
        %dma_wait3A_151 = arith.constant 0 : i32
        %dma_wait3A_152 = tpu.memref_slice %arg6[%scan3A_30, %dma_wait3A_150, %dma_wait3A_151] : memref<2x64x80xi32, #tpu.memory_space<vmem>> -> memref<1x64x80xi32, #tpu.memory_space<vmem>>
        %dma_wait3A_153 = tpu.memref_squeeze %dma_wait3A_152 : memref<1x64x80xi32, #tpu.memory_space<vmem>> -> memref<64x80xi32, #tpu.memory_space<vmem>>
        %dma_wait3A_154 = arith.constant 0 : i32
        %dma_wait3A_155 = tpu.memref_slice %dma_wait3A_153[%scan3A_111, %dma_wait3A_154] : memref<64x80xi32, #tpu.memory_space<vmem>> -> memref<1x80xi32, #tpu.memory_space<vmem>>
        %dma_wait3A_156 = tpu.memref_squeeze %dma_wait3A_155 : memref<1x80xi32, #tpu.memory_space<vmem>> -> memref<80xi32, #tpu.memory_space<vmem>>
        %dma_wait3A_157 = arith.constant 0 : i32
        %dma_wait3A_158 = arith.constant 0 : i32
        %dma_wait3A_159 = tpu.memref_slice %arg8[%dma_wait3A_157, %dma_wait3A_158] : memref<10240x128xf32, #tpu.memory_space<vmem_shared>> -> memref<10240x128xf32, #tpu.memory_space<vmem_shared>>
        tpu.wait_indirect_dma semaphore(%run_scoped3A_131 : memref<!tpu.dma_semaphore, #tpu.memory_space<semaphore_mem>>) src(%dma_wait3A_149 : memref<80x128xf32, #tpu.memory_space<vmem>>) dst(%dma_wait3A_159 : memref<10240x128xf32, #tpu.memory_space<vmem_shared>>)
        tpu.yield
      }) : () -> ()
    }
    %scan3A_35 = arith.constant 64 : i32
    "tpu.region"() ({
      %run_scoped3A_111 = tpu.sem_alloc : memref<!tpu.dma_semaphore, #tpu.memory_space<semaphore_mem>>
      %dma_start3A_112 = arith.constant 0 : i32
      %dma_start3A_113 = arith.constant 0 : i32
      %dma_start3A_114 = arith.constant 0 : i32
      %dma_start3A_115 = tpu.memref_slice %arg6[%dma_start3A_112, %dma_start3A_113, %dma_start3A_114] : memref<2x64x80xi32, #tpu.memory_space<vmem>> -> memref<2x61x80xi32, #tpu.memory_space<vmem>>
      %dma_start3A_116 = arith.constant 0 : i32
      %dma_start3A_117 = arith.constant 64 : i32
      %dma_start3A_118 = arith.constant 0 : i32
      %dma_start3A_119 = tpu.memref_slice %arg3[%add3A, %dma_start3A_116, %dma_start3A_117, %dma_start3A_118] : memref<32x2x125x80xi32, #tpu.memory_space<hbm>> -> memref<1x2x61x80xi32, #tpu.memory_space<hbm>>
      %dma_start3A_120 = tpu.memref_squeeze %dma_start3A_119 : memref<1x2x61x80xi32, #tpu.memory_space<hbm>> -> memref<2x61x80xi32, #tpu.memory_space<hbm>>
      %dma_start3A_121 = arith.constant 0 : i32
      %dma_start3A_122 = arith.constant 0 : i32
      %dma_start3A_123 = arith.constant 0 : i32
      %dma_start3A_124 = tpu.memref_slice %arg6[%dma_start3A_121, %dma_start3A_122, %dma_start3A_123] : memref<2x64x80xi32, #tpu.memory_space<vmem>> -> memref<2x61x80xi32, #tpu.memory_space<vmem>>
      %dma_start3A_125 = arith.constant 0 : i32
      %dma_start3A_126 = arith.constant 64 : i32
      %dma_start3A_127 = arith.constant 0 : i32
      %dma_start3A_128 = tpu.memref_slice %arg3[%add3A, %dma_start3A_125, %dma_start3A_126, %dma_start3A_127] : memref<32x2x125x80xi32, #tpu.memory_space<hbm>> -> memref<1x2x61x80xi32, #tpu.memory_space<hbm>>
      %dma_start3A_129 = tpu.memref_squeeze %dma_start3A_128 : memref<1x2x61x80xi32, #tpu.memory_space<hbm>> -> memref<2x61x80xi32, #tpu.memory_space<hbm>>
      tpu.enqueue_dma source(%dma_start3A_129 : memref<2x61x80xi32, #tpu.memory_space<hbm>>) target(%dma_start3A_124 : memref<2x61x80xi32, #tpu.memory_space<vmem>>) target_semaphore(%run_scoped3A_111 : memref<!tpu.dma_semaphore, #tpu.memory_space<semaphore_mem>>)
      %dma_wait3A = arith.constant 0 : i32
      %dma_wait3A_130 = arith.constant 0 : i32
      %dma_wait3A_131 = arith.constant 0 : i32
      %dma_wait3A_132 = tpu.memref_slice %arg6[%dma_wait3A, %dma_wait3A_130, %dma_wait3A_131] : memref<2x64x80xi32, #tpu.memory_space<vmem>> -> memref<2x61x80xi32, #tpu.memory_space<vmem>>
      %dma_wait3A_133 = arith.constant 0 : i32
      %dma_wait3A_134 = arith.constant 64 : i32
      %dma_wait3A_135 = arith.constant 0 : i32
      %dma_wait3A_136 = tpu.memref_slice %arg3[%add3A, %dma_wait3A_133, %dma_wait3A_134, %dma_wait3A_135] : memref<32x2x125x80xi32, #tpu.memory_space<hbm>> -> memref<1x2x61x80xi32, #tpu.memory_space<hbm>>
      %dma_wait3A_137 = tpu.memref_squeeze %dma_wait3A_136 : memref<1x2x61x80xi32, #tpu.memory_space<hbm>> -> memref<2x61x80xi32, #tpu.memory_space<hbm>>
      %dma_wait3A_138 = arith.constant 0 : i32
      %dma_wait3A_139 = arith.constant 0 : i32
      %dma_wait3A_140 = arith.constant 0 : i32
      %dma_wait3A_141 = tpu.memref_slice %arg6[%dma_wait3A_138, %dma_wait3A_139, %dma_wait3A_140] : memref<2x64x80xi32, #tpu.memory_space<vmem>> -> memref<2x61x80xi32, #tpu.memory_space<vmem>>
      %dma_wait3A_142 = arith.constant 0 : i32
      %dma_wait3A_143 = arith.constant 64 : i32
      %dma_wait3A_144 = arith.constant 0 : i32
      %dma_wait3A_145 = tpu.memref_slice %arg3[%add3A, %dma_wait3A_142, %dma_wait3A_143, %dma_wait3A_144] : memref<32x2x125x80xi32, #tpu.memory_space<hbm>> -> memref<1x2x61x80xi32, #tpu.memory_space<hbm>>
      %dma_wait3A_146 = tpu.memref_squeeze %dma_wait3A_145 : memref<1x2x61x80xi32, #tpu.memory_space<hbm>> -> memref<2x61x80xi32, #tpu.memory_space<hbm>>
      tpu.wait_dma2 semaphore(%run_scoped3A_111 : memref<!tpu.dma_semaphore, #tpu.memory_space<semaphore_mem>>) src(%dma_wait3A_146 : memref<2x61x80xi32, #tpu.memory_space<hbm>>) dst(%dma_wait3A_141 : memref<2x61x80xi32, #tpu.memory_space<vmem>>)
      tpu.yield
    }) : () -> ()
    %dma_start3A_36 = arith.constant 0 : i32
    %dma_start3A_37 = arith.constant 0 : i32
    %dma_start3A_38 = arith.constant 0 : i32
    %dma_start3A_39 = arith.constant 0 : i32
    %dma_start3A_40 = arith.constant 0 : i32
    %dma_start3A_41 = tpu.memref_slice %arg7[%dma_start3A_38, %dma_start3A_39, %dma_start3A_40] : memref<2x80x128xf32, #tpu.memory_space<vmem>> -> memref<1x80x128xf32, #tpu.memory_space<vmem>>
    %dma_start3A_42 = tpu.memref_squeeze %dma_start3A_41 : memref<1x80x128xf32, #tpu.memory_space<vmem>> -> memref<80x128xf32, #tpu.memory_space<vmem>>
    %dma_start3A_43 = arith.constant 0 : i32
    %dma_start3A_44 = arith.constant 0 : i32
    %dma_start3A_45 = tpu.memref_slice %arg6[%dma_start3A_36, %dma_start3A_43, %dma_start3A_44] : memref<2x64x80xi32, #tpu.memory_space<vmem>> -> memref<1x64x80xi32, #tpu.memory_space<vmem>>
    %dma_start3A_46 = tpu.memref_squeeze %dma_start3A_45 : memref<1x64x80xi32, #tpu.memory_space<vmem>> -> memref<64x80xi32, #tpu.memory_space<vmem>>
    %dma_start3A_47 = arith.constant 0 : i32
    %dma_start3A_48 = tpu.memref_slice %dma_start3A_46[%dma_start3A_37, %dma_start3A_47] : memref<64x80xi32, #tpu.memory_space<vmem>> -> memref<1x80xi32, #tpu.memory_space<vmem>>
    %dma_start3A_49 = tpu.memref_squeeze %dma_start3A_48 : memref<1x80xi32, #tpu.memory_space<vmem>> -> memref<80xi32, #tpu.memory_space<vmem>>
    %dma_start3A_50 = arith.constant 0 : i32
    %dma_start3A_51 = arith.constant 0 : i32
    %dma_start3A_52 = tpu.memref_slice %arg2[%dma_start3A_50, %dma_start3A_51] : memref<10240x128xf32, #tpu.memory_space<hbm>> -> memref<10240x128xf32, #tpu.memory_space<hbm>>
    tpu.enqueue_indirect_dma source(%dma_start3A_52 : memref<10240x128xf32, #tpu.memory_space<hbm>>) target(%dma_start3A_42 : memref<80x128xf32, #tpu.memory_space<vmem>>) offsets(%dma_start3A_49 : memref<80xi32, #tpu.memory_space<vmem>>) semaphore(%arg9 : memref<!tpu.dma_semaphore, #tpu.memory_space<semaphore_mem>>)
    %scan3A_53 = arith.constant 0 : i32
    %scan3A_54 = arith.constant 0 : i32
    %scan3A_55 = arith.constant 1 : i32
    %scan3A_56 = arith.constant 0 : i32
    %scan3A_57 = arith.constant 61 : i32
    %scan3A_58 = arith.addi %scan3A_56, %scan3A_57 : i32
    %scan3A_59 = arith.constant 1 : i32
    scf.for %scan3A_111 = %scan3A_56 to %scan3A_58 step %scan3A_59  : i32 {
      %rem3A = arith.constant 2 : i32
      %rem3A_112 = arith.remsi %scan3A_111, %rem3A : i32
      %sub3A = arith.constant 1 : i32
      %sub3A_113 = arith.subi %sub3A, %rem3A_112 : i32
      %dma_wait3A = arith.constant 0 : i32
      %dma_wait3A_114 = arith.constant 0 : i32
      %dma_wait3A_115 = tpu.memref_slice %arg7[%rem3A_112, %dma_wait3A, %dma_wait3A_114] : memref<2x80x128xf32, #tpu.memory_space<vmem>> -> memref<1x80x128xf32, #tpu.memory_space<vmem>>
      %dma_wait3A_116 = tpu.memref_squeeze %dma_wait3A_115 : memref<1x80x128xf32, #tpu.memory_space<vmem>> -> memref<80x128xf32, #tpu.memory_space<vmem>>
      %dma_wait3A_117 = arith.constant 0 : i32
      %dma_wait3A_118 = arith.constant 0 : i32
      %dma_wait3A_119 = tpu.memref_slice %arg6[%scan3A_54, %dma_wait3A_117, %dma_wait3A_118] : memref<2x64x80xi32, #tpu.memory_space<vmem>> -> memref<1x64x80xi32, #tpu.memory_space<vmem>>
      %dma_wait3A_120 = tpu.memref_squeeze %dma_wait3A_119 : memref<1x64x80xi32, #tpu.memory_space<vmem>> -> memref<64x80xi32, #tpu.memory_space<vmem>>
      %dma_wait3A_121 = arith.constant 0 : i32
      %dma_wait3A_122 = tpu.memref_slice %dma_wait3A_120[%scan3A_111, %dma_wait3A_121] : memref<64x80xi32, #tpu.memory_space<vmem>> -> memref<1x80xi32, #tpu.memory_space<vmem>>
      %dma_wait3A_123 = tpu.memref_squeeze %dma_wait3A_122 : memref<1x80xi32, #tpu.memory_space<vmem>> -> memref<80xi32, #tpu.memory_space<vmem>>
      %dma_wait3A_124 = arith.constant 0 : i32
      %dma_wait3A_125 = arith.constant 0 : i32
      %dma_wait3A_126 = tpu.memref_slice %arg2[%dma_wait3A_124, %dma_wait3A_125] : memref<10240x128xf32, #tpu.memory_space<hbm>> -> memref<10240x128xf32, #tpu.memory_space<hbm>>
      tpu.wait_indirect_dma semaphore(%arg9 : memref<!tpu.dma_semaphore, #tpu.memory_space<semaphore_mem>>) src(%dma_wait3A_126 : memref<10240x128xf32, #tpu.memory_space<hbm>>) dst(%dma_wait3A_116 : memref<80x128xf32, #tpu.memory_space<vmem>>)
      %add3A_127 = arith.constant 1 : i32
      %add3A_128 = arith.addi %scan3A_111, %add3A_127 : i32
      %lt3A = arith.constant 61 : i32
      %lt3A_129 = arith.cmpi slt, %add3A_128, %lt3A : i32
      %convert_element_type3A = arith.extui %lt3A_129 : i1 to i32
      %cond3A = arith.constant 0 : i32
      %cond3A_130 = arith.cmpi ne, %convert_element_type3A, %cond3A : i32
      scf.if %cond3A_130 {
        %add3A_131 = arith.constant 1 : i32
        %add3A_132 = arith.addi %scan3A_111, %add3A_131 : i32
        %dma_start3A_133 = arith.constant 0 : i32
        %dma_start3A_134 = arith.constant 0 : i32
        %dma_start3A_135 = tpu.memref_slice %arg7[%sub3A_113, %dma_start3A_133, %dma_start3A_134] : memref<2x80x128xf32, #tpu.memory_space<vmem>> -> memref<1x80x128xf32, #tpu.memory_space<vmem>>
        %dma_start3A_136 = tpu.memref_squeeze %dma_start3A_135 : memref<1x80x128xf32, #tpu.memory_space<vmem>> -> memref<80x128xf32, #tpu.memory_space<vmem>>
        %dma_start3A_137 = arith.constant 0 : i32
        %dma_start3A_138 = arith.constant 0 : i32
        %dma_start3A_139 = tpu.memref_slice %arg6[%scan3A_54, %dma_start3A_137, %dma_start3A_138] : memref<2x64x80xi32, #tpu.memory_space<vmem>> -> memref<1x64x80xi32, #tpu.memory_space<vmem>>
        %dma_start3A_140 = tpu.memref_squeeze %dma_start3A_139 : memref<1x64x80xi32, #tpu.memory_space<vmem>> -> memref<64x80xi32, #tpu.memory_space<vmem>>
        %dma_start3A_141 = arith.constant 0 : i32
        %dma_start3A_142 = tpu.memref_slice %dma_start3A_140[%add3A_132, %dma_start3A_141] : memref<64x80xi32, #tpu.memory_space<vmem>> -> memref<1x80xi32, #tpu.memory_space<vmem>>
        %dma_start3A_143 = tpu.memref_squeeze %dma_start3A_142 : memref<1x80xi32, #tpu.memory_space<vmem>> -> memref<80xi32, #tpu.memory_space<vmem>>
        %dma_start3A_144 = arith.constant 0 : i32
        %dma_start3A_145 = arith.constant 0 : i32
        %dma_start3A_146 = tpu.memref_slice %arg2[%dma_start3A_144, %dma_start3A_145] : memref<10240x128xf32, #tpu.memory_space<hbm>> -> memref<10240x128xf32, #tpu.memory_space<hbm>>
        tpu.enqueue_indirect_dma source(%dma_start3A_146 : memref<10240x128xf32, #tpu.memory_space<hbm>>) target(%dma_start3A_136 : memref<80x128xf32, #tpu.memory_space<vmem>>) offsets(%dma_start3A_143 : memref<80xi32, #tpu.memory_space<vmem>>) semaphore(%arg9 : memref<!tpu.dma_semaphore, #tpu.memory_space<semaphore_mem>>)
      } else {
      }
      "tpu.region"() ({
        %run_scoped3A_131 = tpu.sem_alloc : memref<!tpu.dma_semaphore, #tpu.memory_space<semaphore_mem>>
        %dma_start3A_132 = arith.constant 0 : i32
        %dma_start3A_133 = arith.constant 0 : i32
        %dma_start3A_134 = tpu.memref_slice %arg7[%rem3A_112, %dma_start3A_132, %dma_start3A_133] : memref<2x80x128xf32, #tpu.memory_space<vmem>> -> memref<1x80x128xf32, #tpu.memory_space<vmem>>
        %dma_start3A_135 = tpu.memref_squeeze %dma_start3A_134 : memref<1x80x128xf32, #tpu.memory_space<vmem>> -> memref<80x128xf32, #tpu.memory_space<vmem>>
        %dma_start3A_136 = arith.constant 0 : i32
        %dma_start3A_137 = arith.constant 0 : i32
        %dma_start3A_138 = tpu.memref_slice %arg6[%scan3A_55, %dma_start3A_136, %dma_start3A_137] : memref<2x64x80xi32, #tpu.memory_space<vmem>> -> memref<1x64x80xi32, #tpu.memory_space<vmem>>
        %dma_start3A_139 = tpu.memref_squeeze %dma_start3A_138 : memref<1x64x80xi32, #tpu.memory_space<vmem>> -> memref<64x80xi32, #tpu.memory_space<vmem>>
        %dma_start3A_140 = arith.constant 0 : i32
        %dma_start3A_141 = tpu.memref_slice %dma_start3A_139[%scan3A_111, %dma_start3A_140] : memref<64x80xi32, #tpu.memory_space<vmem>> -> memref<1x80xi32, #tpu.memory_space<vmem>>
        %dma_start3A_142 = tpu.memref_squeeze %dma_start3A_141 : memref<1x80xi32, #tpu.memory_space<vmem>> -> memref<80xi32, #tpu.memory_space<vmem>>
        %dma_start3A_143 = arith.constant 0 : i32
        %dma_start3A_144 = arith.constant 0 : i32
        %dma_start3A_145 = tpu.memref_slice %arg8[%dma_start3A_143, %dma_start3A_144] : memref<10240x128xf32, #tpu.memory_space<vmem_shared>> -> memref<10240x128xf32, #tpu.memory_space<vmem_shared>>
        tpu.enqueue_indirect_dma source(%dma_start3A_135 : memref<80x128xf32, #tpu.memory_space<vmem>>) target(%dma_start3A_145 : memref<10240x128xf32, #tpu.memory_space<vmem_shared>>) offsets(%dma_start3A_142 : memref<80xi32, #tpu.memory_space<vmem>>) semaphore(%run_scoped3A_131 : memref<!tpu.dma_semaphore, #tpu.memory_space<semaphore_mem>>) {add = true}
        %dma_wait3A_146 = arith.constant 0 : i32
        %dma_wait3A_147 = arith.constant 0 : i32
        %dma_wait3A_148 = tpu.memref_slice %arg7[%rem3A_112, %dma_wait3A_146, %dma_wait3A_147] : memref<2x80x128xf32, #tpu.memory_space<vmem>> -> memref<1x80x128xf32, #tpu.memory_space<vmem>>
        %dma_wait3A_149 = tpu.memref_squeeze %dma_wait3A_148 : memref<1x80x128xf32, #tpu.memory_space<vmem>> -> memref<80x128xf32, #tpu.memory_space<vmem>>
        %dma_wait3A_150 = arith.constant 0 : i32
        %dma_wait3A_151 = arith.constant 0 : i32
        %dma_wait3A_152 = tpu.memref_slice %arg6[%scan3A_55, %dma_wait3A_150, %dma_wait3A_151] : memref<2x64x80xi32, #tpu.memory_space<vmem>> -> memref<1x64x80xi32, #tpu.memory_space<vmem>>
        %dma_wait3A_153 = tpu.memref_squeeze %dma_wait3A_152 : memref<1x64x80xi32, #tpu.memory_space<vmem>> -> memref<64x80xi32, #tpu.memory_space<vmem>>
        %dma_wait3A_154 = arith.constant 0 : i32
        %dma_wait3A_155 = tpu.memref_slice %dma_wait3A_153[%scan3A_111, %dma_wait3A_154] : memref<64x80xi32, #tpu.memory_space<vmem>> -> memref<1x80xi32, #tpu.memory_space<vmem>>
        %dma_wait3A_156 = tpu.memref_squeeze %dma_wait3A_155 : memref<1x80xi32, #tpu.memory_space<vmem>> -> memref<80xi32, #tpu.memory_space<vmem>>
        %dma_wait3A_157 = arith.constant 0 : i32
        %dma_wait3A_158 = arith.constant 0 : i32
        %dma_wait3A_159 = tpu.memref_slice %arg8[%dma_wait3A_157, %dma_wait3A_158] : memref<10240x128xf32, #tpu.memory_space<vmem_shared>> -> memref<10240x128xf32, #tpu.memory_space<vmem_shared>>
        tpu.wait_indirect_dma semaphore(%run_scoped3A_131 : memref<!tpu.dma_semaphore, #tpu.memory_space<semaphore_mem>>) src(%dma_wait3A_149 : memref<80x128xf32, #tpu.memory_space<vmem>>) dst(%dma_wait3A_159 : memref<10240x128xf32, #tpu.memory_space<vmem_shared>>)
        tpu.yield
      }) : () -> ()
    }
    %scan3A_60 = arith.constant 61 : i32
    %barrier3A_61 = arith.constant 0 : index
    tpu.barrier barrier_id(%barrier3A_61)
    %mul3A_62 = arith.constant 640 : i32
    %mul3A_63 = arith.muli %arg1, %mul3A_62 : i32
    %mul3A_64 = arith.constant 10240 : i32
    %mul3A_65 = arith.muli %arg0, %mul3A_64 : i32
    %mul3A_66 = arith.constant 640 : i32
    %mul3A_67 = arith.muli %arg1, %mul3A_66 : i32
    %add3A_68 = arith.addi %mul3A_65, %mul3A_67 : i32
    "tpu.region"() ({
      %run_scoped3A_111 = tpu.sem_alloc : memref<!tpu.dma_semaphore, #tpu.memory_space<semaphore_mem>>
      %dma_start3A_112 = arith.constant 0 : i32
      %dma_start3A_113 = tpu.memref_slice %arg4[%add3A_68, %dma_start3A_112] : memref<20480x128xf32, #tpu.memory_space<hbm>> -> memref<640x128xf32, #tpu.memory_space<hbm>>
      %dma_start3A_114 = arith.constant 0 : i32
      %dma_start3A_115 = tpu.memref_slice %arg8[%mul3A_63, %dma_start3A_114] : memref<10240x128xf32, #tpu.memory_space<vmem_shared>> -> memref<640x128xf32, #tpu.memory_space<vmem_shared>>
      tpu.enqueue_dma source(%dma_start3A_115 : memref<640x128xf32, #tpu.memory_space<vmem_shared>>) target(%dma_start3A_113 : memref<640x128xf32, #tpu.memory_space<hbm>>) target_semaphore(%run_scoped3A_111 : memref<!tpu.dma_semaphore, #tpu.memory_space<semaphore_mem>>)
      %dma_wait3A = arith.constant 0 : i32
      %dma_wait3A_116 = tpu.memref_slice %arg4[%add3A_68, %dma_wait3A] : memref<20480x128xf32, #tpu.memory_space<hbm>> -> memref<640x128xf32, #tpu.memory_space<hbm>>
      %dma_wait3A_117 = arith.constant 0 : i32
      %dma_wait3A_118 = tpu.memref_slice %arg8[%mul3A_63, %dma_wait3A_117] : memref<10240x128xf32, #tpu.memory_space<vmem_shared>> -> memref<640x128xf32, #tpu.memory_space<vmem_shared>>
      tpu.wait_dma2 semaphore(%run_scoped3A_111 : memref<!tpu.dma_semaphore, #tpu.memory_space<semaphore_mem>>) src(%dma_wait3A_118 : memref<640x128xf32, #tpu.memory_space<vmem_shared>>) dst(%dma_wait3A_116 : memref<640x128xf32, #tpu.memory_space<hbm>>)
      tpu.yield
    }) : () -> ()
    %barrier3A_69 = arith.constant 0 : index
    tpu.barrier barrier_id(%barrier3A_69)
    %scan3A_70 = arith.constant 0 : i32
    %scan3A_71 = arith.constant 0 : i32
    %scan3A_72 = arith.constant 80 : i32
    %scan3A_73 = arith.addi %scan3A_71, %scan3A_72 : i32
    %scan3A_74 = arith.constant 1 : i32
    scf.for %scan3A_111 = %scan3A_71 to %scan3A_73 step %scan3A_74  : i32 {
      %broadcast_in_dim3A = arith.constant 0.000000e+00 : f32
      %broadcast_in_dim3A_112 = vector.broadcast %broadcast_in_dim3A : f32 to vector<16xf32>
      %swap3A = arith.constant 0 : i32
      %swap3A_113 = arith.index_cast %swap3A : i32 to index
      %swap3A_114 = arith.index_cast %scan3A_111 : i32 to index
      %swap3A_115 = arith.constant 0 : index
      %swap3A_116 = tpu.vector_load %arg7[%swap3A_113, %swap3A_114, %swap3A_115] {strides = array<i32>} : memref<2x80x128xf32, #tpu.memory_space<vmem>>, vector<1x1x16xf32>,
      %swap3A_117 = vector.shape_cast %swap3A_116 : vector<1x1x16xf32> to vector<16xf32>
      %swap3A_118 = vector.shape_cast %broadcast_in_dim3A_112 : vector<16xf32> to vector<1x1x16xf32>
      tpu.vector_store %arg7[%swap3A_113, %swap3A_114, %swap3A_115], %swap3A_118 {strides = array<i32>} : memref<2x80x128xf32, #tpu.memory_space<vmem>>, vector<1x1x16xf32>,
      %broadcast_in_dim3A_119 = arith.constant 0.000000e+00 : f32
      %broadcast_in_dim3A_120 = vector.broadcast %broadcast_in_dim3A_119 : f32 to vector<16xf32>
      %swap3A_121 = arith.constant 0 : i32
      %swap3A_122 = arith.index_cast %swap3A_121 : i32 to index
      %swap3A_123 = arith.index_cast %scan3A_111 : i32 to index
      %swap3A_124 = arith.constant 16 : index
      %swap3A_125 = tpu.vector_load %arg7[%swap3A_122, %swap3A_123, %swap3A_124] {strides = array<i32>} : memref<2x80x128xf32, #tpu.memory_space<vmem>>, vector<1x1x16xf32>,
      %swap3A_126 = vector.shape_cast %swap3A_125 : vector<1x1x16xf32> to vector<16xf32>
      %swap3A_127 = vector.shape_cast %broadcast_in_dim3A_120 : vector<16xf32> to vector<1x1x16xf32>
      tpu.vector_store %arg7[%swap3A_122, %swap3A_123, %swap3A_124], %swap3A_127 {strides = array<i32>} : memref<2x80x128xf32, #tpu.memory_space<vmem>>, vector<1x1x16xf32>,
      %broadcast_in_dim3A_128 = arith.constant 0.000000e+00 : f32
      %broadcast_in_dim3A_129 = vector.broadcast %broadcast_in_dim3A_128 : f32 to vector<16xf32>
      %swap3A_130 = arith.constant 0 : i32
      %swap3A_131 = arith.index_cast %swap3A_130 : i32 to index
      %swap3A_132 = arith.index_cast %scan3A_111 : i32 to index
      %swap3A_133 = arith.constant 32 : index
      %swap3A_134 = tpu.vector_load %arg7[%swap3A_131, %swap3A_132, %swap3A_133] {strides = array<i32>} : memref<2x80x128xf32, #tpu.memory_space<vmem>>, vector<1x1x16xf32>,
      %swap3A_135 = vector.shape_cast %swap3A_134 : vector<1x1x16xf32> to vector<16xf32>
      %swap3A_136 = vector.shape_cast %broadcast_in_dim3A_129 : vector<16xf32> to vector<1x1x16xf32>
      tpu.vector_store %arg7[%swap3A_131, %swap3A_132, %swap3A_133], %swap3A_136 {strides = array<i32>} : memref<2x80x128xf32, #tpu.memory_space<vmem>>, vector<1x1x16xf32>,
      %broadcast_in_dim3A_137 = arith.constant 0.000000e+00 : f32
      %broadcast_in_dim3A_138 = vector.broadcast %broadcast_in_dim3A_137 : f32 to vector<16xf32>
      %swap3A_139 = arith.constant 0 : i32
      %swap3A_140 = arith.index_cast %swap3A_139 : i32 to index
      %swap3A_141 = arith.index_cast %scan3A_111 : i32 to index
      %swap3A_142 = arith.constant 48 : index
      %swap3A_143 = tpu.vector_load %arg7[%swap3A_140, %swap3A_141, %swap3A_142] {strides = array<i32>} : memref<2x80x128xf32, #tpu.memory_space<vmem>>, vector<1x1x16xf32>,
      %swap3A_144 = vector.shape_cast %swap3A_143 : vector<1x1x16xf32> to vector<16xf32>
      %swap3A_145 = vector.shape_cast %broadcast_in_dim3A_138 : vector<16xf32> to vector<1x1x16xf32>
      tpu.vector_store %arg7[%swap3A_140, %swap3A_141, %swap3A_142], %swap3A_145 {strides = array<i32>} : memref<2x80x128xf32, #tpu.memory_space<vmem>>, vector<1x1x16xf32>,
      %broadcast_in_dim3A_146 = arith.constant 0.000000e+00 : f32
      %broadcast_in_dim3A_147 = vector.broadcast %broadcast_in_dim3A_146 : f32 to vector<16xf32>
      %swap3A_148 = arith.constant 0 : i32
      %swap3A_149 = arith.index_cast %swap3A_148 : i32 to index
      %swap3A_150 = arith.index_cast %scan3A_111 : i32 to index
      %swap3A_151 = arith.constant 64 : index
      %swap3A_152 = tpu.vector_load %arg7[%swap3A_149, %swap3A_150, %swap3A_151] {strides = array<i32>} : memref<2x80x128xf32, #tpu.memory_space<vmem>>, vector<1x1x16xf32>,
      %swap3A_153 = vector.shape_cast %swap3A_152 : vector<1x1x16xf32> to vector<16xf32>
      %swap3A_154 = vector.shape_cast %broadcast_in_dim3A_147 : vector<16xf32> to vector<1x1x16xf32>
      tpu.vector_store %arg7[%swap3A_149, %swap3A_150, %swap3A_151], %swap3A_154 {strides = array<i32>} : memref<2x80x128xf32, #tpu.memory_space<vmem>>, vector<1x1x16xf32>,
      %broadcast_in_dim3A_155 = arith.constant 0.000000e+00 : f32
      %broadcast_in_dim3A_156 = vector.broadcast %broadcast_in_dim3A_155 : f32 to vector<16xf32>
      %swap3A_157 = arith.constant 0 : i32
      %swap3A_158 = arith.index_cast %swap3A_157 : i32 to index
      %swap3A_159 = arith.index_cast %scan3A_111 : i32 to index
      %swap3A_160 = arith.constant 80 : index
      %swap3A_161 = tpu.vector_load %arg7[%swap3A_158, %swap3A_159, %swap3A_160] {strides = array<i32>} : memref<2x80x128xf32, #tpu.memory_space<vmem>>, vector<1x1x16xf32>,
      %swap3A_162 = vector.shape_cast %swap3A_161 : vector<1x1x16xf32> to vector<16xf32>
      %swap3A_163 = vector.shape_cast %broadcast_in_dim3A_156 : vector<16xf32> to vector<1x1x16xf32>
      tpu.vector_store %arg7[%swap3A_158, %swap3A_159, %swap3A_160], %swap3A_163 {strides = array<i32>} : memref<2x80x128xf32, #tpu.memory_space<vmem>>, vector<1x1x16xf32>,
      %broadcast_in_dim3A_164 = arith.constant 0.000000e+00 : f32
      %broadcast_in_dim3A_165 = vector.broadcast %broadcast_in_dim3A_164 : f32 to vector<16xf32>
      %swap3A_166 = arith.constant 0 : i32
      %swap3A_167 = arith.index_cast %swap3A_166 : i32 to index
      %swap3A_168 = arith.index_cast %scan3A_111 : i32 to index
      %swap3A_169 = arith.constant 96 : index
      %swap3A_170 = tpu.vector_load %arg7[%swap3A_167, %swap3A_168, %swap3A_169] {strides = array<i32>} : memref<2x80x128xf32, #tpu.memory_space<vmem>>, vector<1x1x16xf32>,
      %swap3A_171 = vector.shape_cast %swap3A_170 : vector<1x1x16xf32> to vector<16xf32>
      %swap3A_172 = vector.shape_cast %broadcast_in_dim3A_165 : vector<16xf32> to vector<1x1x16xf32>
      tpu.vector_store %arg7[%swap3A_167, %swap3A_168, %swap3A_169], %swap3A_172 {strides = array<i32>} : memref<2x80x128xf32, #tpu.memory_space<vmem>>, vector<1x1x16xf32>,
      %broadcast_in_dim3A_173 = arith.constant 0.000000e+00 : f32
      %broadcast_in_dim3A_174 = vector.broadcast %broadcast_in_dim3A_173 : f32 to vector<16xf32>
      %swap3A_175 = arith.constant 0 : i32
      %swap3A_176 = arith.index_cast %swap3A_175 : i32 to index
      %swap3A_177 = arith.index_cast %scan3A_111 : i32 to index
      %swap3A_178 = arith.constant 112 : index
      %swap3A_179 = tpu.vector_load %arg7[%swap3A_176, %swap3A_177, %swap3A_178] {strides = array<i32>} : memref<2x80x128xf32, #tpu.memory_space<vmem>>, vector<1x1x16xf32>,
      %swap3A_180 = vector.shape_cast %swap3A_179 : vector<1x1x16xf32> to vector<16xf32>
      %swap3A_181 = vector.shape_cast %broadcast_in_dim3A_174 : vector<16xf32> to vector<1x1x16xf32>
      tpu.vector_store %arg7[%swap3A_176, %swap3A_177, %swap3A_178], %swap3A_181 {strides = array<i32>} : memref<2x80x128xf32, #tpu.memory_space<vmem>>, vector<1x1x16xf32>,
    }
    %scan3A_75 = arith.constant 80 : i32
    %scan3A_76 = arith.constant 0 : i32
    %scan3A_77 = arith.constant 0 : i32
    %scan3A_78 = arith.constant 8 : i32
    %scan3A_79 = arith.addi %scan3A_77, %scan3A_78 : i32
    %scan3A_80 = arith.constant 1 : i32
    scf.for %scan3A_111 = %scan3A_77 to %scan3A_79 step %scan3A_80  : i32 {
      %mul3A_112 = arith.constant 640 : i32
      %mul3A_113 = arith.muli %arg1, %mul3A_112 : i32
      %mul3A_114 = arith.constant 80 : i32
      %mul3A_115 = arith.muli %scan3A_111, %mul3A_114 : i32
      %add3A_116 = arith.addi %mul3A_113, %mul3A_115 : i32
      %run_scoped3A_117 = arith.constant 0 : i32
      "tpu.region"() ({
        %run_scoped3A_118 = tpu.sem_alloc : memref<!tpu.dma_semaphore, #tpu.memory_space<semaphore_mem>>
        %dma_start3A_119 = arith.constant 0 : i32
        %dma_start3A_120 = arith.constant 0 : i32
        %dma_start3A_121 = tpu.memref_slice %arg7[%run_scoped3A_117, %dma_start3A_119, %dma_start3A_120] : memref<2x80x128xf32, #tpu.memory_space<vmem>> -> memref<1x80x128xf32, #tpu.memory_space<vmem>>
        %dma_start3A_122 = tpu.memref_squeeze %dma_start3A_121 : memref<1x80x128xf32, #tpu.memory_space<vmem>> -> memref<80x128xf32, #tpu.memory_space<vmem>>
        %dma_start3A_123 = arith.constant 0 : i32
        %dma_start3A_124 = tpu.memref_slice %arg8[%add3A_116, %dma_start3A_123] : memref<10240x128xf32, #tpu.memory_space<vmem_shared>> -> memref<80x128xf32, #tpu.memory_space<vmem_shared>>
        %dma_start3A_125 = arith.constant 0 : i32
        %dma_start3A_126 = tpu.memref_slice %arg8[%add3A_116, %dma_start3A_125] : memref<10240x128xf32, #tpu.memory_space<vmem_shared>> -> memref<80x128xf32, #tpu.memory_space<vmem_shared>>
        %dma_start3A_127 = arith.constant 0 : i32
        %dma_start3A_128 = arith.constant 0 : i32
        %dma_start3A_129 = tpu.memref_slice %arg7[%run_scoped3A_117, %dma_start3A_127, %dma_start3A_128] : memref<2x80x128xf32, #tpu.memory_space<vmem>> -> memref<1x80x128xf32, #tpu.memory_space<vmem>>
        %dma_start3A_130 = tpu.memref_squeeze %dma_start3A_129 : memref<1x80x128xf32, #tpu.memory_space<vmem>> -> memref<80x128xf32, #tpu.memory_space<vmem>>
        tpu.enqueue_dma source(%dma_start3A_130 : memref<80x128xf32, #tpu.memory_space<vmem>>) target(%dma_start3A_126 : memref<80x128xf32, #tpu.memory_space<vmem_shared>>) target_semaphore(%run_scoped3A_118 : memref<!tpu.dma_semaphore, #tpu.memory_space<semaphore_mem>>)
        %dma_wait3A = arith.constant 0 : i32
        %dma_wait3A_131 = arith.constant 0 : i32
        %dma_wait3A_132 = tpu.memref_slice %arg7[%run_scoped3A_117, %dma_wait3A, %dma_wait3A_131] : memref<2x80x128xf32, #tpu.memory_space<vmem>> -> memref<1x80x128xf32, #tpu.memory_space<vmem>>
        %dma_wait3A_133 = tpu.memref_squeeze %dma_wait3A_132 : memref<1x80x128xf32, #tpu.memory_space<vmem>> -> memref<80x128xf32, #tpu.memory_space<vmem>>
        %dma_wait3A_134 = arith.constant 0 : i32
        %dma_wait3A_135 = tpu.memref_slice %arg8[%add3A_116, %dma_wait3A_134] : memref<10240x128xf32, #tpu.memory_space<vmem_shared>> -> memref<80x128xf32, #tpu.memory_space<vmem_shared>>
        %dma_wait3A_136 = arith.constant 0 : i32
        %dma_wait3A_137 = tpu.memref_slice %arg8[%add3A_116, %dma_wait3A_136] : memref<10240x128xf32, #tpu.memory_space<vmem_shared>> -> memref<80x128xf32, #tpu.memory_space<vmem_shared>>
        %dma_wait3A_138 = arith.constant 0 : i32
        %dma_wait3A_139 = arith.constant 0 : i32
        %dma_wait3A_140 = tpu.memref_slice %arg7[%run_scoped3A_117, %dma_wait3A_138, %dma_wait3A_139] : memref<2x80x128xf32, #tpu.memory_space<vmem>> -> memref<1x80x128xf32, #tpu.memory_space<vmem>>
        %dma_wait3A_141 = tpu.memref_squeeze %dma_wait3A_140 : memref<1x80x128xf32, #tpu.memory_space<vmem>> -> memref<80x128xf32, #tpu.memory_space<vmem>>
        tpu.wait_dma2 semaphore(%run_scoped3A_118 : memref<!tpu.dma_semaphore, #tpu.memory_space<semaphore_mem>>) src(%dma_wait3A_141 : memref<80x128xf32, #tpu.memory_space<vmem>>) dst(%dma_wait3A_137 : memref<80x128xf32, #tpu.memory_space<vmem_shared>>)
        tpu.yield
      }) : () -> ()
    }
    %scan3A_81 = arith.constant 8 : i32
    %scan3A_82 = arith.constant 0 : i32
    %scan3A_83 = arith.constant 0 : i32
    %scan3A_84 = arith.constant 80 : i32
    %scan3A_85 = arith.addi %scan3A_83, %scan3A_84 : i32
    %scan3A_86 = arith.constant 1 : i32
    scf.for %scan3A_111 = %scan3A_83 to %scan3A_85 step %scan3A_86  : i32 {
      %broadcast_in_dim3A = arith.constant 1.000000e+00 : f32
      %broadcast_in_dim3A_112 = vector.broadcast %broadcast_in_dim3A : f32 to vector<16xf32>
      %swap3A = arith.constant 0 : i32
      %swap3A_113 = arith.index_cast %swap3A : i32 to index
      %swap3A_114 = arith.index_cast %scan3A_111 : i32 to index
      %swap3A_115 = arith.constant 0 : index
      %swap3A_116 = tpu.vector_load %arg7[%swap3A_113, %swap3A_114, %swap3A_115] {strides = array<i32>} : memref<2x80x128xf32, #tpu.memory_space<vmem>>, vector<1x1x16xf32>,
      %swap3A_117 = vector.shape_cast %swap3A_116 : vector<1x1x16xf32> to vector<16xf32>
      %swap3A_118 = vector.shape_cast %broadcast_in_dim3A_112 : vector<16xf32> to vector<1x1x16xf32>
      tpu.vector_store %arg7[%swap3A_113, %swap3A_114, %swap3A_115], %swap3A_118 {strides = array<i32>} : memref<2x80x128xf32, #tpu.memory_space<vmem>>, vector<1x1x16xf32>,
      %broadcast_in_dim3A_119 = arith.constant 1.000000e+00 : f32
      %broadcast_in_dim3A_120 = vector.broadcast %broadcast_in_dim3A_119 : f32 to vector<16xf32>
      %swap3A_121 = arith.constant 0 : i32
      %swap3A_122 = arith.index_cast %swap3A_121 : i32 to index
      %swap3A_123 = arith.index_cast %scan3A_111 : i32 to index
      %swap3A_124 = arith.constant 16 : index
      %swap3A_125 = tpu.vector_load %arg7[%swap3A_122, %swap3A_123, %swap3A_124] {strides = array<i32>} : memref<2x80x128xf32, #tpu.memory_space<vmem>>, vector<1x1x16xf32>,
      %swap3A_126 = vector.shape_cast %swap3A_125 : vector<1x1x16xf32> to vector<16xf32>
      %swap3A_127 = vector.shape_cast %broadcast_in_dim3A_120 : vector<16xf32> to vector<1x1x16xf32>
      tpu.vector_store %arg7[%swap3A_122, %swap3A_123, %swap3A_124], %swap3A_127 {strides = array<i32>} : memref<2x80x128xf32, #tpu.memory_space<vmem>>, vector<1x1x16xf32>,
      %broadcast_in_dim3A_128 = arith.constant 1.000000e+00 : f32
      %broadcast_in_dim3A_129 = vector.broadcast %broadcast_in_dim3A_128 : f32 to vector<16xf32>
      %swap3A_130 = arith.constant 0 : i32
      %swap3A_131 = arith.index_cast %swap3A_130 : i32 to index
      %swap3A_132 = arith.index_cast %scan3A_111 : i32 to index
      %swap3A_133 = arith.constant 32 : index
      %swap3A_134 = tpu.vector_load %arg7[%swap3A_131, %swap3A_132, %swap3A_133] {strides = array<i32>} : memref<2x80x128xf32, #tpu.memory_space<vmem>>, vector<1x1x16xf32>,
      %swap3A_135 = vector.shape_cast %swap3A_134 : vector<1x1x16xf32> to vector<16xf32>
      %swap3A_136 = vector.shape_cast %broadcast_in_dim3A_129 : vector<16xf32> to vector<1x1x16xf32>
      tpu.vector_store %arg7[%swap3A_131, %swap3A_132, %swap3A_133], %swap3A_136 {strides = array<i32>} : memref<2x80x128xf32, #tpu.memory_space<vmem>>, vector<1x1x16xf32>,
      %broadcast_in_dim3A_137 = arith.constant 1.000000e+00 : f32
      %broadcast_in_dim3A_138 = vector.broadcast %broadcast_in_dim3A_137 : f32 to vector<16xf32>
      %swap3A_139 = arith.constant 0 : i32
      %swap3A_140 = arith.index_cast %swap3A_139 : i32 to index
      %swap3A_141 = arith.index_cast %scan3A_111 : i32 to index
      %swap3A_142 = arith.constant 48 : index
      %swap3A_143 = tpu.vector_load %arg7[%swap3A_140, %swap3A_141, %swap3A_142] {strides = array<i32>} : memref<2x80x128xf32, #tpu.memory_space<vmem>>, vector<1x1x16xf32>,
      %swap3A_144 = vector.shape_cast %swap3A_143 : vector<1x1x16xf32> to vector<16xf32>
      %swap3A_145 = vector.shape_cast %broadcast_in_dim3A_138 : vector<16xf32> to vector<1x1x16xf32>
      tpu.vector_store %arg7[%swap3A_140, %swap3A_141, %swap3A_142], %swap3A_145 {strides = array<i32>} : memref<2x80x128xf32, #tpu.memory_space<vmem>>, vector<1x1x16xf32>,
      %broadcast_in_dim3A_146 = arith.constant 1.000000e+00 : f32
      %broadcast_in_dim3A_147 = vector.broadcast %broadcast_in_dim3A_146 : f32 to vector<16xf32>
      %swap3A_148 = arith.constant 0 : i32
      %swap3A_149 = arith.index_cast %swap3A_148 : i32 to index
      %swap3A_150 = arith.index_cast %scan3A_111 : i32 to index
      %swap3A_151 = arith.constant 64 : index
      %swap3A_152 = tpu.vector_load %arg7[%swap3A_149, %swap3A_150, %swap3A_151] {strides = array<i32>} : memref<2x80x128xf32, #tpu.memory_space<vmem>>, vector<1x1x16xf32>,
      %swap3A_153 = vector.shape_cast %swap3A_152 : vector<1x1x16xf32> to vector<16xf32>
      %swap3A_154 = vector.shape_cast %broadcast_in_dim3A_147 : vector<16xf32> to vector<1x1x16xf32>
      tpu.vector_store %arg7[%swap3A_149, %swap3A_150, %swap3A_151], %swap3A_154 {strides = array<i32>} : memref<2x80x128xf32, #tpu.memory_space<vmem>>, vector<1x1x16xf32>,
      %broadcast_in_dim3A_155 = arith.constant 1.000000e+00 : f32
      %broadcast_in_dim3A_156 = vector.broadcast %broadcast_in_dim3A_155 : f32 to vector<16xf32>
      %swap3A_157 = arith.constant 0 : i32
      %swap3A_158 = arith.index_cast %swap3A_157 : i32 to index
      %swap3A_159 = arith.index_cast %scan3A_111 : i32 to index
      %swap3A_160 = arith.constant 80 : index
      %swap3A_161 = tpu.vector_load %arg7[%swap3A_158, %swap3A_159, %swap3A_160] {strides = array<i32>} : memref<2x80x128xf32, #tpu.memory_space<vmem>>, vector<1x1x16xf32>,
      %swap3A_162 = vector.shape_cast %swap3A_161 : vector<1x1x16xf32> to vector<16xf32>
      %swap3A_163 = vector.shape_cast %broadcast_in_dim3A_156 : vector<16xf32> to vector<1x1x16xf32>
      tpu.vector_store %arg7[%swap3A_158, %swap3A_159, %swap3A_160], %swap3A_163 {strides = array<i32>} : memref<2x80x128xf32, #tpu.memory_space<vmem>>, vector<1x1x16xf32>,
      %broadcast_in_dim3A_164 = arith.constant 1.000000e+00 : f32
      %broadcast_in_dim3A_165 = vector.broadcast %broadcast_in_dim3A_164 : f32 to vector<16xf32>
      %swap3A_166 = arith.constant 0 : i32
      %swap3A_167 = arith.index_cast %swap3A_166 : i32 to index
      %swap3A_168 = arith.index_cast %scan3A_111 : i32 to index
      %swap3A_169 = arith.constant 96 : index
      %swap3A_170 = tpu.vector_load %arg7[%swap3A_167, %swap3A_168, %swap3A_169] {strides = array<i32>} : memref<2x80x128xf32, #tpu.memory_space<vmem>>, vector<1x1x16xf32>,
      %swap3A_171 = vector.shape_cast %swap3A_170 : vector<1x1x16xf32> to vector<16xf32>
      %swap3A_172 = vector.shape_cast %broadcast_in_dim3A_165 : vector<16xf32> to vector<1x1x16xf32>
      tpu.vector_store %arg7[%swap3A_167, %swap3A_168, %swap3A_169], %swap3A_172 {strides = array<i32>} : memref<2x80x128xf32, #tpu.memory_space<vmem>>, vector<1x1x16xf32>,
      %broadcast_in_dim3A_173 = arith.constant 1.000000e+00 : f32
      %broadcast_in_dim3A_174 = vector.broadcast %broadcast_in_dim3A_173 : f32 to vector<16xf32>
      %swap3A_175 = arith.constant 0 : i32
      %swap3A_176 = arith.index_cast %swap3A_175 : i32 to index
      %swap3A_177 = arith.index_cast %scan3A_111 : i32 to index
      %swap3A_178 = arith.constant 112 : index
      %swap3A_179 = tpu.vector_load %arg7[%swap3A_176, %swap3A_177, %swap3A_178] {strides = array<i32>} : memref<2x80x128xf32, #tpu.memory_space<vmem>>, vector<1x1x16xf32>,
      %swap3A_180 = vector.shape_cast %swap3A_179 : vector<1x1x16xf32> to vector<16xf32>
      %swap3A_181 = vector.shape_cast %broadcast_in_dim3A_174 : vector<16xf32> to vector<1x1x16xf32>
      tpu.vector_store %arg7[%swap3A_176, %swap3A_177, %swap3A_178], %swap3A_181 {strides = array<i32>} : memref<2x80x128xf32, #tpu.memory_space<vmem>>, vector<1x1x16xf32>,
    }
    %scan3A_87 = arith.constant 80 : i32
    %barrier3A_88 = arith.constant 0 : index
    tpu.barrier barrier_id(%barrier3A_88)
    "tpu.region"() ({
      %run_scoped3A_111 = tpu.sem_alloc : memref<!tpu.dma_semaphore, #tpu.memory_space<semaphore_mem>>
      %dma_start3A_112 = arith.constant 0 : i32
      %dma_start3A_113 = arith.constant 0 : i32
      %dma_start3A_114 = arith.constant 0 : i32
      %dma_start3A_115 = tpu.memref_slice %arg3[%add3A, %dma_start3A_112, %dma_start3A_113, %dma_start3A_114] : memref<32x2x125x80xi32, #tpu.memory_space<hbm>> -> memref<1x2x64x80xi32, #tpu.memory_space<hbm>>
      %dma_start3A_116 = tpu.memref_squeeze %dma_start3A_115 : memref<1x2x64x80xi32, #tpu.memory_space<hbm>> -> memref<2x64x80xi32, #tpu.memory_space<hbm>>
      %dma_start3A_117 = arith.constant 0 : i32
      %dma_start3A_118 = arith.constant 0 : i32
      %dma_start3A_119 = arith.constant 0 : i32
      %dma_start3A_120 = tpu.memref_slice %arg3[%add3A, %dma_start3A_117, %dma_start3A_118, %dma_start3A_119] : memref<32x2x125x80xi32, #tpu.memory_space<hbm>> -> memref<1x2x64x80xi32, #tpu.memory_space<hbm>>
      %dma_start3A_121 = tpu.memref_squeeze %dma_start3A_120 : memref<1x2x64x80xi32, #tpu.memory_space<hbm>> -> memref<2x64x80xi32, #tpu.memory_space<hbm>>
      tpu.enqueue_dma source(%dma_start3A_121 : memref<2x64x80xi32, #tpu.memory_space<hbm>>) target(%arg6 : memref<2x64x80xi32, #tpu.memory_space<vmem>>) target_semaphore(%run_scoped3A_111 : memref<!tpu.dma_semaphore, #tpu.memory_space<semaphore_mem>>)
      %dma_wait3A = arith.constant 0 : i32
      %dma_wait3A_122 = arith.constant 0 : i32
      %dma_wait3A_123 = arith.constant 0 : i32
      %dma_wait3A_124 = tpu.memref_slice %arg3[%add3A, %dma_wait3A, %dma_wait3A_122, %dma_wait3A_123] : memref<32x2x125x80xi32, #tpu.memory_space<hbm>> -> memref<1x2x64x80xi32, #tpu.memory_space<hbm>>
      %dma_wait3A_125 = tpu.memref_squeeze %dma_wait3A_124 : memref<1x2x64x80xi32, #tpu.memory_space<hbm>> -> memref<2x64x80xi32, #tpu.memory_space<hbm>>
      %dma_wait3A_126 = arith.constant 0 : i32
      %dma_wait3A_127 = arith.constant 0 : i32
      %dma_wait3A_128 = arith.constant 0 : i32
      %dma_wait3A_129 = tpu.memref_slice %arg3[%add3A, %dma_wait3A_126, %dma_wait3A_127, %dma_wait3A_128] : memref<32x2x125x80xi32, #tpu.memory_space<hbm>> -> memref<1x2x64x80xi32, #tpu.memory_space<hbm>>
      %dma_wait3A_130 = tpu.memref_squeeze %dma_wait3A_129 : memref<1x2x64x80xi32, #tpu.memory_space<hbm>> -> memref<2x64x80xi32, #tpu.memory_space<hbm>>
      tpu.wait_dma2 semaphore(%run_scoped3A_111 : memref<!tpu.dma_semaphore, #tpu.memory_space<semaphore_mem>>) src(%dma_wait3A_130 : memref<2x64x80xi32, #tpu.memory_space<hbm>>) dst(%arg6 : memref<2x64x80xi32, #tpu.memory_space<vmem>>)
      tpu.yield
    }) : () -> ()
    %scan3A_89 = arith.constant 0 : i32
    %scan3A_90 = arith.constant 0 : i32
    %scan3A_91 = arith.constant 16 : i32
    %scan3A_92 = arith.addi %scan3A_90, %scan3A_91 : i32
    %scan3A_93 = arith.constant 1 : i32
    scf.for %scan3A_111 = %scan3A_90 to %scan3A_92 step %scan3A_93  : i32 {
      %mul3A_112 = arith.constant 4 : i32
      %mul3A_113 = arith.muli %mul3A_112, %scan3A_111 : i32
      %add3A_114 = arith.constant 0 : i32
      %add3A_115 = arith.addi %mul3A_113, %add3A_114 : i32
      %dma_start3A_116 = arith.constant 0 : i32
      %dma_start3A_117 = arith.constant 1 : i32
      %dma_start3A_118 = arith.constant 0 : i32
      %dma_start3A_119 = arith.constant 0 : i32
      %dma_start3A_120 = tpu.memref_slice %arg7[%dma_start3A_116, %dma_start3A_118, %dma_start3A_119] : memref<2x80x128xf32, #tpu.memory_space<vmem>> -> memref<1x80x128xf32, #tpu.memory_space<vmem>>
      %dma_start3A_121 = tpu.memref_squeeze %dma_start3A_120 : memref<1x80x128xf32, #tpu.memory_space<vmem>> -> memref<80x128xf32, #tpu.memory_space<vmem>>
      %dma_start3A_122 = arith.constant 0 : i32
      %dma_start3A_123 = arith.constant 0 : i32
      %dma_start3A_124 = tpu.memref_slice %arg6[%dma_start3A_117, %dma_start3A_122, %dma_start3A_123] : memref<2x64x80xi32, #tpu.memory_space<vmem>> -> memref<1x64x80xi32, #tpu.memory_space<vmem>>
      %dma_start3A_125 = tpu.memref_squeeze %dma_start3A_124 : memref<1x64x80xi32, #tpu.memory_space<vmem>> -> memref<64x80xi32, #tpu.memory_space<vmem>>
      %dma_start3A_126 = arith.constant 0 : i32
      %dma_start3A_127 = tpu.memref_slice %dma_start3A_125[%add3A_115, %dma_start3A_126] : memref<64x80xi32, #tpu.memory_space<vmem>> -> memref<1x80xi32, #tpu.memory_space<vmem>>
      %dma_start3A_128 = tpu.memref_squeeze %dma_start3A_127 : memref<1x80xi32, #tpu.memory_space<vmem>> -> memref<80xi32, #tpu.memory_space<vmem>>
      %dma_start3A_129 = arith.constant 0 : i32
      %dma_start3A_130 = arith.constant 0 : i32
      %dma_start3A_131 = tpu.memref_slice %arg8[%dma_start3A_129, %dma_start3A_130] : memref<10240x128xf32, #tpu.memory_space<vmem_shared>> -> memref<10240x128xf32, #tpu.memory_space<vmem_shared>>
      tpu.enqueue_indirect_dma source(%dma_start3A_121 : memref<80x128xf32, #tpu.memory_space<vmem>>) target(%dma_start3A_131 : memref<10240x128xf32, #tpu.memory_space<vmem_shared>>) offsets(%dma_start3A_128 : memref<80xi32, #tpu.memory_space<vmem>>) semaphore(%arg9 : memref<!tpu.dma_semaphore, #tpu.memory_space<semaphore_mem>>) {add = true}
      %add3A_132 = arith.constant 1 : i32
      %add3A_133 = arith.addi %mul3A_113, %add3A_132 : i32
      %dma_start3A_134 = arith.constant 0 : i32
      %dma_start3A_135 = arith.constant 1 : i32
      %dma_start3A_136 = arith.constant 0 : i32
      %dma_start3A_137 = arith.constant 0 : i32
      %dma_start3A_138 = tpu.memref_slice %arg7[%dma_start3A_134, %dma_start3A_136, %dma_start3A_137] : memref<2x80x128xf32, #tpu.memory_space<vmem>> -> memref<1x80x128xf32, #tpu.memory_space<vmem>>
      %dma_start3A_139 = tpu.memref_squeeze %dma_start3A_138 : memref<1x80x128xf32, #tpu.memory_space<vmem>> -> memref<80x128xf32, #tpu.memory_space<vmem>>
      %dma_start3A_140 = arith.constant 0 : i32
      %dma_start3A_141 = arith.constant 0 : i32
      %dma_start3A_142 = tpu.memref_slice %arg6[%dma_start3A_135, %dma_start3A_140, %dma_start3A_141] : memref<2x64x80xi32, #tpu.memory_space<vmem>> -> memref<1x64x80xi32, #tpu.memory_space<vmem>>
      %dma_start3A_143 = tpu.memref_squeeze %dma_start3A_142 : memref<1x64x80xi32, #tpu.memory_space<vmem>> -> memref<64x80xi32, #tpu.memory_space<vmem>>
      %dma_start3A_144 = arith.constant 0 : i32
      %dma_start3A_145 = tpu.memref_slice %dma_start3A_143[%add3A_133, %dma_start3A_144] : memref<64x80xi32, #tpu.memory_space<vmem>> -> memref<1x80xi32, #tpu.memory_space<vmem>>
      %dma_start3A_146 = tpu.memref_squeeze %dma_start3A_145 : memref<1x80xi32, #tpu.memory_space<vmem>> -> memref<80xi32, #tpu.memory_space<vmem>>
      %dma_start3A_147 = arith.constant 0 : i32
      %dma_start3A_148 = arith.constant 0 : i32
      %dma_start3A_149 = tpu.memref_slice %arg8[%dma_start3A_147, %dma_start3A_148] : memref<10240x128xf32, #tpu.memory_space<vmem_shared>> -> memref<10240x128xf32, #tpu.memory_space<vmem_shared>>
      tpu.enqueue_indirect_dma source(%dma_start3A_139 : memref<80x128xf32, #tpu.memory_space<vmem>>) target(%dma_start3A_149 : memref<10240x128xf32, #tpu.memory_space<vmem_shared>>) offsets(%dma_start3A_146 : memref<80xi32, #tpu.memory_space<vmem>>) semaphore(%arg9 : memref<!tpu.dma_semaphore, #tpu.memory_space<semaphore_mem>>) {add = true}
      %add3A_150 = arith.constant 2 : i32
      %add3A_151 = arith.addi %mul3A_113, %add3A_150 : i32
      %dma_start3A_152 = arith.constant 0 : i32
      %dma_start3A_153 = arith.constant 1 : i32
      %dma_start3A_154 = arith.constant 0 : i32
      %dma_start3A_155 = arith.constant 0 : i32
      %dma_start3A_156 = tpu.memref_slice %arg7[%dma_start3A_152, %dma_start3A_154, %dma_start3A_155] : memref<2x80x128xf32, #tpu.memory_space<vmem>> -> memref<1x80x128xf32, #tpu.memory_space<vmem>>
      %dma_start3A_157 = tpu.memref_squeeze %dma_start3A_156 : memref<1x80x128xf32, #tpu.memory_space<vmem>> -> memref<80x128xf32, #tpu.memory_space<vmem>>
      %dma_start3A_158 = arith.constant 0 : i32
      %dma_start3A_159 = arith.constant 0 : i32
      %dma_start3A_160 = tpu.memref_slice %arg6[%dma_start3A_153, %dma_start3A_158, %dma_start3A_159] : memref<2x64x80xi32, #tpu.memory_space<vmem>> -> memref<1x64x80xi32, #tpu.memory_space<vmem>>
      %dma_start3A_161 = tpu.memref_squeeze %dma_start3A_160 : memref<1x64x80xi32, #tpu.memory_space<vmem>> -> memref<64x80xi32, #tpu.memory_space<vmem>>
      %dma_start3A_162 = arith.constant 0 : i32
      %dma_start3A_163 = tpu.memref_slice %dma_start3A_161[%add3A_151, %dma_start3A_162] : memref<64x80xi32, #tpu.memory_space<vmem>> -> memref<1x80xi32, #tpu.memory_space<vmem>>
      %dma_start3A_164 = tpu.memref_squeeze %dma_start3A_163 : memref<1x80xi32, #tpu.memory_space<vmem>> -> memref<80xi32, #tpu.memory_space<vmem>>
      %dma_start3A_165 = arith.constant 0 : i32
      %dma_start3A_166 = arith.constant 0 : i32
      %dma_start3A_167 = tpu.memref_slice %arg8[%dma_start3A_165, %dma_start3A_166] : memref<10240x128xf32, #tpu.memory_space<vmem_shared>> -> memref<10240x128xf32, #tpu.memory_space<vmem_shared>>
      tpu.enqueue_indirect_dma source(%dma_start3A_157 : memref<80x128xf32, #tpu.memory_space<vmem>>) target(%dma_start3A_167 : memref<10240x128xf32, #tpu.memory_space<vmem_shared>>) offsets(%dma_start3A_164 : memref<80xi32, #tpu.memory_space<vmem>>) semaphore(%arg9 : memref<!tpu.dma_semaphore, #tpu.memory_space<semaphore_mem>>) {add = true}
      %add3A_168 = arith.constant 3 : i32
      %add3A_169 = arith.addi %mul3A_113, %add3A_168 : i32
      %dma_start3A_170 = arith.constant 0 : i32
      %dma_start3A_171 = arith.constant 1 : i32
      %dma_start3A_172 = arith.constant 0 : i32
      %dma_start3A_173 = arith.constant 0 : i32
      %dma_start3A_174 = tpu.memref_slice %arg7[%dma_start3A_170, %dma_start3A_172, %dma_start3A_173] : memref<2x80x128xf32, #tpu.memory_space<vmem>> -> memref<1x80x128xf32, #tpu.memory_space<vmem>>
      %dma_start3A_175 = tpu.memref_squeeze %dma_start3A_174 : memref<1x80x128xf32, #tpu.memory_space<vmem>> -> memref<80x128xf32, #tpu.memory_space<vmem>>
      %dma_start3A_176 = arith.constant 0 : i32
      %dma_start3A_177 = arith.constant 0 : i32
      %dma_start3A_178 = tpu.memref_slice %arg6[%dma_start3A_171, %dma_start3A_176, %dma_start3A_177] : memref<2x64x80xi32, #tpu.memory_space<vmem>> -> memref<1x64x80xi32, #tpu.memory_space<vmem>>
      %dma_start3A_179 = tpu.memref_squeeze %dma_start3A_178 : memref<1x64x80xi32, #tpu.memory_space<vmem>> -> memref<64x80xi32, #tpu.memory_space<vmem>>
      %dma_start3A_180 = arith.constant 0 : i32
      %dma_start3A_181 = tpu.memref_slice %dma_start3A_179[%add3A_169, %dma_start3A_180] : memref<64x80xi32, #tpu.memory_space<vmem>> -> memref<1x80xi32, #tpu.memory_space<vmem>>
      %dma_start3A_182 = tpu.memref_squeeze %dma_start3A_181 : memref<1x80xi32, #tpu.memory_space<vmem>> -> memref<80xi32, #tpu.memory_space<vmem>>
      %dma_start3A_183 = arith.constant 0 : i32
      %dma_start3A_184 = arith.constant 0 : i32
      %dma_start3A_185 = tpu.memref_slice %arg8[%dma_start3A_183, %dma_start3A_184] : memref<10240x128xf32, #tpu.memory_space<vmem_shared>> -> memref<10240x128xf32, #tpu.memory_space<vmem_shared>>
      tpu.enqueue_indirect_dma source(%dma_start3A_175 : memref<80x128xf32, #tpu.memory_space<vmem>>) target(%dma_start3A_185 : memref<10240x128xf32, #tpu.memory_space<vmem_shared>>) offsets(%dma_start3A_182 : memref<80xi32, #tpu.memory_space<vmem>>) semaphore(%arg9 : memref<!tpu.dma_semaphore, #tpu.memory_space<semaphore_mem>>) {add = true}
      %add3A_186 = arith.constant 0 : i32
      %add3A_187 = arith.addi %mul3A_113, %add3A_186 : i32
      %dma_wait3A = arith.constant 0 : i32
      %dma_wait3A_188 = arith.constant 1 : i32
      %dma_wait3A_189 = arith.constant 0 : i32
      %dma_wait3A_190 = arith.constant 0 : i32
      %dma_wait3A_191 = tpu.memref_slice %arg7[%dma_wait3A, %dma_wait3A_189, %dma_wait3A_190] : memref<2x80x128xf32, #tpu.memory_space<vmem>> -> memref<1x80x128xf32, #tpu.memory_space<vmem>>
      %dma_wait3A_192 = tpu.memref_squeeze %dma_wait3A_191 : memref<1x80x128xf32, #tpu.memory_space<vmem>> -> memref<80x128xf32, #tpu.memory_space<vmem>>
      %dma_wait3A_193 = arith.constant 0 : i32
      %dma_wait3A_194 = arith.constant 0 : i32
      %dma_wait3A_195 = tpu.memref_slice %arg6[%dma_wait3A_188, %dma_wait3A_193, %dma_wait3A_194] : memref<2x64x80xi32, #tpu.memory_space<vmem>> -> memref<1x64x80xi32, #tpu.memory_space<vmem>>
      %dma_wait3A_196 = tpu.memref_squeeze %dma_wait3A_195 : memref<1x64x80xi32, #tpu.memory_space<vmem>> -> memref<64x80xi32, #tpu.memory_space<vmem>>
      %dma_wait3A_197 = arith.constant 0 : i32
      %dma_wait3A_198 = tpu.memref_slice %dma_wait3A_196[%add3A_187, %dma_wait3A_197] : memref<64x80xi32, #tpu.memory_space<vmem>> -> memref<1x80xi32, #tpu.memory_space<vmem>>
      %dma_wait3A_199 = tpu.memref_squeeze %dma_wait3A_198 : memref<1x80xi32, #tpu.memory_space<vmem>> -> memref<80xi32, #tpu.memory_space<vmem>>
      %dma_wait3A_200 = arith.constant 0 : i32
      %dma_wait3A_201 = arith.constant 0 : i32
      %dma_wait3A_202 = tpu.memref_slice %arg8[%dma_wait3A_200, %dma_wait3A_201] : memref<10240x128xf32, #tpu.memory_space<vmem_shared>> -> memref<10240x128xf32, #tpu.memory_space<vmem_shared>>
      tpu.wait_indirect_dma semaphore(%arg9 : memref<!tpu.dma_semaphore, #tpu.memory_space<semaphore_mem>>) src(%dma_wait3A_192 : memref<80x128xf32, #tpu.memory_space<vmem>>) dst(%dma_wait3A_202 : memref<10240x128xf32, #tpu.memory_space<vmem_shared>>)
      %add3A_203 = arith.constant 1 : i32
      %add3A_204 = arith.addi %mul3A_113, %add3A_203 : i32
      %dma_wait3A_205 = arith.constant 0 : i32
      %dma_wait3A_206 = arith.constant 1 : i32
      %dma_wait3A_207 = arith.constant 0 : i32
      %dma_wait3A_208 = arith.constant 0 : i32
      %dma_wait3A_209 = tpu.memref_slice %arg7[%dma_wait3A_205, %dma_wait3A_207, %dma_wait3A_208] : memref<2x80x128xf32, #tpu.memory_space<vmem>> -> memref<1x80x128xf32, #tpu.memory_space<vmem>>
      %dma_wait3A_210 = tpu.memref_squeeze %dma_wait3A_209 : memref<1x80x128xf32, #tpu.memory_space<vmem>> -> memref<80x128xf32, #tpu.memory_space<vmem>>
      %dma_wait3A_211 = arith.constant 0 : i32
      %dma_wait3A_212 = arith.constant 0 : i32
      %dma_wait3A_213 = tpu.memref_slice %arg6[%dma_wait3A_206, %dma_wait3A_211, %dma_wait3A_212] : memref<2x64x80xi32, #tpu.memory_space<vmem>> -> memref<1x64x80xi32, #tpu.memory_space<vmem>>
      %dma_wait3A_214 = tpu.memref_squeeze %dma_wait3A_213 : memref<1x64x80xi32, #tpu.memory_space<vmem>> -> memref<64x80xi32, #tpu.memory_space<vmem>>
      %dma_wait3A_215 = arith.constant 0 : i32
      %dma_wait3A_216 = tpu.memref_slice %dma_wait3A_214[%add3A_204, %dma_wait3A_215] : memref<64x80xi32, #tpu.memory_space<vmem>> -> memref<1x80xi32, #tpu.memory_space<vmem>>
      %dma_wait3A_217 = tpu.memref_squeeze %dma_wait3A_216 : memref<1x80xi32, #tpu.memory_space<vmem>> -> memref<80xi32, #tpu.memory_space<vmem>>
      %dma_wait3A_218 = arith.constant 0 : i32
      %dma_wait3A_219 = arith.constant 0 : i32
      %dma_wait3A_220 = tpu.memref_slice %arg8[%dma_wait3A_218, %dma_wait3A_219] : memref<10240x128xf32, #tpu.memory_space<vmem_shared>> -> memref<10240x128xf32, #tpu.memory_space<vmem_shared>>
      tpu.wait_indirect_dma semaphore(%arg9 : memref<!tpu.dma_semaphore, #tpu.memory_space<semaphore_mem>>) src(%dma_wait3A_210 : memref<80x128xf32, #tpu.memory_space<vmem>>) dst(%dma_wait3A_220 : memref<10240x128xf32, #tpu.memory_space<vmem_shared>>)
      %add3A_221 = arith.constant 2 : i32
      %add3A_222 = arith.addi %mul3A_113, %add3A_221 : i32
      %dma_wait3A_223 = arith.constant 0 : i32
      %dma_wait3A_224 = arith.constant 1 : i32
      %dma_wait3A_225 = arith.constant 0 : i32
      %dma_wait3A_226 = arith.constant 0 : i32
      %dma_wait3A_227 = tpu.memref_slice %arg7[%dma_wait3A_223, %dma_wait3A_225, %dma_wait3A_226] : memref<2x80x128xf32, #tpu.memory_space<vmem>> -> memref<1x80x128xf32, #tpu.memory_space<vmem>>
      %dma_wait3A_228 = tpu.memref_squeeze %dma_wait3A_227 : memref<1x80x128xf32, #tpu.memory_space<vmem>> -> memref<80x128xf32, #tpu.memory_space<vmem>>
      %dma_wait3A_229 = arith.constant 0 : i32
      %dma_wait3A_230 = arith.constant 0 : i32
      %dma_wait3A_231 = tpu.memref_slice %arg6[%dma_wait3A_224, %dma_wait3A_229, %dma_wait3A_230] : memref<2x64x80xi32, #tpu.memory_space<vmem>> -> memref<1x64x80xi32, #tpu.memory_space<vmem>>
      %dma_wait3A_232 = tpu.memref_squeeze %dma_wait3A_231 : memref<1x64x80xi32, #tpu.memory_space<vmem>> -> memref<64x80xi32, #tpu.memory_space<vmem>>
      %dma_wait3A_233 = arith.constant 0 : i32
      %dma_wait3A_234 = tpu.memref_slice %dma_wait3A_232[%add3A_222, %dma_wait3A_233] : memref<64x80xi32, #tpu.memory_space<vmem>> -> memref<1x80xi32, #tpu.memory_space<vmem>>
      %dma_wait3A_235 = tpu.memref_squeeze %dma_wait3A_234 : memref<1x80xi32, #tpu.memory_space<vmem>> -> memref<80xi32, #tpu.memory_space<vmem>>
      %dma_wait3A_236 = arith.constant 0 : i32
      %dma_wait3A_237 = arith.constant 0 : i32
      %dma_wait3A_238 = tpu.memref_slice %arg8[%dma_wait3A_236, %dma_wait3A_237] : memref<10240x128xf32, #tpu.memory_space<vmem_shared>> -> memref<10240x128xf32, #tpu.memory_space<vmem_shared>>
      tpu.wait_indirect_dma semaphore(%arg9 : memref<!tpu.dma_semaphore, #tpu.memory_space<semaphore_mem>>) src(%dma_wait3A_228 : memref<80x128xf32, #tpu.memory_space<vmem>>) dst(%dma_wait3A_238 : memref<10240x128xf32, #tpu.memory_space<vmem_shared>>)
      %add3A_239 = arith.constant 3 : i32
      %add3A_240 = arith.addi %mul3A_113, %add3A_239 : i32
      %dma_wait3A_241 = arith.constant 0 : i32
      %dma_wait3A_242 = arith.constant 1 : i32
      %dma_wait3A_243 = arith.constant 0 : i32
      %dma_wait3A_244 = arith.constant 0 : i32
      %dma_wait3A_245 = tpu.memref_slice %arg7[%dma_wait3A_241, %dma_wait3A_243, %dma_wait3A_244] : memref<2x80x128xf32, #tpu.memory_space<vmem>> -> memref<1x80x128xf32, #tpu.memory_space<vmem>>
      %dma_wait3A_246 = tpu.memref_squeeze %dma_wait3A_245 : memref<1x80x128xf32, #tpu.memory_space<vmem>> -> memref<80x128xf32, #tpu.memory_space<vmem>>
      %dma_wait3A_247 = arith.constant 0 : i32
      %dma_wait3A_248 = arith.constant 0 : i32
      %dma_wait3A_249 = tpu.memref_slice %arg6[%dma_wait3A_242, %dma_wait3A_247, %dma_wait3A_248] : memref<2x64x80xi32, #tpu.memory_space<vmem>> -> memref<1x64x80xi32, #tpu.memory_space<vmem>>
      %dma_wait3A_250 = tpu.memref_squeeze %dma_wait3A_249 : memref<1x64x80xi32, #tpu.memory_space<vmem>> -> memref<64x80xi32, #tpu.memory_space<vmem>>
      %dma_wait3A_251 = arith.constant 0 : i32
      %dma_wait3A_252 = tpu.memref_slice %dma_wait3A_250[%add3A_240, %dma_wait3A_251] : memref<64x80xi32, #tpu.memory_space<vmem>> -> memref<1x80xi32, #tpu.memory_space<vmem>>
      %dma_wait3A_253 = tpu.memref_squeeze %dma_wait3A_252 : memref<1x80xi32, #tpu.memory_space<vmem>> -> memref<80xi32, #tpu.memory_space<vmem>>
      %dma_wait3A_254 = arith.constant 0 : i32
      %dma_wait3A_255 = arith.constant 0 : i32
      %dma_wait3A_256 = tpu.memref_slice %arg8[%dma_wait3A_254, %dma_wait3A_255] : memref<10240x128xf32, #tpu.memory_space<vmem_shared>> -> memref<10240x128xf32, #tpu.memory_space<vmem_shared>>
      tpu.wait_indirect_dma semaphore(%arg9 : memref<!tpu.dma_semaphore, #tpu.memory_space<semaphore_mem>>) src(%dma_wait3A_246 : memref<80x128xf32, #tpu.memory_space<vmem>>) dst(%dma_wait3A_256 : memref<10240x128xf32, #tpu.memory_space<vmem_shared>>)
    }
    %scan3A_94 = arith.constant 16 : i32
    "tpu.region"() ({
      %run_scoped3A_111 = tpu.sem_alloc : memref<!tpu.dma_semaphore, #tpu.memory_space<semaphore_mem>>
      %dma_start3A_112 = arith.constant 0 : i32
      %dma_start3A_113 = arith.constant 0 : i32
      %dma_start3A_114 = arith.constant 0 : i32
      %dma_start3A_115 = tpu.memref_slice %arg6[%dma_start3A_112, %dma_start3A_113, %dma_start3A_114] : memref<2x64x80xi32, #tpu.memory_space<vmem>> -> memref<2x61x80xi32, #tpu.memory_space<vmem>>
      %dma_start3A_116 = arith.constant 0 : i32
      %dma_start3A_117 = arith.constant 64 : i32
      %dma_start3A_118 = arith.constant 0 : i32
      %dma_start3A_119 = tpu.memref_slice %arg3[%add3A, %dma_start3A_116, %dma_start3A_117, %dma_start3A_118] : memref<32x2x125x80xi32, #tpu.memory_space<hbm>> -> memref<1x2x61x80xi32, #tpu.memory_space<hbm>>
      %dma_start3A_120 = tpu.memref_squeeze %dma_start3A_119 : memref<1x2x61x80xi32, #tpu.memory_space<hbm>> -> memref<2x61x80xi32, #tpu.memory_space<hbm>>
      %dma_start3A_121 = arith.constant 0 : i32
      %dma_start3A_122 = arith.constant 0 : i32
      %dma_start3A_123 = arith.constant 0 : i32
      %dma_start3A_124 = tpu.memref_slice %arg6[%dma_start3A_121, %dma_start3A_122, %dma_start3A_123] : memref<2x64x80xi32, #tpu.memory_space<vmem>> -> memref<2x61x80xi32, #tpu.memory_space<vmem>>
      %dma_start3A_125 = arith.constant 0 : i32
      %dma_start3A_126 = arith.constant 64 : i32
      %dma_start3A_127 = arith.constant 0 : i32
      %dma_start3A_128 = tpu.memref_slice %arg3[%add3A, %dma_start3A_125, %dma_start3A_126, %dma_start3A_127] : memref<32x2x125x80xi32, #tpu.memory_space<hbm>> -> memref<1x2x61x80xi32, #tpu.memory_space<hbm>>
      %dma_start3A_129 = tpu.memref_squeeze %dma_start3A_128 : memref<1x2x61x80xi32, #tpu.memory_space<hbm>> -> memref<2x61x80xi32, #tpu.memory_space<hbm>>
      tpu.enqueue_dma source(%dma_start3A_129 : memref<2x61x80xi32, #tpu.memory_space<hbm>>) target(%dma_start3A_124 : memref<2x61x80xi32, #tpu.memory_space<vmem>>) target_semaphore(%run_scoped3A_111 : memref<!tpu.dma_semaphore, #tpu.memory_space<semaphore_mem>>)
      %dma_wait3A = arith.constant 0 : i32
      %dma_wait3A_130 = arith.constant 0 : i32
      %dma_wait3A_131 = arith.constant 0 : i32
      %dma_wait3A_132 = tpu.memref_slice %arg6[%dma_wait3A, %dma_wait3A_130, %dma_wait3A_131] : memref<2x64x80xi32, #tpu.memory_space<vmem>> -> memref<2x61x80xi32, #tpu.memory_space<vmem>>
      %dma_wait3A_133 = arith.constant 0 : i32
      %dma_wait3A_134 = arith.constant 64 : i32
      %dma_wait3A_135 = arith.constant 0 : i32
      %dma_wait3A_136 = tpu.memref_slice %arg3[%add3A, %dma_wait3A_133, %dma_wait3A_134, %dma_wait3A_135] : memref<32x2x125x80xi32, #tpu.memory_space<hbm>> -> memref<1x2x61x80xi32, #tpu.memory_space<hbm>>
      %dma_wait3A_137 = tpu.memref_squeeze %dma_wait3A_136 : memref<1x2x61x80xi32, #tpu.memory_space<hbm>> -> memref<2x61x80xi32, #tpu.memory_space<hbm>>
      %dma_wait3A_138 = arith.constant 0 : i32
      %dma_wait3A_139 = arith.constant 0 : i32
      %dma_wait3A_140 = arith.constant 0 : i32
      %dma_wait3A_141 = tpu.memref_slice %arg6[%dma_wait3A_138, %dma_wait3A_139, %dma_wait3A_140] : memref<2x64x80xi32, #tpu.memory_space<vmem>> -> memref<2x61x80xi32, #tpu.memory_space<vmem>>
      %dma_wait3A_142 = arith.constant 0 : i32
      %dma_wait3A_143 = arith.constant 64 : i32
      %dma_wait3A_144 = arith.constant 0 : i32
      %dma_wait3A_145 = tpu.memref_slice %arg3[%add3A, %dma_wait3A_142, %dma_wait3A_143, %dma_wait3A_144] : memref<32x2x125x80xi32, #tpu.memory_space<hbm>> -> memref<1x2x61x80xi32, #tpu.memory_space<hbm>>
      %dma_wait3A_146 = tpu.memref_squeeze %dma_wait3A_145 : memref<1x2x61x80xi32, #tpu.memory_space<hbm>> -> memref<2x61x80xi32, #tpu.memory_space<hbm>>
      tpu.wait_dma2 semaphore(%run_scoped3A_111 : memref<!tpu.dma_semaphore, #tpu.memory_space<semaphore_mem>>) src(%dma_wait3A_146 : memref<2x61x80xi32, #tpu.memory_space<hbm>>) dst(%dma_wait3A_141 : memref<2x61x80xi32, #tpu.memory_space<vmem>>)
      tpu.yield
    }) : () -> ()
    %scan3A_95 = arith.constant 0 : i32
    %scan3A_96 = arith.constant 0 : i32
    %scan3A_97 = arith.constant 15 : i32
    %scan3A_98 = arith.addi %scan3A_96, %scan3A_97 : i32
    %scan3A_99 = arith.constant 1 : i32
    scf.for %scan3A_111 = %scan3A_96 to %scan3A_98 step %scan3A_99  : i32 {
      %mul3A_112 = arith.constant 4 : i32
      %mul3A_113 = arith.muli %mul3A_112, %scan3A_111 : i32
      %add3A_114 = arith.constant 0 : i32
      %add3A_115 = arith.addi %mul3A_113, %add3A_114 : i32
      %dma_start3A_116 = arith.constant 0 : i32
      %dma_start3A_117 = arith.constant 1 : i32
      %dma_start3A_118 = arith.constant 0 : i32
      %dma_start3A_119 = arith.constant 0 : i32
      %dma_start3A_120 = tpu.memref_slice %arg7[%dma_start3A_116, %dma_start3A_118, %dma_start3A_119] : memref<2x80x128xf32, #tpu.memory_space<vmem>> -> memref<1x80x128xf32, #tpu.memory_space<vmem>>
      %dma_start3A_121 = tpu.memref_squeeze %dma_start3A_120 : memref<1x80x128xf32, #tpu.memory_space<vmem>> -> memref<80x128xf32, #tpu.memory_space<vmem>>
      %dma_start3A_122 = arith.constant 0 : i32
      %dma_start3A_123 = arith.constant 0 : i32
      %dma_start3A_124 = tpu.memref_slice %arg6[%dma_start3A_117, %dma_start3A_122, %dma_start3A_123] : memref<2x64x80xi32, #tpu.memory_space<vmem>> -> memref<1x64x80xi32, #tpu.memory_space<vmem>>
      %dma_start3A_125 = tpu.memref_squeeze %dma_start3A_124 : memref<1x64x80xi32, #tpu.memory_space<vmem>> -> memref<64x80xi32, #tpu.memory_space<vmem>>
      %dma_start3A_126 = arith.constant 0 : i32
      %dma_start3A_127 = tpu.memref_slice %dma_start3A_125[%add3A_115, %dma_start3A_126] : memref<64x80xi32, #tpu.memory_space<vmem>> -> memref<1x80xi32, #tpu.memory_space<vmem>>
      %dma_start3A_128 = tpu.memref_squeeze %dma_start3A_127 : memref<1x80xi32, #tpu.memory_space<vmem>> -> memref<80xi32, #tpu.memory_space<vmem>>
      %dma_start3A_129 = arith.constant 0 : i32
      %dma_start3A_130 = arith.constant 0 : i32
      %dma_start3A_131 = tpu.memref_slice %arg8[%dma_start3A_129, %dma_start3A_130] : memref<10240x128xf32, #tpu.memory_space<vmem_shared>> -> memref<10240x128xf32, #tpu.memory_space<vmem_shared>>
      tpu.enqueue_indirect_dma source(%dma_start3A_121 : memref<80x128xf32, #tpu.memory_space<vmem>>) target(%dma_start3A_131 : memref<10240x128xf32, #tpu.memory_space<vmem_shared>>) offsets(%dma_start3A_128 : memref<80xi32, #tpu.memory_space<vmem>>) semaphore(%arg9 : memref<!tpu.dma_semaphore, #tpu.memory_space<semaphore_mem>>) {add = true}
      %add3A_132 = arith.constant 1 : i32
      %add3A_133 = arith.addi %mul3A_113, %add3A_132 : i32
      %dma_start3A_134 = arith.constant 0 : i32
      %dma_start3A_135 = arith.constant 1 : i32
      %dma_start3A_136 = arith.constant 0 : i32
      %dma_start3A_137 = arith.constant 0 : i32
      %dma_start3A_138 = tpu.memref_slice %arg7[%dma_start3A_134, %dma_start3A_136, %dma_start3A_137] : memref<2x80x128xf32, #tpu.memory_space<vmem>> -> memref<1x80x128xf32, #tpu.memory_space<vmem>>
      %dma_start3A_139 = tpu.memref_squeeze %dma_start3A_138 : memref<1x80x128xf32, #tpu.memory_space<vmem>> -> memref<80x128xf32, #tpu.memory_space<vmem>>
      %dma_start3A_140 = arith.constant 0 : i32
      %dma_start3A_141 = arith.constant 0 : i32
      %dma_start3A_142 = tpu.memref_slice %arg6[%dma_start3A_135, %dma_start3A_140, %dma_start3A_141] : memref<2x64x80xi32, #tpu.memory_space<vmem>> -> memref<1x64x80xi32, #tpu.memory_space<vmem>>
      %dma_start3A_143 = tpu.memref_squeeze %dma_start3A_142 : memref<1x64x80xi32, #tpu.memory_space<vmem>> -> memref<64x80xi32, #tpu.memory_space<vmem>>
      %dma_start3A_144 = arith.constant 0 : i32
      %dma_start3A_145 = tpu.memref_slice %dma_start3A_143[%add3A_133, %dma_start3A_144] : memref<64x80xi32, #tpu.memory_space<vmem>> -> memref<1x80xi32, #tpu.memory_space<vmem>>
      %dma_start3A_146 = tpu.memref_squeeze %dma_start3A_145 : memref<1x80xi32, #tpu.memory_space<vmem>> -> memref<80xi32, #tpu.memory_space<vmem>>
      %dma_start3A_147 = arith.constant 0 : i32
      %dma_start3A_148 = arith.constant 0 : i32
      %dma_start3A_149 = tpu.memref_slice %arg8[%dma_start3A_147, %dma_start3A_148] : memref<10240x128xf32, #tpu.memory_space<vmem_shared>> -> memref<10240x128xf32, #tpu.memory_space<vmem_shared>>
      tpu.enqueue_indirect_dma source(%dma_start3A_139 : memref<80x128xf32, #tpu.memory_space<vmem>>) target(%dma_start3A_149 : memref<10240x128xf32, #tpu.memory_space<vmem_shared>>) offsets(%dma_start3A_146 : memref<80xi32, #tpu.memory_space<vmem>>) semaphore(%arg9 : memref<!tpu.dma_semaphore, #tpu.memory_space<semaphore_mem>>) {add = true}
      %add3A_150 = arith.constant 2 : i32
      %add3A_151 = arith.addi %mul3A_113, %add3A_150 : i32
      %dma_start3A_152 = arith.constant 0 : i32
      %dma_start3A_153 = arith.constant 1 : i32
      %dma_start3A_154 = arith.constant 0 : i32
      %dma_start3A_155 = arith.constant 0 : i32
      %dma_start3A_156 = tpu.memref_slice %arg7[%dma_start3A_152, %dma_start3A_154, %dma_start3A_155] : memref<2x80x128xf32, #tpu.memory_space<vmem>> -> memref<1x80x128xf32, #tpu.memory_space<vmem>>
      %dma_start3A_157 = tpu.memref_squeeze %dma_start3A_156 : memref<1x80x128xf32, #tpu.memory_space<vmem>> -> memref<80x128xf32, #tpu.memory_space<vmem>>
      %dma_start3A_158 = arith.constant 0 : i32
      %dma_start3A_159 = arith.constant 0 : i32
      %dma_start3A_160 = tpu.memref_slice %arg6[%dma_start3A_153, %dma_start3A_158, %dma_start3A_159] : memref<2x64x80xi32, #tpu.memory_space<vmem>> -> memref<1x64x80xi32, #tpu.memory_space<vmem>>
      %dma_start3A_161 = tpu.memref_squeeze %dma_start3A_160 : memref<1x64x80xi32, #tpu.memory_space<vmem>> -> memref<64x80xi32, #tpu.memory_space<vmem>>
      %dma_start3A_162 = arith.constant 0 : i32
      %dma_start3A_163 = tpu.memref_slice %dma_start3A_161[%add3A_151, %dma_start3A_162] : memref<64x80xi32, #tpu.memory_space<vmem>> -> memref<1x80xi32, #tpu.memory_space<vmem>>
      %dma_start3A_164 = tpu.memref_squeeze %dma_start3A_163 : memref<1x80xi32, #tpu.memory_space<vmem>> -> memref<80xi32, #tpu.memory_space<vmem>>
      %dma_start3A_165 = arith.constant 0 : i32
      %dma_start3A_166 = arith.constant 0 : i32
      %dma_start3A_167 = tpu.memref_slice %arg8[%dma_start3A_165, %dma_start3A_166] : memref<10240x128xf32, #tpu.memory_space<vmem_shared>> -> memref<10240x128xf32, #tpu.memory_space<vmem_shared>>
      tpu.enqueue_indirect_dma source(%dma_start3A_157 : memref<80x128xf32, #tpu.memory_space<vmem>>) target(%dma_start3A_167 : memref<10240x128xf32, #tpu.memory_space<vmem_shared>>) offsets(%dma_start3A_164 : memref<80xi32, #tpu.memory_space<vmem>>) semaphore(%arg9 : memref<!tpu.dma_semaphore, #tpu.memory_space<semaphore_mem>>) {add = true}
      %add3A_168 = arith.constant 3 : i32
      %add3A_169 = arith.addi %mul3A_113, %add3A_168 : i32
      %dma_start3A_170 = arith.constant 0 : i32
      %dma_start3A_171 = arith.constant 1 : i32
      %dma_start3A_172 = arith.constant 0 : i32
      %dma_start3A_173 = arith.constant 0 : i32
      %dma_start3A_174 = tpu.memref_slice %arg7[%dma_start3A_170, %dma_start3A_172, %dma_start3A_173] : memref<2x80x128xf32, #tpu.memory_space<vmem>> -> memref<1x80x128xf32, #tpu.memory_space<vmem>>
      %dma_start3A_175 = tpu.memref_squeeze %dma_start3A_174 : memref<1x80x128xf32, #tpu.memory_space<vmem>> -> memref<80x128xf32, #tpu.memory_space<vmem>>
      %dma_start3A_176 = arith.constant 0 : i32
      %dma_start3A_177 = arith.constant 0 : i32
      %dma_start3A_178 = tpu.memref_slice %arg6[%dma_start3A_171, %dma_start3A_176, %dma_start3A_177] : memref<2x64x80xi32, #tpu.memory_space<vmem>> -> memref<1x64x80xi32, #tpu.memory_space<vmem>>
      %dma_start3A_179 = tpu.memref_squeeze %dma_start3A_178 : memref<1x64x80xi32, #tpu.memory_space<vmem>> -> memref<64x80xi32, #tpu.memory_space<vmem>>
      %dma_start3A_180 = arith.constant 0 : i32
      %dma_start3A_181 = tpu.memref_slice %dma_start3A_179[%add3A_169, %dma_start3A_180] : memref<64x80xi32, #tpu.memory_space<vmem>> -> memref<1x80xi32, #tpu.memory_space<vmem>>
      %dma_start3A_182 = tpu.memref_squeeze %dma_start3A_181 : memref<1x80xi32, #tpu.memory_space<vmem>> -> memref<80xi32, #tpu.memory_space<vmem>>
      %dma_start3A_183 = arith.constant 0 : i32
      %dma_start3A_184 = arith.constant 0 : i32
      %dma_start3A_185 = tpu.memref_slice %arg8[%dma_start3A_183, %dma_start3A_184] : memref<10240x128xf32, #tpu.memory_space<vmem_shared>> -> memref<10240x128xf32, #tpu.memory_space<vmem_shared>>
      tpu.enqueue_indirect_dma source(%dma_start3A_175 : memref<80x128xf32, #tpu.memory_space<vmem>>) target(%dma_start3A_185 : memref<10240x128xf32, #tpu.memory_space<vmem_shared>>) offsets(%dma_start3A_182 : memref<80xi32, #tpu.memory_space<vmem>>) semaphore(%arg9 : memref<!tpu.dma_semaphore, #tpu.memory_space<semaphore_mem>>) {add = true}
      %add3A_186 = arith.constant 0 : i32
      %add3A_187 = arith.addi %mul3A_113, %add3A_186 : i32
      %dma_wait3A = arith.constant 0 : i32
      %dma_wait3A_188 = arith.constant 1 : i32
      %dma_wait3A_189 = arith.constant 0 : i32
      %dma_wait3A_190 = arith.constant 0 : i32
      %dma_wait3A_191 = tpu.memref_slice %arg7[%dma_wait3A, %dma_wait3A_189, %dma_wait3A_190] : memref<2x80x128xf32, #tpu.memory_space<vmem>> -> memref<1x80x128xf32, #tpu.memory_space<vmem>>
      %dma_wait3A_192 = tpu.memref_squeeze %dma_wait3A_191 : memref<1x80x128xf32, #tpu.memory_space<vmem>> -> memref<80x128xf32, #tpu.memory_space<vmem>>
      %dma_wait3A_193 = arith.constant 0 : i32
      %dma_wait3A_194 = arith.constant 0 : i32
      %dma_wait3A_195 = tpu.memref_slice %arg6[%dma_wait3A_188, %dma_wait3A_193, %dma_wait3A_194] : memref<2x64x80xi32, #tpu.memory_space<vmem>> -> memref<1x64x80xi32, #tpu.memory_space<vmem>>
      %dma_wait3A_196 = tpu.memref_squeeze %dma_wait3A_195 : memref<1x64x80xi32, #tpu.memory_space<vmem>> -> memref<64x80xi32, #tpu.memory_space<vmem>>
      %dma_wait3A_197 = arith.constant 0 : i32
      %dma_wait3A_198 = tpu.memref_slice %dma_wait3A_196[%add3A_187, %dma_wait3A_197] : memref<64x80xi32, #tpu.memory_space<vmem>> -> memref<1x80xi32, #tpu.memory_space<vmem>>
      %dma_wait3A_199 = tpu.memref_squeeze %dma_wait3A_198 : memref<1x80xi32, #tpu.memory_space<vmem>> -> memref<80xi32, #tpu.memory_space<vmem>>
      %dma_wait3A_200 = arith.constant 0 : i32
      %dma_wait3A_201 = arith.constant 0 : i32
      %dma_wait3A_202 = tpu.memref_slice %arg8[%dma_wait3A_200, %dma_wait3A_201] : memref<10240x128xf32, #tpu.memory_space<vmem_shared>> -> memref<10240x128xf32, #tpu.memory_space<vmem_shared>>
      tpu.wait_indirect_dma semaphore(%arg9 : memref<!tpu.dma_semaphore, #tpu.memory_space<semaphore_mem>>) src(%dma_wait3A_192 : memref<80x128xf32, #tpu.memory_space<vmem>>) dst(%dma_wait3A_202 : memref<10240x128xf32, #tpu.memory_space<vmem_shared>>)
      %add3A_203 = arith.constant 1 : i32
      %add3A_204 = arith.addi %mul3A_113, %add3A_203 : i32
      %dma_wait3A_205 = arith.constant 0 : i32
      %dma_wait3A_206 = arith.constant 1 : i32
      %dma_wait3A_207 = arith.constant 0 : i32
      %dma_wait3A_208 = arith.constant 0 : i32
      %dma_wait3A_209 = tpu.memref_slice %arg7[%dma_wait3A_205, %dma_wait3A_207, %dma_wait3A_208] : memref<2x80x128xf32, #tpu.memory_space<vmem>> -> memref<1x80x128xf32, #tpu.memory_space<vmem>>
      %dma_wait3A_210 = tpu.memref_squeeze %dma_wait3A_209 : memref<1x80x128xf32, #tpu.memory_space<vmem>> -> memref<80x128xf32, #tpu.memory_space<vmem>>
      %dma_wait3A_211 = arith.constant 0 : i32
      %dma_wait3A_212 = arith.constant 0 : i32
      %dma_wait3A_213 = tpu.memref_slice %arg6[%dma_wait3A_206, %dma_wait3A_211, %dma_wait3A_212] : memref<2x64x80xi32, #tpu.memory_space<vmem>> -> memref<1x64x80xi32, #tpu.memory_space<vmem>>
      %dma_wait3A_214 = tpu.memref_squeeze %dma_wait3A_213 : memref<1x64x80xi32, #tpu.memory_space<vmem>> -> memref<64x80xi32, #tpu.memory_space<vmem>>
      %dma_wait3A_215 = arith.constant 0 : i32
      %dma_wait3A_216 = tpu.memref_slice %dma_wait3A_214[%add3A_204, %dma_wait3A_215] : memref<64x80xi32, #tpu.memory_space<vmem>> -> memref<1x80xi32, #tpu.memory_space<vmem>>
      %dma_wait3A_217 = tpu.memref_squeeze %dma_wait3A_216 : memref<1x80xi32, #tpu.memory_space<vmem>> -> memref<80xi32, #tpu.memory_space<vmem>>
      %dma_wait3A_218 = arith.constant 0 : i32
      %dma_wait3A_219 = arith.constant 0 : i32
      %dma_wait3A_220 = tpu.memref_slice %arg8[%dma_wait3A_218, %dma_wait3A_219] : memref<10240x128xf32, #tpu.memory_space<vmem_shared>> -> memref<10240x128xf32, #tpu.memory_space<vmem_shared>>
      tpu.wait_indirect_dma semaphore(%arg9 : memref<!tpu.dma_semaphore, #tpu.memory_space<semaphore_mem>>) src(%dma_wait3A_210 : memref<80x128xf32, #tpu.memory_space<vmem>>) dst(%dma_wait3A_220 : memref<10240x128xf32, #tpu.memory_space<vmem_shared>>)
      %add3A_221 = arith.constant 2 : i32
      %add3A_222 = arith.addi %mul3A_113, %add3A_221 : i32
      %dma_wait3A_223 = arith.constant 0 : i32
      %dma_wait3A_224 = arith.constant 1 : i32
      %dma_wait3A_225 = arith.constant 0 : i32
      %dma_wait3A_226 = arith.constant 0 : i32
      %dma_wait3A_227 = tpu.memref_slice %arg7[%dma_wait3A_223, %dma_wait3A_225, %dma_wait3A_226] : memref<2x80x128xf32, #tpu.memory_space<vmem>> -> memref<1x80x128xf32, #tpu.memory_space<vmem>>
      %dma_wait3A_228 = tpu.memref_squeeze %dma_wait3A_227 : memref<1x80x128xf32, #tpu.memory_space<vmem>> -> memref<80x128xf32, #tpu.memory_space<vmem>>
      %dma_wait3A_229 = arith.constant 0 : i32
      %dma_wait3A_230 = arith.constant 0 : i32
      %dma_wait3A_231 = tpu.memref_slice %arg6[%dma_wait3A_224, %dma_wait3A_229, %dma_wait3A_230] : memref<2x64x80xi32, #tpu.memory_space<vmem>> -> memref<1x64x80xi32, #tpu.memory_space<vmem>>
      %dma_wait3A_232 = tpu.memref_squeeze %dma_wait3A_231 : memref<1x64x80xi32, #tpu.memory_space<vmem>> -> memref<64x80xi32, #tpu.memory_space<vmem>>
      %dma_wait3A_233 = arith.constant 0 : i32
      %dma_wait3A_234 = tpu.memref_slice %dma_wait3A_232[%add3A_222, %dma_wait3A_233] : memref<64x80xi32, #tpu.memory_space<vmem>> -> memref<1x80xi32, #tpu.memory_space<vmem>>
      %dma_wait3A_235 = tpu.memref_squeeze %dma_wait3A_234 : memref<1x80xi32, #tpu.memory_space<vmem>> -> memref<80xi32, #tpu.memory_space<vmem>>
      %dma_wait3A_236 = arith.constant 0 : i32
      %dma_wait3A_237 = arith.constant 0 : i32
      %dma_wait3A_238 = tpu.memref_slice %arg8[%dma_wait3A_236, %dma_wait3A_237] : memref<10240x128xf32, #tpu.memory_space<vmem_shared>> -> memref<10240x128xf32, #tpu.memory_space<vmem_shared>>
      tpu.wait_indirect_dma semaphore(%arg9 : memref<!tpu.dma_semaphore, #tpu.memory_space<semaphore_mem>>) src(%dma_wait3A_228 : memref<80x128xf32, #tpu.memory_space<vmem>>) dst(%dma_wait3A_238 : memref<10240x128xf32, #tpu.memory_space<vmem_shared>>)
      %add3A_239 = arith.constant 3 : i32
      %add3A_240 = arith.addi %mul3A_113, %add3A_239 : i32
      %dma_wait3A_241 = arith.constant 0 : i32
      %dma_wait3A_242 = arith.constant 1 : i32
      %dma_wait3A_243 = arith.constant 0 : i32
      %dma_wait3A_244 = arith.constant 0 : i32
      %dma_wait3A_245 = tpu.memref_slice %arg7[%dma_wait3A_241, %dma_wait3A_243, %dma_wait3A_244] : memref<2x80x128xf32, #tpu.memory_space<vmem>> -> memref<1x80x128xf32, #tpu.memory_space<vmem>>
      %dma_wait3A_246 = tpu.memref_squeeze %dma_wait3A_245 : memref<1x80x128xf32, #tpu.memory_space<vmem>> -> memref<80x128xf32, #tpu.memory_space<vmem>>
      %dma_wait3A_247 = arith.constant 0 : i32
      %dma_wait3A_248 = arith.constant 0 : i32
      %dma_wait3A_249 = tpu.memref_slice %arg6[%dma_wait3A_242, %dma_wait3A_247, %dma_wait3A_248] : memref<2x64x80xi32, #tpu.memory_space<vmem>> -> memref<1x64x80xi32, #tpu.memory_space<vmem>>
      %dma_wait3A_250 = tpu.memref_squeeze %dma_wait3A_249 : memref<1x64x80xi32, #tpu.memory_space<vmem>> -> memref<64x80xi32, #tpu.memory_space<vmem>>
      %dma_wait3A_251 = arith.constant 0 : i32
      %dma_wait3A_252 = tpu.memref_slice %dma_wait3A_250[%add3A_240, %dma_wait3A_251] : memref<64x80xi32, #tpu.memory_space<vmem>> -> memref<1x80xi32, #tpu.memory_space<vmem>>
      %dma_wait3A_253 = tpu.memref_squeeze %dma_wait3A_252 : memref<1x80xi32, #tpu.memory_space<vmem>> -> memref<80xi32, #tpu.memory_space<vmem>>
      %dma_wait3A_254 = arith.constant 0 : i32
      %dma_wait3A_255 = arith.constant 0 : i32
      %dma_wait3A_256 = tpu.memref_slice %arg8[%dma_wait3A_254, %dma_wait3A_255] : memref<10240x128xf32, #tpu.memory_space<vmem_shared>> -> memref<10240x128xf32, #tpu.memory_space<vmem_shared>>
      tpu.wait_indirect_dma semaphore(%arg9 : memref<!tpu.dma_semaphore, #tpu.memory_space<semaphore_mem>>) src(%dma_wait3A_246 : memref<80x128xf32, #tpu.memory_space<vmem>>) dst(%dma_wait3A_256 : memref<10240x128xf32, #tpu.memory_space<vmem_shared>>)
    }
    %scan3A_100 = arith.constant 15 : i32
    %run_scoped3A = arith.constant 0 : i32
    %run_scoped3A_101 = arith.constant 1 : i32
    %run_scoped3A_102 = arith.constant 60 : i32
    "tpu.region"() ({
      %run_scoped3A_111 = tpu.sem_alloc : memref<!tpu.dma_semaphore, #tpu.memory_space<semaphore_mem>>
      %dma_start3A_112 = arith.constant 0 : i32
      %dma_start3A_113 = arith.constant 0 : i32
      %dma_start3A_114 = tpu.memref_slice %arg7[%run_scoped3A, %dma_start3A_112, %dma_start3A_113] : memref<2x80x128xf32, #tpu.memory_space<vmem>> -> memref<1x80x128xf32, #tpu.memory_space<vmem>>
      %dma_start3A_115 = tpu.memref_squeeze %dma_start3A_114 : memref<1x80x128xf32, #tpu.memory_space<vmem>> -> memref<80x128xf32, #tpu.memory_space<vmem>>
      %dma_start3A_116 = arith.constant 0 : i32
      %dma_start3A_117 = arith.constant 0 : i32
      %dma_start3A_118 = tpu.memref_slice %arg6[%run_scoped3A_101, %dma_start3A_116, %dma_start3A_117] : memref<2x64x80xi32, #tpu.memory_space<vmem>> -> memref<1x64x80xi32, #tpu.memory_space<vmem>>
      %dma_start3A_119 = tpu.memref_squeeze %dma_start3A_118 : memref<1x64x80xi32, #tpu.memory_space<vmem>> -> memref<64x80xi32, #tpu.memory_space<vmem>>
      %dma_start3A_120 = arith.constant 0 : i32
      %dma_start3A_121 = tpu.memref_slice %dma_start3A_119[%run_scoped3A_102, %dma_start3A_120] : memref<64x80xi32, #tpu.memory_space<vmem>> -> memref<1x80xi32, #tpu.memory_space<vmem>>
      %dma_start3A_122 = tpu.memref_squeeze %dma_start3A_121 : memref<1x80xi32, #tpu.memory_space<vmem>> -> memref<80xi32, #tpu.memory_space<vmem>>
      %dma_start3A_123 = arith.constant 0 : i32
      %dma_start3A_124 = arith.constant 0 : i32
      %dma_start3A_125 = tpu.memref_slice %arg8[%dma_start3A_123, %dma_start3A_124] : memref<10240x128xf32, #tpu.memory_space<vmem_shared>> -> memref<10240x128xf32, #tpu.memory_space<vmem_shared>>
      tpu.enqueue_indirect_dma source(%dma_start3A_115 : memref<80x128xf32, #tpu.memory_space<vmem>>) target(%dma_start3A_125 : memref<10240x128xf32, #tpu.memory_space<vmem_shared>>) offsets(%dma_start3A_122 : memref<80xi32, #tpu.memory_space<vmem>>) semaphore(%run_scoped3A_111 : memref<!tpu.dma_semaphore, #tpu.memory_space<semaphore_mem>>) {add = true}
      %dma_wait3A = arith.constant 0 : i32
      %dma_wait3A_126 = arith.constant 0 : i32
      %dma_wait3A_127 = tpu.memref_slice %arg7[%run_scoped3A, %dma_wait3A, %dma_wait3A_126] : memref<2x80x128xf32, #tpu.memory_space<vmem>> -> memref<1x80x128xf32, #tpu.memory_space<vmem>>
      %dma_wait3A_128 = tpu.memref_squeeze %dma_wait3A_127 : memref<1x80x128xf32, #tpu.memory_space<vmem>> -> memref<80x128xf32, #tpu.memory_space<vmem>>
      %dma_wait3A_129 = arith.constant 0 : i32
      %dma_wait3A_130 = arith.constant 0 : i32
      %dma_wait3A_131 = tpu.memref_slice %arg6[%run_scoped3A_101, %dma_wait3A_129, %dma_wait3A_130] : memref<2x64x80xi32, #tpu.memory_space<vmem>> -> memref<1x64x80xi32, #tpu.memory_space<vmem>>
      %dma_wait3A_132 = tpu.memref_squeeze %dma_wait3A_131 : memref<1x64x80xi32, #tpu.memory_space<vmem>> -> memref<64x80xi32, #tpu.memory_space<vmem>>
      %dma_wait3A_133 = arith.constant 0 : i32
      %dma_wait3A_134 = tpu.memref_slice %dma_wait3A_132[%run_scoped3A_102, %dma_wait3A_133] : memref<64x80xi32, #tpu.memory_space<vmem>> -> memref<1x80xi32, #tpu.memory_space<vmem>>
      %dma_wait3A_135 = tpu.memref_squeeze %dma_wait3A_134 : memref<1x80xi32, #tpu.memory_space<vmem>> -> memref<80xi32, #tpu.memory_space<vmem>>
      %dma_wait3A_136 = arith.constant 0 : i32
      %dma_wait3A_137 = arith.constant 0 : i32
      %dma_wait3A_138 = tpu.memref_slice %arg8[%dma_wait3A_136, %dma_wait3A_137] : memref<10240x128xf32, #tpu.memory_space<vmem_shared>> -> memref<10240x128xf32, #tpu.memory_space<vmem_shared>>
      tpu.wait_indirect_dma semaphore(%run_scoped3A_111 : memref<!tpu.dma_semaphore, #tpu.memory_space<semaphore_mem>>) src(%dma_wait3A_128 : memref<80x128xf32, #tpu.memory_space<vmem>>) dst(%dma_wait3A_138 : memref<10240x128xf32, #tpu.memory_space<vmem_shared>>)
      tpu.yield
    }) : () -> ()
    %barrier3A_103 = arith.constant 0 : index
    tpu.barrier barrier_id(%barrier3A_103)
    %mul3A_104 = arith.constant 640 : i32
    %mul3A_105 = arith.muli %arg1, %mul3A_104 : i32
    %mul3A_106 = arith.constant 10240 : i32
    %mul3A_107 = arith.muli %arg0, %mul3A_106 : i32
    %mul3A_108 = arith.constant 640 : i32
    %mul3A_109 = arith.muli %arg1, %mul3A_108 : i32
    %add3A_110 = arith.addi %mul3A_107, %mul3A_109 : i32
    "tpu.region"() ({
      %run_scoped3A_111 = tpu.sem_alloc : memref<!tpu.dma_semaphore, #tpu.memory_space<semaphore_mem>>
      %dma_start3A_112 = arith.constant 0 : i32
      %dma_start3A_113 = tpu.memref_slice %arg5[%add3A_110, %dma_start3A_112] : memref<20480x128xf32, #tpu.memory_space<hbm>> -> memref<640x128xf32, #tpu.memory_space<hbm>>
      %dma_start3A_114 = arith.constant 0 : i32
      %dma_start3A_115 = tpu.memref_slice %arg8[%mul3A_105, %dma_start3A_114] : memref<10240x128xf32, #tpu.memory_space<vmem_shared>> -> memref<640x128xf32, #tpu.memory_space<vmem_shared>>
      tpu.enqueue_dma source(%dma_start3A_115 : memref<640x128xf32, #tpu.memory_space<vmem_shared>>) target(%dma_start3A_113 : memref<640x128xf32, #tpu.memory_space<hbm>>) target_semaphore(%run_scoped3A_111 : memref<!tpu.dma_semaphore, #tpu.memory_space<semaphore_mem>>)
      %dma_wait3A = arith.constant 0 : i32
      %dma_wait3A_116 = tpu.memref_slice %arg5[%add3A_110, %dma_wait3A] : memref<20480x128xf32, #tpu.memory_space<hbm>> -> memref<640x128xf32, #tpu.memory_space<hbm>>
      %dma_wait3A_117 = arith.constant 0 : i32
      %dma_wait3A_118 = tpu.memref_slice %arg8[%mul3A_105, %dma_wait3A_117] : memref<10240x128xf32, #tpu.memory_space<vmem_shared>> -> memref<640x128xf32, #tpu.memory_space<vmem_shared>>
      tpu.wait_dma2 semaphore(%run_scoped3A_111 : memref<!tpu.dma_semaphore, #tpu.memory_space<semaphore_mem>>) src(%dma_wait3A_118 : memref<640x128xf32, #tpu.memory_space<vmem_shared>>) dst(%dma_wait3A_116 : memref<640x128xf32, #tpu.memory_space<hbm>>)
      tpu.yield
    }) : () -> ()
    return
  }
}

module attributes {stable_mosaic.version = 14 : i64} {
  func.func @_pre_body(%arg0: i32, %arg1: memref<1024x128xf32, #tpu.memory_space<vmem>>, %arg2: memref<128x128xf32, #tpu.memory_space<vmem>>, %arg3: memref<128x128xf32, #tpu.memory_space<vmem>>, %arg4: memref<1x128xf32, #tpu.memory_space<vmem>>, %arg5: memref<1024x128xf32, #tpu.memory_space<vmem>>, %arg6: memref<1024x128xf32, #tpu.memory_space<vmem>>) attributes {dimension_semantics = [#tpu.dimension_semantics<arbitrary>], iteration_bounds = array<i64: 10>, scalar_prefetch = 0 : i64, scratch_operands = 0 : i64, tpu.core_type = #tpu.core_type<tc>, window_params = [{transform_indices = @transform_0, window_bounds = array<i64: 1024, 128>}, {pipeline_mode = #tpu.pipeline_mode<synchronous>, transform_indices = @transform_1, window_bounds = array<i64: 128, 128>}, {pipeline_mode = #tpu.pipeline_mode<synchronous>, transform_indices = @transform_2, window_bounds = array<i64: 128, 128>}, {pipeline_mode = #tpu.pipeline_mode<synchronous>, transform_indices = @transform_3, window_bounds = array<i64: 1, 128>}, {transform_indices = @transform_4, window_bounds = array<i64: 1024, 128>}, {transform_indices = @transform_5, window_bounds = array<i64: 1024, 128>}]} {
    %get3A = arith.constant 0 : index
    %get3A_0 = arith.constant 0 : index
    %get3A_1 = vector.load %arg1[%get3A, %get3A_0] : memref<1024x128xf32, #tpu.memory_space<vmem>>, vector<1024x128xf32>
    %get3A_2 = arith.constant 0 : index
    %get3A_3 = arith.constant 0 : index
    %get3A_4 = vector.load %arg2[%get3A_2, %get3A_3] : memref<128x128xf32, #tpu.memory_space<vmem>>, vector<128x128xf32>
    %dot_general3A = arith.constant dense<0.000000e+00> : vector<1024x128xf32>
    %dot_general3A_5 = tpu.matmul %get3A_1, %get3A_4, %dot_general3A {dimension_numbers = #tpu.dot_dimension_numbers<[1], [0], [0], [1], [0, 0, 1, 1], [], []>, transpose_lhs_hint = false} : vector<1024x128xf32>, vector<128x128xf32>, vector<1024x128xf32> -> vector<1024x128xf32>
    %swap3A = arith.constant 0 : index
    %swap3A_6 = arith.constant 0 : index
    %swap3A_7 = vector.load %arg5[%swap3A, %swap3A_6] : memref<1024x128xf32, #tpu.memory_space<vmem>>, vector<1024x128xf32>
    tpu.vector_store %arg5[%swap3A, %swap3A_6], %dot_general3A_5 {strides = array<i32>} : memref<1024x128xf32, #tpu.memory_space<vmem>>, vector<1024x128xf32>,
    %get3A_8 = arith.constant 0 : index
    %get3A_9 = arith.constant 0 : index
    %get3A_10 = vector.load %arg3[%get3A_8, %get3A_9] : memref<128x128xf32, #tpu.memory_space<vmem>>, vector<128x128xf32>
    %dot_general3A_11 = arith.constant dense<0.000000e+00> : vector<1024x128xf32>
    %dot_general3A_12 = tpu.matmul %get3A_1, %get3A_10, %dot_general3A_11 {dimension_numbers = #tpu.dot_dimension_numbers<[1], [0], [0], [1], [0, 0, 1, 1], [], []>, transpose_lhs_hint = false} : vector<1024x128xf32>, vector<128x128xf32>, vector<1024x128xf32> -> vector<1024x128xf32>
    %get3A_13 = arith.constant 0 : index
    %get3A_14 = arith.constant 0 : index
    %get3A_15 = vector.load %arg4[%get3A_13, %get3A_14] : memref<1x128xf32, #tpu.memory_space<vmem>>, vector<1x128xf32>
    %add3A = vector.broadcast %get3A_15 : vector<1x128xf32> to vector<1024x128xf32>
    %add3A_16 = arith.addf %dot_general3A_12, %add3A : vector<1024x128xf32>
    %swap3A_17 = arith.constant 0 : index
    %swap3A_18 = arith.constant 0 : index
    %swap3A_19 = vector.load %arg6[%swap3A_17, %swap3A_18] : memref<1024x128xf32, #tpu.memory_space<vmem>>, vector<1024x128xf32>
    tpu.vector_store %arg6[%swap3A_17, %swap3A_18], %add3A_16 {strides = array<i32>} : memref<1024x128xf32, #tpu.memory_space<vmem>>, vector<1024x128xf32>,
    return
  }
  func.func @transform_0(%arg0: i32) -> (i32, i32) {
    %c0_i32 = arith.constant 0 : i32
    %c0_i32_0 = arith.constant 0 : i32
    return %arg0, %c0_i32 : i32, i32
  }
  func.func @transform_1(%arg0: i32) -> (i32, i32) {
    %c0_i32 = arith.constant 0 : i32
    %c0_i32_0 = arith.constant 0 : i32
    %c0_i32_1 = arith.constant 0 : i32
    return %c0_i32, %c0_i32_0 : i32, i32
  }
  func.func @transform_2(%arg0: i32) -> (i32, i32) {
    %c0_i32 = arith.constant 0 : i32
    %c0_i32_0 = arith.constant 0 : i32
    %c0_i32_1 = arith.constant 0 : i32
    return %c0_i32, %c0_i32_0 : i32, i32
  }
  func.func @transform_3(%arg0: i32) -> (i32, i32) {
    %c0_i32 = arith.constant 0 : i32
    %c0_i32_0 = arith.constant 0 : i32
    %c0_i32_1 = arith.constant 0 : i32
    return %c0_i32, %c0_i32_0 : i32, i32
  }
  func.func @transform_4(%arg0: i32) -> (i32, i32) {
    %c0_i32 = arith.constant 0 : i32
    %c0_i32_0 = arith.constant 0 : i32
    return %arg0, %c0_i32 : i32, i32
  }
  func.func @transform_5(%arg0: i32) -> (i32, i32) {
    %c0_i32 = arith.constant 0 : i32
    %c0_i32_0 = arith.constant 0 : i32
    return %arg0, %c0_i32 : i32, i32
  }
}

module attributes {stable_mosaic.version = 14 : i64} {
  func.func @_mid_body(%arg0: i32, %arg1: memref<2x1024x128xf32, #tpu.memory_space<vmem>>, %arg2: memref<2x1024x128xf32, #tpu.memory_space<vmem>>, %arg3: memref<1024x128xf32, #tpu.memory_space<vmem>>, %arg4: memref<128x64xf32, #tpu.memory_space<vmem>>, %arg5: memref<1x64xf32, #tpu.memory_space<vmem>>, %arg6: memref<1024x128xf32, #tpu.memory_space<vmem>>, %arg7: memref<1024x64xf32, #tpu.memory_space<vmem>>, %arg8: memref<1024x1xf32, #tpu.memory_space<vmem>>) attributes {dimension_semantics = [#tpu.dimension_semantics<arbitrary>], iteration_bounds = array<i64: 10>, scalar_prefetch = 0 : i64, scratch_operands = 0 : i64, tpu.core_type = #tpu.core_type<tc>, window_params = [{transform_indices = @transform_0, window_bounds = array<i64: 2, 1024, 128>}, {transform_indices = @transform_1, window_bounds = array<i64: 2, 1024, 128>}, {transform_indices = @transform_2, window_bounds = array<i64: 1024, 128>}, {pipeline_mode = #tpu.pipeline_mode<synchronous>, transform_indices = @transform_3, window_bounds = array<i64: 128, 64>}, {pipeline_mode = #tpu.pipeline_mode<synchronous>, transform_indices = @transform_4, window_bounds = array<i64: 1, 64>}, {transform_indices = @transform_5, window_bounds = array<i64: 1024, 128>}, {transform_indices = @transform_6, window_bounds = array<i64: 1024, 64>}, {transform_indices = @transform_7, window_bounds = array<i64: 1024, 1>}]} {
    %get3A = arith.constant 0 : index
    %get3A_0 = arith.constant 0 : index
    %get3A_1 = arith.constant 0 : index
    %get3A_2 = vector.load %arg2[%get3A, %get3A_0, %get3A_1] : memref<2x1024x128xf32, #tpu.memory_space<vmem>>, vector<1x1024x1xf32>
    %get3A_3 = vector.shape_cast %get3A_2 : vector<1x1024x1xf32> to vector<1024x1xf32>
    %get3A_4 = arith.constant 1 : index
    %get3A_5 = arith.constant 0 : index
    %get3A_6 = arith.constant 0 : index
    %get3A_7 = vector.load %arg2[%get3A_4, %get3A_5, %get3A_6] : memref<2x1024x128xf32, #tpu.memory_space<vmem>>, vector<1x1024x1xf32>
    %get3A_8 = vector.shape_cast %get3A_7 : vector<1x1024x1xf32> to vector<1024x1xf32>
    %add3A = arith.addf %get3A_3, %get3A_8 : vector<1024x1xf32>
    %max3A = arith.constant 1.000000e+00 : f32
    %max3A_9 = vector.broadcast %max3A : f32 to vector<1024x1xf32>
    %max3A_10 = arith.maximumf %add3A, %max3A_9 : vector<1024x1xf32>
    %swap3A = arith.constant 0 : index
    %swap3A_11 = arith.constant 0 : index
    %swap3A_12 = vector.load %arg8[%swap3A, %swap3A_11] : memref<1024x1xf32, #tpu.memory_space<vmem>>, vector<1024x1xf32>
    tpu.vector_store %arg8[%swap3A, %swap3A_11], %max3A_10 {strides = array<i32>} : memref<1024x1xf32, #tpu.memory_space<vmem>>, vector<1024x1xf32>,
    %get3A_13 = arith.constant 0 : index
    %get3A_14 = arith.constant 0 : index
    %get3A_15 = arith.constant 0 : index
    %get3A_16 = vector.load %arg1[%get3A_13, %get3A_14, %get3A_15] : memref<2x1024x128xf32, #tpu.memory_space<vmem>>, vector<1x1024x128xf32>
    %get3A_17 = vector.shape_cast %get3A_16 : vector<1x1024x128xf32> to vector<1024x128xf32>
    %get3A_18 = arith.constant 1 : index
    %get3A_19 = arith.constant 0 : index
    %get3A_20 = arith.constant 0 : index
    %get3A_21 = vector.load %arg1[%get3A_18, %get3A_19, %get3A_20] : memref<2x1024x128xf32, #tpu.memory_space<vmem>>, vector<1x1024x128xf32>
    %get3A_22 = vector.shape_cast %get3A_21 : vector<1x1024x128xf32> to vector<1024x128xf32>
    %add3A_23 = arith.addf %get3A_17, %get3A_22 : vector<1024x128xf32>
    %div3A = vector.broadcast %max3A_10 : vector<1024x1xf32> to vector<1024x128xf32>
    %div3A_24 = arith.divf %add3A_23, %div3A : vector<1024x128xf32>
    %get3A_25 = arith.constant 0 : index
    %get3A_26 = arith.constant 0 : index
    %get3A_27 = vector.load %arg3[%get3A_25, %get3A_26] : memref<1024x128xf32, #tpu.memory_space<vmem>>, vector<1024x128xf32>
    %add3A_28 = arith.addf %div3A_24, %get3A_27 : vector<1024x128xf32>
    %max3A_29 = arith.constant 0.000000e+00 : f32
    %max3A_30 = vector.broadcast %max3A_29 : f32 to vector<1024x128xf32>
    %max3A_31 = arith.maximumf %add3A_28, %max3A_30 : vector<1024x128xf32>
    %swap3A_32 = arith.constant 0 : index
    %swap3A_33 = arith.constant 0 : index
    %swap3A_34 = vector.load %arg6[%swap3A_32, %swap3A_33] : memref<1024x128xf32, #tpu.memory_space<vmem>>, vector<1024x128xf32>
    tpu.vector_store %arg6[%swap3A_32, %swap3A_33], %max3A_31 {strides = array<i32>} : memref<1024x128xf32, #tpu.memory_space<vmem>>, vector<1024x128xf32>,
    %get3A_35 = arith.constant 0 : index
    %get3A_36 = arith.constant 0 : index
    %get3A_37 = vector.load %arg4[%get3A_35, %get3A_36] : memref<128x64xf32, #tpu.memory_space<vmem>>, vector<128x64xf32>
    %dot_general3A = arith.constant dense<0.000000e+00> : vector<1024x64xf32>
    %dot_general3A_38 = tpu.matmul %max3A_31, %get3A_37, %dot_general3A {dimension_numbers = #tpu.dot_dimension_numbers<[1], [0], [0], [1], [0, 0, 1, 1], [], []>, transpose_lhs_hint = false} : vector<1024x128xf32>, vector<128x64xf32>, vector<1024x64xf32> -> vector<1024x64xf32>
    %get3A_39 = arith.constant 0 : index
    %get3A_40 = arith.constant 0 : index
    %get3A_41 = vector.load %arg5[%get3A_39, %get3A_40] : memref<1x64xf32, #tpu.memory_space<vmem>>, vector<1x64xf32>
    %add3A_42 = vector.broadcast %get3A_41 : vector<1x64xf32> to vector<1024x64xf32>
    %add3A_43 = arith.addf %dot_general3A_38, %add3A_42 : vector<1024x64xf32>
    %swap3A_44 = arith.constant 0 : index
    %swap3A_45 = arith.constant 0 : index
    %swap3A_46 = vector.load %arg7[%swap3A_44, %swap3A_45] : memref<1024x64xf32, #tpu.memory_space<vmem>>, vector<1024x64xf32>
    tpu.vector_store %arg7[%swap3A_44, %swap3A_45], %add3A_43 {strides = array<i32>} : memref<1024x64xf32, #tpu.memory_space<vmem>>, vector<1024x64xf32>,
    return
  }
  func.func @transform_0(%arg0: i32) -> (i32, i32, i32) {
    %c0_i32 = arith.constant 0 : i32
    %c0_i32_0 = arith.constant 0 : i32
    %c0_i32_1 = arith.constant 0 : i32
    return %c0_i32, %arg0, %c0_i32_0 : i32, i32, i32
  }
  func.func @transform_1(%arg0: i32) -> (i32, i32, i32) {
    %c0_i32 = arith.constant 0 : i32
    %c0_i32_0 = arith.constant 0 : i32
    %c0_i32_1 = arith.constant 0 : i32
    return %c0_i32, %arg0, %c0_i32_0 : i32, i32, i32
  }
  func.func @transform_2(%arg0: i32) -> (i32, i32) {
    %c0_i32 = arith.constant 0 : i32
    %c0_i32_0 = arith.constant 0 : i32
    return %arg0, %c0_i32 : i32, i32
  }
  func.func @transform_3(%arg0: i32) -> (i32, i32) {
    %c0_i32 = arith.constant 0 : i32
    %c0_i32_0 = arith.constant 0 : i32
    %c0_i32_1 = arith.constant 0 : i32
    return %c0_i32, %c0_i32_0 : i32, i32
  }
  func.func @transform_4(%arg0: i32) -> (i32, i32) {
    %c0_i32 = arith.constant 0 : i32
    %c0_i32_0 = arith.constant 0 : i32
    %c0_i32_1 = arith.constant 0 : i32
    return %c0_i32, %c0_i32_0 : i32, i32
  }
  func.func @transform_5(%arg0: i32) -> (i32, i32) {
    %c0_i32 = arith.constant 0 : i32
    %c0_i32_0 = arith.constant 0 : i32
    return %arg0, %c0_i32 : i32, i32
  }
  func.func @transform_6(%arg0: i32) -> (i32, i32) {
    %c0_i32 = arith.constant 0 : i32
    %c0_i32_0 = arith.constant 0 : i32
    return %arg0, %c0_i32 : i32, i32
  }
  func.func @transform_7(%arg0: i32) -> (i32, i32) {
    %c0_i32 = arith.constant 0 : i32
    %c0_i32_0 = arith.constant 0 : i32
    return %arg0, %c0_i32 : i32, i32
  }
}

module attributes {stable_mosaic.version = 14 : i64} {
  func.func @_post_body(%arg0: i32, %arg1: memref<2x1024x128xf32, #tpu.memory_space<vmem>>, %arg2: memref<1024x1xf32, #tpu.memory_space<vmem>>, %arg3: memref<1024x64xf32, #tpu.memory_space<vmem>>, %arg4: memref<128x64xf32, #tpu.memory_space<vmem>>, %arg5: memref<2x64xf32, #tpu.memory_space<vmem>>, %arg6: memref<1x2xf32, #tpu.memory_space<vmem>>, %arg7: memref<1024x2xf32, #tpu.memory_space<vmem>>) attributes {dimension_semantics = [#tpu.dimension_semantics<arbitrary>], iteration_bounds = array<i64: 10>, scalar_prefetch = 0 : i64, scratch_operands = 0 : i64, tpu.core_type = #tpu.core_type<tc>, window_params = [{transform_indices = @transform_0, window_bounds = array<i64: 2, 1024, 128>}, {transform_indices = @transform_1, window_bounds = array<i64: 1024, 1>}, {transform_indices = @transform_2, window_bounds = array<i64: 1024, 64>}, {pipeline_mode = #tpu.pipeline_mode<synchronous>, transform_indices = @transform_3, window_bounds = array<i64: 128, 64>}, {pipeline_mode = #tpu.pipeline_mode<synchronous>, transform_indices = @transform_4, window_bounds = array<i64: 2, 64>}, {pipeline_mode = #tpu.pipeline_mode<synchronous>, transform_indices = @transform_5, window_bounds = array<i64: 1, 2>}, {transform_indices = @transform_6, window_bounds = array<i64: 1024, 2>}]} {
    %get3A = arith.constant 0 : index
    %get3A_0 = arith.constant 0 : index
    %get3A_1 = arith.constant 0 : index
    %get3A_2 = vector.load %arg1[%get3A, %get3A_0, %get3A_1] : memref<2x1024x128xf32, #tpu.memory_space<vmem>>, vector<1x1024x128xf32>
    %get3A_3 = vector.shape_cast %get3A_2 : vector<1x1024x128xf32> to vector<1024x128xf32>
    %get3A_4 = arith.constant 1 : index
    %get3A_5 = arith.constant 0 : index
    %get3A_6 = arith.constant 0 : index
    %get3A_7 = vector.load %arg1[%get3A_4, %get3A_5, %get3A_6] : memref<2x1024x128xf32, #tpu.memory_space<vmem>>, vector<1x1024x128xf32>
    %get3A_8 = vector.shape_cast %get3A_7 : vector<1x1024x128xf32> to vector<1024x128xf32>
    %add3A = arith.addf %get3A_3, %get3A_8 : vector<1024x128xf32>
    %get3A_9 = arith.constant 0 : index
    %get3A_10 = arith.constant 0 : index
    %get3A_11 = vector.load %arg2[%get3A_9, %get3A_10] : memref<1024x1xf32, #tpu.memory_space<vmem>>, vector<1024x1xf32>
    %div3A = vector.broadcast %get3A_11 : vector<1024x1xf32> to vector<1024x128xf32>
    %div3A_12 = arith.divf %add3A, %div3A : vector<1024x128xf32>
    %get3A_13 = arith.constant 0 : index
    %get3A_14 = arith.constant 0 : index
    %get3A_15 = vector.load %arg4[%get3A_13, %get3A_14] : memref<128x64xf32, #tpu.memory_space<vmem>>, vector<128x64xf32>
    %dot_general3A = arith.constant dense<0.000000e+00> : vector<1024x64xf32>
    %dot_general3A_16 = tpu.matmul %div3A_12, %get3A_15, %dot_general3A {dimension_numbers = #tpu.dot_dimension_numbers<[1], [0], [0], [1], [0, 0, 1, 1], [], []>, transpose_lhs_hint = false} : vector<1024x128xf32>, vector<128x64xf32>, vector<1024x64xf32> -> vector<1024x64xf32>
    %get3A_17 = arith.constant 0 : index
    %get3A_18 = arith.constant 0 : index
    %get3A_19 = vector.load %arg3[%get3A_17, %get3A_18] : memref<1024x64xf32, #tpu.memory_space<vmem>>, vector<1024x64xf32>
    %add3A_20 = arith.addf %dot_general3A_16, %get3A_19 : vector<1024x64xf32>
    %max3A = arith.constant 0.000000e+00 : f32
    %max3A_21 = vector.broadcast %max3A : f32 to vector<1024x64xf32>
    %max3A_22 = arith.maximumf %add3A_20, %max3A_21 : vector<1024x64xf32>
    %get3A_23 = arith.constant 0 : index
    %get3A_24 = arith.constant 0 : index
    %get3A_25 = vector.load %arg5[%get3A_23, %get3A_24] : memref<2x64xf32, #tpu.memory_space<vmem>>, vector<1x64xf32>
    %mul3A = vector.broadcast %get3A_25 : vector<1x64xf32> to vector<1024x64xf32>
    %mul3A_26 = arith.mulf %max3A_22, %mul3A : vector<1024x64xf32>
    %reduce_sum3A = arith.constant dense<0.000000e+00> : vector<1024xf32>
    %reduce_sum3A_27 = vector.multi_reduction <add>, %mul3A_26, %reduce_sum3A [1] : vector<1024x64xf32> to vector<1024xf32>
    %broadcast_in_dim3A = vector.shape_cast %reduce_sum3A_27 : vector<1024xf32> to vector<1024x1xf32>
    %get3A_28 = arith.constant 0 : index
    %get3A_29 = arith.constant 0 : index
    %get3A_30 = vector.load %arg6[%get3A_28, %get3A_29] : memref<1x2xf32, #tpu.memory_space<vmem>>, vector<1x1xf32>
    %get3A_31 = vector.extract %get3A_30[0, 0] : f32 from vector<1x1xf32>
    %add3A_32 = vector.broadcast %get3A_31 : f32 to vector<1024x1xf32>
    %add3A_33 = arith.addf %broadcast_in_dim3A, %add3A_32 : vector<1024x1xf32>
    %get3A_34 = arith.constant 1 : index
    %get3A_35 = arith.constant 0 : index
    %get3A_36 = vector.load %arg5[%get3A_34, %get3A_35] : memref<2x64xf32, #tpu.memory_space<vmem>>, vector<1x64xf32>
    %mul3A_37 = vector.broadcast %get3A_36 : vector<1x64xf32> to vector<1024x64xf32>
    %mul3A_38 = arith.mulf %max3A_22, %mul3A_37 : vector<1024x64xf32>
    %reduce_sum3A_39 = arith.constant dense<0.000000e+00> : vector<1024xf32>
    %reduce_sum3A_40 = vector.multi_reduction <add>, %mul3A_38, %reduce_sum3A_39 [1] : vector<1024x64xf32> to vector<1024xf32>
    %broadcast_in_dim3A_41 = vector.shape_cast %reduce_sum3A_40 : vector<1024xf32> to vector<1024x1xf32>
    %get3A_42 = arith.constant 0 : index
    %get3A_43 = arith.constant 1 : index
    %get3A_44 = vector.load %arg6[%get3A_42, %get3A_43] : memref<1x2xf32, #tpu.memory_space<vmem>>, vector<1x1xf32>
    %get3A_45 = vector.extract %get3A_44[0, 0] : f32 from vector<1x1xf32>
    %add3A_46 = vector.broadcast %get3A_45 : f32 to vector<1024x1xf32>
    %add3A_47 = arith.addf %broadcast_in_dim3A_41, %add3A_46 : vector<1024x1xf32>
    %max3A_48 = arith.maximumf %add3A_33, %add3A_47 : vector<1024x1xf32>
    %sub3A = arith.subf %add3A_33, %max3A_48 : vector<1024x1xf32>
    %exp3A = math.exp %sub3A : vector<1024x1xf32>
    %sub3A_49 = arith.subf %add3A_47, %max3A_48 : vector<1024x1xf32>
    %exp3A_50 = math.exp %sub3A_49 : vector<1024x1xf32>
    %add3A_51 = arith.addf %exp3A, %exp3A_50 : vector<1024x1xf32>
    %log3A = math.log %add3A_51 : vector<1024x1xf32>
    %add3A_52 = arith.addf %max3A_48, %log3A : vector<1024x1xf32>
    %sub3A_53 = arith.subf %add3A_33, %add3A_52 : vector<1024x1xf32>
    %sub3A_54 = arith.subf %add3A_47, %add3A_52 : vector<1024x1xf32>
    %concatenate3A = tpu.concatenate %sub3A_53, %sub3A_54 in 1 : vector<1024x1xf32>, vector<1024x1xf32> -> vector<1024x2xf32>
    %swap3A = arith.constant 0 : index
    %swap3A_55 = arith.constant 0 : index
    %swap3A_56 = vector.load %arg7[%swap3A, %swap3A_55] : memref<1024x2xf32, #tpu.memory_space<vmem>>, vector<1024x2xf32>
    tpu.vector_store %arg7[%swap3A, %swap3A_55], %concatenate3A {strides = array<i32>} : memref<1024x2xf32, #tpu.memory_space<vmem>>, vector<1024x2xf32>,
    return
  }
  func.func @transform_0(%arg0: i32) -> (i32, i32, i32) {
    %c0_i32 = arith.constant 0 : i32
    %c0_i32_0 = arith.constant 0 : i32
    %c0_i32_1 = arith.constant 0 : i32
    return %c0_i32, %arg0, %c0_i32_0 : i32, i32, i32
  }
  func.func @transform_1(%arg0: i32) -> (i32, i32) {
    %c0_i32 = arith.constant 0 : i32
    %c0_i32_0 = arith.constant 0 : i32
    return %arg0, %c0_i32 : i32, i32
  }
  func.func @transform_2(%arg0: i32) -> (i32, i32) {
    %c0_i32 = arith.constant 0 : i32
    %c0_i32_0 = arith.constant 0 : i32
    return %arg0, %c0_i32 : i32, i32
  }
  func.func @transform_3(%arg0: i32) -> (i32, i32) {
    %c0_i32 = arith.constant 0 : i32
    %c0_i32_0 = arith.constant 0 : i32
    %c0_i32_1 = arith.constant 0 : i32
    return %c0_i32, %c0_i32_0 : i32, i32
  }
  func.func @transform_4(%arg0: i32) -> (i32, i32) {
    %c0_i32 = arith.constant 0 : i32
    %c0_i32_0 = arith.constant 0 : i32
    %c0_i32_1 = arith.constant 0 : i32
    return %c0_i32, %c0_i32_0 : i32, i32
  }
  func.func @transform_5(%arg0: i32) -> (i32, i32) {
    %c0_i32 = arith.constant 0 : i32
    %c0_i32_0 = arith.constant 0 : i32
    %c0_i32_1 = arith.constant 0 : i32
    return %c0_i32, %c0_i32_0 : i32, i32
  }
  func.func @transform_6(%arg0: i32) -> (i32, i32) {
    %c0_i32 = arith.constant 0 : i32
    %c0_i32_0 = arith.constant 0 : i32
    return %arg0, %c0_i32 : i32, i32
  }
}

</mosaic_0001>

<sc_bundles>
// kernel: kernel.10.cloned.1.call-start
scs
__scs_entry_jumppad:
0x0: {  	(pc) =	sbr.rel $0x88, $3  }
0x1: {  	(tag) =	ssettag $0x0;
	lr =	simm.s32 $0x1  }
0x2: {  	[smem:$0x3F97] =	sst lr;
	_ =	strace $0xD0000000  }
0x3: {  	_ = 	snop  }
0x4: {  	_ = 	snop  }
0x5: {  	_ = 	snop  }
0x6: {  	_ = 	snop  }
0x7: {  	_ = 	snop  }
__scs_overlays_trampoline_lowered:
0x8: {  	[smem:$0x3FA6] =	sst s0  }
0x9: {  	[smem:$0x3FA7] =	sst s1  }
0xa: {  	[smem:$0x3FA8] =	sst s2  }
0xb: {  	[smem:$0x3FA9] =	sst s3  }
0xc: {  	[smem:$0x3FAA] =	sst s4  }
0xd: {  	[smem:$0x3FAB] =	sst s5  }
0xe: {  	[smem:$0x3FAC] =	sst s6  }
0xf: {  	[smem:$0x3FAD] =	sst s7  }
0x10: {  	[smem:$0x3FAE] =	sst s8  }
0x11: {  	[smem:$0x3FAF] =	sst s9;
	s0 =	simm.s32 @!p0 $0x0  }
0x12: {  	s1 =	sld [smem:$0x3F95];
	s0 =	simm.s32 @p0 $0x1  }
0x13: {  	[smem:$0x3FB0] =	sst s0;
	s0 =	simm.s32 @!p1 $0x0  }
0x14: {  	s2 =	sld [smem:$0x3F94];
	s0 =	simm.s32 @p1 $0x1  }
0x15: {  	[smem:$0x3FB1] =	sst s0;
	s0 =	simm.s32 @!p2 $0x0  }
0x16: {  	s3 =	sld [smem:$0x3FDB];
	s0 =	simm.s32 @p2 $0x1  }
0x17: {  	s4 =	simm.s32 $0x1BF5;
	[smem:$0x3FB3] =	sst s0  }
0x18: {  	s0 =	sld [smem:$0x3F96];
	_ =	swait.ge [sflag:s4], $0x0  }
0x19: {  	s7 =	sld [smem:$0x3F97]  }
0x1a: {  	s8 =	sadd.s32 $0xFFFFE003, lr  }
0x1b: {  	s9 =	sadd.s32 $0xFFFFFEF7, lr;
	s5 =	simm.s32 $0xFFFFFFFF;
	p2 =	slt.u32 s8, $0xFFFFF086  }
0x1c: {  	p1 =	slt.u32 s9, $0xF7A;
	s5 =	simm.s32 @!p2 $0x0  }
0x1d: {  	s5 =	simm.s32 @p1 $0x1;
	p0 =	seq.s32 s7, s2  }
0x1e: {  	s7 =	smul.u32 @!p0 $0xF7A, s2;
	p2 =	seq.s32 @!p0 s5, $0x0  }
0x1f: {  	s9 =	smul.u32 $0xF7A, s1;
	s8 =	simm.s32 @!p0 $0x1BF5;
	p2 =	por !p2, p0  }
0x20: {  	[sflag:s8] =	ssyncset.s32 @!p0 $0xFFFFF086;
	s6 =	sadd.s32 @!p0 s3, s7;
	s7 =	simm.s32 @!p0 $0x108  }
0x21: {  	s3 =	sadd.s32 s3, s9;
	s6 =	sadd.s32 @!p0 $0x88, s6;
	s7 =	simm.s32 @p2 $0x1082  }
0x22: {  	[simem:s7], [sflag:s8] =	dma.local @!p0 [hbm:s6], $0xF7A  }
0x23: {  	s9 =	sor.u32 $0xD0000000, s2;
	s6 =	simm.s32 $0x108;
	_ =	swait.ge @!p0 [sflag:s8], $0x0  }
0x24: {  	s3 =	sadd.s32 $0x88, s3;
	s6 =	simm.s32 @!p1 $0x1082;
	[sflag:s4] =	ssyncset.s32 $0xFFFFF086  }
0x25: {  	[simem:s6], [sflag:s4] =	dma.local [hbm:s3], $0xF7A  }
0x26: {  	[smem:$0x3F97] =	sst s1;
	(tag) =	ssettag s2;
	_ =	strace s9  }
0x27: {  	s1 =	sld [smem:$0x3FA7]  }
0x28: {  	s2 =	sld [smem:$0x3FA8]  }
0x29: {  	s4 =	sld [smem:$0x3FAA]  }
0x2a: {  	p0 =	seq.s32 s5, $0x0;
	s5 =	sld [smem:$0x3FAB]  }
0x2b: {  	s6 =	sld [smem:$0x3FAC]  }
0x2c: {  	s7 =	sld [smem:$0x3FAD]  }
0x2d: {  	s3 =	simm.s32 $0x108;
	s8 =	sld [smem:$0x3FAE]  }
0x2e: {  	s3 =	simm.s32 @!p0 $0x1082;
	s9 =	sld [smem:$0x3FAF]  }
0x2f: {  	lr =	sadd.s32 s0, s3;
	s0 =	sld [smem:$0x3FA6]  }
0x30: {  	s3 =	sld [smem:$0x3FA9]  }
0x31: {  	[smem:$0x3FB2] =	sst s10  }
0x32: {  	s10 =	sld [smem:$0x3FB0];
	_ =	sdelay $0x3  }
0x33: {  	p0 =	seq.s32 s10, $0x1;
	s10 =	sld [smem:$0x3FB2];
	_ =	sdelay $0x3  }
0x34: {  	[smem:$0x3FB2] =	sst s10  }
0x35: {  	s10 =	sld [smem:$0x3FB1];
	_ =	sdelay $0x3  }
0x36: {  	p1 =	seq.s32 s10, $0x1;
	s10 =	sld [smem:$0x3FB2];
	_ =	sdelay $0x3  }
0x37: {  	[smem:$0x3FB2] =	sst s10  }
0x38: {  	s10 =	sld [smem:$0x3FB3]  }
0x39: {  	_ = 	snop;
	(pc) =	sbr.ind lr, $3  }
0x3a: {  	_ = 	snop  }
0x3b: {  	_ = 	snop  }
0x3c: {  	p2 =	seq.s32 s10, $0x1;
	s10 =	sld [smem:$0x3FB2]  }
0x3d: {  	_ =	shalt  }
0x3e: {  	_ =	shalt  }
0x3f: {  	_ =	shalt  }
0x40: {  	_ =	shalt  }
0x41: {  	_ =	shalt  }
0x42: {  	_ =	shalt  }
0x43: {  	_ =	shalt  }
0x44: {  	_ =	shalt  }
0x45: {  	_ =	shalt  }
0x46: {  	_ =	shalt  }
0x47: {  	_ =	shalt  }
0x48: {  	_ =	shalt  }
0x49: {  	_ =	shalt  }
0x4a: {  	_ =	shalt  }
0x4b: {  	_ =	shalt  }
0x4c: {  	_ =	shalt  }
0x4d: {  	_ =	shalt  }
0x4e: {  	_ =	shalt  }
0x4f: {  	_ =	shalt  }
0x50: {  	_ =	shalt  }
0x51: {  	_ =	shalt  }
0x52: {  	_ =	shalt  }
0x53: {  	_ =	shalt  }
0x54: {  	_ =	shalt  }
0x55: {  	_ =	shalt  }
0x56: {  	_ =	shalt  }
0x57: {  	_ =	shalt  }
0x58: {  	_ =	shalt  }
0x59: {  	_ =	shalt  }
0x5a: {  	_ =	shalt  }
0x5b: {  	_ =	shalt  }
0x5c: {  	_ =	shalt  }
0x5d: {  	_ =	shalt  }
0x5e: {  	_ =	shalt  }
0x5f: {  	_ =	shalt  }
0x60: {  	_ =	shalt  }
0x61: {  	_ =	shalt  }
0x62: {  	_ =	shalt  }
0x63: {  	_ =	shalt  }
0x64: {  	_ =	shalt  }
0x65: {  	_ =	shalt  }
0x66: {  	_ =	shalt  }
0x67: {  	_ =	shalt  }
0x68: {  	_ =	shalt  }
0x69: {  	_ =	shalt  }
0x6a: {  	_ =	shalt  }
0x6b: {  	_ =	shalt  }
0x6c: {  	_ =	shalt  }
0x6d: {  	_ =	shalt  }
0x6e: {  	_ =	shalt  }
0x6f: {  	_ =	shalt  }
0x70: {  	_ =	shalt  }
0x71: {  	_ =	shalt  }
0x72: {  	_ =	shalt  }
0x73: {  	_ =	shalt  }
0x74: {  	_ =	shalt  }
0x75: {  	_ =	shalt  }
0x76: {  	_ =	shalt  }
0x77: {  	_ =	shalt  }
0x78: {  	_ =	shalt  }
0x79: {  	_ =	shalt  }
0x7a: {  	_ =	shalt  }
0x7b: {  	_ =	shalt  }
0x7c: {  	_ =	shalt  }
0x7d: {  	_ =	shalt  }
0x7e: {  	_ =	shalt  }
0x7f: {  	_ =	shalt  }
0x80: {  	_ =	shalt  }
0x81: {  	_ =	shalt  }
0x82: {  	_ =	shalt  }
0x83: {  	_ =	shalt  }
0x84: {  	_ =	shalt  }
0x85: {  	_ =	shalt  }
0x86: {  	_ =	shalt  }
0x87: {  	_ =	shalt  }
.Lfunc_end0:
.L_simem_size_0:
called_computation.1_lowered:
.L_overlay_start_0:
0x88: {  	s2 =	sld [smem:$0x3FD9]  }
0x89: {  	s3 =	sld [smem:$0x3FFE];
	_ =	sdelay $0x1  }
0x8a: {  	s1 =	srdreg.scid  }
0x8b: {  	s0 =	sand.u32 $0x1, s1  }
0x8c: {  	s16 =	sshll.u32 s0, $0xA;
	s2 =	sadd.s32 s3, s2  }
0x8d: {  	s2 =	sadd.s32 s2, s16  }
0x8e: {  	[smem:$0x3FBE] =	sst s2  }
0x8f: {  	_ = 	snop  }
0x90: {  	(tm) =	ssettm $0x1  }
0x91: {  	s17 =	sld [smem:$0x3FFB];
	_ =	sdelay $0x3  }
0x92: {  	_ =	strace s17  }
0x93: {  	s2 =	sld [smem:$0x3FFC];
	_ =	sdelay $0x3  }
0x94: {  	_ =	strace s2  }
0x95: {  	s2 =	sld [smem:$0x3FFD];
	_ =	sdelay $0x3  }
0x96: {  	_ =	strace s2  }
0x97: {  	_ =	strace $0x8FFFFFFF  }
0x98: {  	s18 =	sld [smem:$0x3FDB];
	_ =	sdelay $0x1  }
0x99: {  	s19 =	simm.s32 $_scs_section_size  }
0x9a: {  	s4 =	simm.s32 $_size__tile_overlayer_lowered;
	s5 =	simm.s32 $_tile_overlayer_lowered  }
0x9b: {  	s22 =	simm.s32 $0x1BFF;
	s21 =	sshll.u32 s5, $0x1;
	s2 =	sadd.s32 s19, s18  }
0x9c: {  	s6 =	simm.s32 $0x0;
	s20 =	sshll.u32 s4, $0x1;
	s4 =	sadd.s32 s21, s2  }
0x9d: {  	[timem:s6], [sflag:s22] =	dma.local [hbm:s4], s20  }
0x9e: {  	_ =	swait.ge [sflag:s22], s20  }
0x9f: {  	s3 =	ssub.s32 $0x0, s20;
	[sflag:s22] =	ssyncset.done $0x0  }
0xa0: {  	[sflag:s22] =	ssyncadd.s32 s3;
	_ =	sdelay $0x1  }
0xa1: {  	s23 =	simm.s32 $0x1B8B  }
0xa2: {  	_ =	swait.ge [sflag:s23], $0x1  }
0xa3: {  	[sflag:s23] =	ssyncset.done $0x0  }
0xa4: {  	s25 =	simm.s32 $0x1B8E;
	s24 =	sld [smem:$0x3FFE];
	[sflag:s23] =	ssyncadd.s32 $0xFFFFFFFF  }
0xa5: {  	s26 =	simm.s32 $execute0_lowered;
	[smem:$0x3FD2] =	sst s25  }
0xa6: {  	s4 =	sshll.u32 s26, $0x1;
	_ =	strace $0x80000049;
	[dreg:$0x1] =	wrdreg $0xFFFFFFFF  }
0xa7: {  	s28 =	simm.s32 $_size_execute0_lowered;
	s2 =	sadd.s32 s2, s4;
	[dreg:$0x0] =	wrdreg $0x0  }
0xa8: {  	s4 =	sshll.u32 s28, $0x1;
	[dreg:$0x2] =	wrdreg s2  }
0xa9: {  	[dreg:$0x3] =	wrdreg s4  }
0xaa: {  	[dreg:$0x4] =	wrdreg $0xC0  }
0xab: {  	_ =	task [dreg:s6], $0x5FFFF  }
0xac: {  	[dreg:$0x1] =	wrdreg $0xFFFFFFFF  }
0xad: {  	[dreg:$0x0] =	wrdreg $0x60  }
0xae: {  	[dreg:$0x2] =	wrdreg s24  }
0xaf: {  	[dreg:$0x3] =	wrdreg $0x90000  }
0xb0: {  	[dreg:$0x4] =	wrdreg $0x9  }
0xb1: {  	_ =	task.clear_ibuf [dreg:s6], $0x5FFFF;
	_ =	strace $0x90000049  }
0xb2: {  	s29 =	simm.s32 $0x9;
	_ =	strace $0x8000004B  }
0xb3: {  	_ =	swait.ge [sflag:s29], $0x1  }
0xb4: {  	[sflag:s29] =	ssyncadd.s32 $0xFFFFFFFF  }
0xb5: {  	_ =	strace $0x9000004B  }
0xb6: {  	_ =	sfence  }
0xb7: {  	s30 =	sld [smem:$0x0];
	_ =	sdelay $0x2  }
0xb8: {  	s31 =	sshll.u32 s1, $0xD;
	s1 =	sshrl.u32 s1, $0x2  }
0xb9: {  	s3 =	sand.u32 $0x4000, s31;
	s1 =	sadd.s32 s1, s30  }
0xba: {  	s0 =	sor.u32 s3, s0;
	s1 =	sshll.u32 s1, $0x11  }
0xbb: {  	s0 =	sor.u32 s1, s0  }
0xbc: {  	s0 =	sadd.s32 $0x8F2B, s0  }
0xbd: {  	[sflag:s0] =	ssyncadd.remote.s32 $0x1  }
0xbe: {  	_ =	sfence.sel $0xFFFF  }
0xbf: {  	[dreg:$0x0] =	wrdreg $0xFFFFFFFF;
	(pc) =	sbr.abs _section_cstart, $3  }
0xc0: {  	[dreg:$0x1] =	wrdreg $0xFFFFFFFF  }
0xc1: {  	_ =	task.clear_ibuf [dreg:s6], $0x2FFFF;
	_ =	strace $0x9FFFFFFF  }
0xc2: {  	(tm) =	ssettm $0x7FFFFFFF  }
0xc3: {  	_ =	shalt  }
tec
execute0_lowered:
.L_overlay_start_1:
0x0: {  	(tag) =	ssettag $0x1  }
0x1: {  	s5 =	rddreg [dreg:$0x0]  }
0x2: {  	s1 =	rddreg [dreg:$0x1]  }
0x3: {  	s0 =	rddreg [dreg:$0x2]  }
0x4: {  	s3 =	simm.s32 $0x0;
	s2 =	srdreg.scid;
	s17 =	simm.s32 $0x4000  }
0x5: {  	s18 =	simm.s32 $0x2;
	s19 =	simm.s32 $0x50;
	s20 =	simm.s32 $0x1  }
0x6: {  	s21 =	simm.s32 $0x3F80;
	s22 =	simm.s32 $0x6800;
	s23 =	simm.s32 $0x3E00  }
0x7: {  	[smem:$0x7FF] =	sst s3;
	s6 =	sand.u32 $0x1, s2;
	s2 =	stileid.u32  }
0x8: {  	s4 =	sadd.s32 $0x22400, s5;
	s7 =	smul.u32 $0x28000, s6;
	s8 =	sshll.u32 s6, $0x10  }
0x9: {  	s9 =	sshll.u32 s2, $0xC;
	s10 =	smul.u32 $0x2800, s2;
	_ =	strace $0x8000004A  }
0xa: {  	s6 =	ssub.s32 $0x2, s6;
	s29 =	smul.u32 $0x50000, s2;
	s8 =	sor.u32 s9, s8  }
0xb: {  	s30 =	sshrl.u32 s6, $0x1;
	s7 =	sadd.s32 s10, s7;
	s8 =	sadd.s32 s8, s5  }
0xc: {  	s11 =	ssub.s32 s6, s30;
	s31 =	sshrl.u32 s29, $0x2;
	s10 =	sadd.s32 s7, s5  }
0xd: {  	s5 =	sadd.s32 $0x2400, s8;
	s6 =	sadd.s32 $0x2800, s8;
	s7 =	sadd.s32 s31, s1  }
0xe: {  	s9 =	smax.u32 s11, $0x1;
	s8 =	sadd.s32 $0x4A400, s10;
	s10 =	sadd.s32 $0x2800, s7  }
0xf: {  	s11 =	sadd.s32 $0x5000, s7;
	s12 =	sadd.s32 $0x7800, s7;
	s13 =	sadd.s32 $0xA000, s7  }
0x10: {  	v0 =	vimm.f32 $0.0e+00;
	s14 =	sadd.s32 $0xC800, s7;
	s15 =	sadd.s32 $0xF000, s7;
	s16 =	sadd.s32 $0x11800, s7  }
.LBB2_1:
0x11: {  	s24 =	simm.s32 $0x0;
	s25 =	simm.s32 $0x200  }
.LBB2_2:
0x12: {  	p0 =	sne.s32 s25, $0x9E00;
	[tilespmem:s24+$0x4070] =	vst v0  }
0x13: {  	[tilespmem:s24+$0x4000] =	vst v0  }
0x14: {  	[tilespmem:s24+$0x4010] =	vst v0  }
.Ltmp0:
0x15: {  	[tilespmem:s24+$0x4020] =	vst v0;
	(pc) =	sbr.rel @p0 .LBB2_2-.Ltmp0, $4  }
0x16: {  	[tilespmem:s24+$0x4030] =	vst v0  }
0x17: {  	[tilespmem:s24+$0x4040] =	vst v0  }
0x18: {  	[tilespmem:s24+$0x4050] =	vst v0  }
0x19: {  	[tilespmem:s24+$0x4060] =	vst v0;
	s24 =	sshra.s32 s25, $0x2;
	s25 =	sadd.s32 $0x200, s25  }
0x1a: {  	[tilespmem:s24+$0x4070] =	vst v0  }
0x1b: {  	[tilespmem:s24+$0x4000] =	vst v0  }
0x1c: {  	[tilespmem:s24+$0x4010] =	vst v0  }
0x1d: {  	[tilespmem:s24+$0x4020] =	vst v0  }
0x1e: {  	[tilespmem:s24+$0x4030] =	vst v0  }
0x1f: {  	[tilespmem:s24+$0x4040] =	vst v0  }
0x20: {  	[tilespmem:s24+$0x4050] =	vst v0  }
0x21: {  	[tilespmem:s24+$0x4060] =	vst v0  }
0x22: {  	[spmem:s7] =	stream.linear.scatter [tilespmem:s17], [sflag:$0x2], $0x2800, $0x38;
	[tilespmem:$0x1D000] =	vst v63  }
0x23: {  	_ =	swait.ge [sflag:s18], $0x2800  }
0x24: {  	[sflag:s18] =	ssyncset.done $0x0  }
0x25: {  	[sflag:s18] =	ssyncadd.s32 $0xFFFFD800  }
0x26: {  	[spmem:s10] =	stream.linear.scatter [tilespmem:s17], [sflag:$0x2], $0x2800, $0x38;
	[tilespmem:$0x1D000] =	vst v63  }
0x27: {  	_ =	swait.ge [sflag:s18], $0x2800  }
0x28: {  	[sflag:s18] =	ssyncset.done $0x0  }
0x29: {  	[sflag:s18] =	ssyncadd.s32 $0xFFFFD800  }
0x2a: {  	[spmem:s11] =	stream.linear.scatter [tilespmem:s17], [sflag:$0x2], $0x2800, $0x38;
	[tilespmem:$0x1D000] =	vst v63  }
0x2b: {  	_ =	swait.ge [sflag:s18], $0x2800  }
0x2c: {  	[sflag:s18] =	ssyncset.done $0x0  }
0x2d: {  	[sflag:s18] =	ssyncadd.s32 $0xFFFFD800  }
0x2e: {  	[spmem:s12] =	stream.linear.scatter [tilespmem:s17], [sflag:$0x2], $0x2800, $0x38;
	[tilespmem:$0x1D000] =	vst v63  }
0x2f: {  	_ =	swait.ge [sflag:s18], $0x2800  }
0x30: {  	[sflag:s18] =	ssyncset.done $0x0  }
0x31: {  	[sflag:s18] =	ssyncadd.s32 $0xFFFFD800  }
0x32: {  	[spmem:s13] =	stream.linear.scatter [tilespmem:s17], [sflag:$0x2], $0x2800, $0x38;
	[tilespmem:$0x1D000] =	vst v63  }
0x33: {  	_ =	swait.ge [sflag:s18], $0x2800  }
0x34: {  	[sflag:s18] =	ssyncset.done $0x0  }
0x35: {  	[sflag:s18] =	ssyncadd.s32 $0xFFFFD800  }
0x36: {  	[spmem:s14] =	stream.linear.scatter [tilespmem:s17], [sflag:$0x2], $0x2800, $0x38;
	[tilespmem:$0x1D000] =	vst v63  }
0x37: {  	_ =	swait.ge [sflag:s18], $0x2800  }
0x38: {  	[sflag:s18] =	ssyncset.done $0x0  }
0x39: {  	[sflag:s18] =	ssyncadd.s32 $0xFFFFD800  }
0x3a: {  	[spmem:s15] =	stream.linear.scatter [tilespmem:s17], [sflag:$0x2], $0x2800, $0x38;
	[tilespmem:$0x1D000] =	vst v63  }
0x3b: {  	_ =	swait.ge [sflag:s18], $0x2800  }
0x3c: {  	[sflag:s18] =	ssyncset.done $0x0  }
0x3d: {  	[sflag:s18] =	ssyncadd.s32 $0xFFFFD800  }
0x3e: {  	[spmem:s16] =	stream.linear.scatter [tilespmem:s17], [sflag:$0x2], $0x2800, $0x38;
	[tilespmem:$0x1D000] =	vst v63  }
0x3f: {  	_ =	swait.ge [sflag:s18], $0x2800  }
0x40: {  	[sflag:s18] =	ssyncset.done $0x0  }
0x41: {  	s30 =	simm.s32 $0x2000;
	s25 =	simm.s32 $0x0;
	[sflag:s18] =	ssyncadd.s32 $0xFFFFD800  }
0x42: {  	[tilespmem:s25], [sflag:$0x2] =	stream.strided.gather [hbm4b:s5+s30], $0x4000, s17, s30, $0x38;
	[tilespmem:$0x1D000] =	vst v63  }
0x43: {  	_ =	swait.ge [sflag:s18], $0x4000  }
0x44: {  	[sflag:s18] =	ssyncset.done $0x0  }
0x45: {  	[sflag:s18] =	ssyncadd.s32 $0xFFFFC000  }
0x46: {  	[bflag:$0x0] =	sbarrier.arrive $0xFFFF  }
0x47: {  	[tilespmem:s17], [sflag:$0x1] =	stream.indirect.gather [hbm4b:s4+s19], $0x80, s25, s19, $0xb8;
	[tilespmem:$0x1D000] =	vst v63  }
0x48: {  	s25 =	sand.u32 $0x1, s25  }
0x49: {  	s26 =	sxor.u32 $0x1, s25  }
0x4a: {  	s26 =	smul.u32 $0xA000, s26  }
0x4b: {  	_ =	swait.ge [sflag:s20], $0x2800;
	s25 =	smul.u32 $0xA000, s25  }
0x4c: {  	s28 =	simm.s32 $0x80;
	[sflag:s20] =	ssyncset.done $0x0;
	s26 =	sshrl.u32 s26, $0x2  }
0x4d: {  	[sflag:s20] =	ssyncadd.s32 $0xFFFFD800;
	s25 =	sshrl.u32 s25, $0x2;
	s26 =	sor.u32 $0x4000, s26  }
0x4e: {  	[tilespmem:s26], [sflag:$0x1] =	stream.indirect.gather [hbm4b:s4+s19], $0x80, s28, s19, $0xb8;
	[tilespmem:$0x1D000] =	vst v63  }
0x4f: {  	s31 =	simm.s32 $0x1;
	s24 =	simm.s32 $0x2080;
	s25 =	sor.u32 $0x4000, s25  }
0x50: {  	[spmem:s1] =	stream.indirect.scatter.add.f32 [tilespmem:s25], [sflag:$0x2], $0x80, s30, s19, $0xb8;
	[tilespmem:$0x1D000] =	vst v63  }
0x51: {  	s26 =	simm.s32 $0x2;
	s25 =	sand.u32 $0x1, s31;
	_ =	swait.ge [sflag:s18], $0x2800  }
.LBB2_4:
0x52: {  	s28 =	sxor.u32 $0x1, s25  }
0x53: {  	[sflag:s18] =	ssyncset.done $0x0;
	s29 =	smov.u32 s26;
	s30 =	sadd.s32 $0x1, s26  }
0x54: {  	p0 =	sne.s32 s26, $0x3E;
	s26 =	smul.u32 $0xA000, s28;
	[sflag:s18] =	ssyncadd.s32 $0xFFFFD800  }
0x55: {  	_ =	swait.ge [sflag:s20], $0x2800  }
0x56: {  	s25 =	smul.u32 $0xA000, s25;
	[sflag:s20] =	ssyncset.done $0x0;
	s26 =	sshrl.u32 s26, $0x2  }
0x57: {  	s28 =	sadd.s32 $0xFFFFE080, s24;
	[sflag:s20] =	ssyncadd.s32 $0xFFFFD800;
	s26 =	sor.u32 $0x4000, s26  }
0x58: {  	[tilespmem:s26], [sflag:$0x1] =	stream.indirect.gather [hbm4b:s4+s19], $0x80, s28, s19, $0xb8;
	[tilespmem:$0x1D000] =	vst v63  }
.Ltmp1:
0x59: {  	_ = 	snop;
	(pc) =	sbr.rel @p0 .LBB2_4-.Ltmp1, $4  }
0x5a: {  	s25 =	sshrl.u32 s25, $0x2  }
0x5b: {  	s25 =	sor.u32 $0x4000, s25;
	s26 =	smov.u32 s30  }
0x5c: {  	[spmem:s1] =	stream.indirect.scatter.add.f32 [tilespmem:s25], [sflag:$0x2], $0x80, s24, s19, $0xb8;
	[tilespmem:$0x1D000] =	vst v63  }
0x5d: {  	s25 =	sand.u32 $0x1, s29;
	s24 =	sadd.s32 $0x80, s24;
	_ =	swait.ge [sflag:s18], $0x2800  }
0x5e: {  	s26 =	sxor.u32 $0x1, s25;
	[sflag:s18] =	ssyncset.done $0x0  }
0x5f: {  	s26 =	smul.u32 $0xA000, s26;
	[sflag:s18] =	ssyncadd.s32 $0xFFFFD800  }
0x60: {  	s31 =	smul.u32 $0xA000, s25;
	_ =	swait.ge [sflag:s20], $0x2800  }
0x61: {  	s28 =	sadd.s32 $0xFFFFE080, s24;
	[sflag:s20] =	ssyncset.done $0x0;
	s26 =	sshrl.u32 s26, $0x2  }
0x62: {  	s25 =	sshrl.u32 s31, $0x2;
	[sflag:s20] =	ssyncadd.s32 $0xFFFFD800;
	s26 =	sor.u32 $0x4000, s26  }
0x63: {  	[tilespmem:s26], [sflag:$0x1] =	stream.indirect.gather [hbm4b:s4+s19], $0x80, s28, s19, $0xb8;
	[tilespmem:$0x1D000] =	vst v63  }
0x64: {  	s25 =	sor.u32 $0x4000, s25  }
0x65: {  	[spmem:s1] =	stream.indirect.scatter.add.f32 [tilespmem:s25], [sflag:$0x2], $0x80, s24, s19, $0xb8;
	[tilespmem:$0x1D000] =	vst v63  }
0x66: {  	_ =	swait.ge [sflag:s18], $0x2800  }
0x67: {  	[sflag:s18] =	ssyncset.done $0x0  }
0x68: {  	[sflag:s18] =	ssyncadd.s32 $0xFFFFD800  }
0x69: {  	_ =	swait.ge [sflag:s20], $0x2800  }
0x6a: {  	[sflag:s20] =	ssyncset.done $0x0  }
0x6b: {  	[sflag:s20] =	ssyncadd.s32 $0xFFFFD800  }
0x6c: {  	[spmem:s1] =	stream.indirect.scatter.add.f32 [tilespmem:s22], [sflag:$0x2], $0x80, s21, s19, $0xb8;
	[tilespmem:$0x1D000] =	vst v63  }
0x6d: {  	_ =	swait.ge [sflag:s18], $0x2800  }
0x6e: {  	[sflag:s18] =	ssyncset.done $0x0  }
0x6f: {  	s29 =	simm.s32 $0x0;
	[sflag:s18] =	ssyncadd.s32 $0xFFFFD800  }
0x70: {  	[tilespmem:s29], [sflag:$0x2] =	stream.linear.gather [hbm4b:s6+s29], $0x1E80, $0x38;
	[tilespmem:$0x1D000] =	vst v63  }
0x71: {  	s30 =	sadd.s32 $0x800, s6;
	s31 =	simm.s32 $0x2000  }
0x72: {  	[tilespmem:s31], [sflag:$0x2] =	stream.linear.gather [hbm4b:s30+s29], $0x1E80, $0x38;
	[tilespmem:$0x1D000] =	vst v63  }
0x73: {  	_ =	swait.ge [sflag:s18], $0x3D00  }
0x74: {  	[sflag:s18] =	ssyncset.done $0x0  }
0x75: {  	s24 =	sand.u32 $0x1, s29;
	[sflag:s18] =	ssyncadd.s32 $0xFFFFC300  }
0x76: {  	[tilespmem:s17], [sflag:$0x1] =	stream.indirect.gather [hbm4b:s4+s19], $0x80, s29, s19, $0xb8;
	[tilespmem:$0x1D000] =	vst v63  }
0x77: {  	s29 =	sxor.u32 $0x1, s24  }
0x78: {  	s25 =	smul.u32 $0xA000, s29  }
0x79: {  	s24 =	smul.u32 $0xA000, s24;
	_ =	swait.ge [sflag:s20], $0x2800  }
0x7a: {  	s30 =	simm.s32 $0x80;
	[sflag:s20] =	ssyncset.done $0x0;
	s25 =	sshrl.u32 s25, $0x2  }
0x7b: {  	s24 =	sshrl.u32 s24, $0x2;
	[sflag:s20] =	ssyncadd.s32 $0xFFFFD800;
	s25 =	sor.u32 $0x4000, s25  }
0x7c: {  	[tilespmem:s25], [sflag:$0x1] =	stream.indirect.gather [hbm4b:s4+s19], $0x80, s30, s19, $0xb8;
	[tilespmem:$0x1D000] =	vst v63  }
0x7d: {  	s24 =	sor.u32 $0x4000, s24  }
0x7e: {  	[spmem:s1] =	stream.indirect.scatter.add.f32 [tilespmem:s24], [sflag:$0x2], $0x80, s31, s19, $0xb8;
	[tilespmem:$0x1D000] =	vst v63  }
0x7f: {  	s26 =	simm.s32 $0x2;
	s31 =	simm.s32 $0x1  }
0x80: {  	s24 =	simm.s32 $0x2080;
	s25 =	sand.u32 $0x1, s31;
	_ =	swait.ge [sflag:s18], $0x2800  }
.LBB2_6:
0x81: {  	s28 =	sxor.u32 $0x1, s25  }
0x82: {  	[sflag:s18] =	ssyncset.done $0x0;
	s29 =	smov.u32 s26;
	s30 =	sadd.s32 $0x1, s26  }
0x83: {  	p0 =	sne.s32 s26, $0x3B;
	s26 =	smul.u32 $0xA000, s28;
	[sflag:s18] =	ssyncadd.s32 $0xFFFFD800  }
0x84: {  	_ =	swait.ge [sflag:s20], $0x2800  }
0x85: {  	s25 =	smul.u32 $0xA000, s25;
	[sflag:s20] =	ssyncset.done $0x0;
	s26 =	sshrl.u32 s26, $0x2  }
0x86: {  	s28 =	sadd.s32 $0xFFFFE080, s24;
	[sflag:s20] =	ssyncadd.s32 $0xFFFFD800;
	s26 =	sor.u32 $0x4000, s26  }
0x87: {  	[tilespmem:s26], [sflag:$0x1] =	stream.indirect.gather [hbm4b:s4+s19], $0x80, s28, s19, $0xb8;
	[tilespmem:$0x1D000] =	vst v63  }
.Ltmp2:
0x88: {  	_ = 	snop;
	(pc) =	sbr.rel @p0 .LBB2_6-.Ltmp2, $4  }
0x89: {  	s25 =	sshrl.u32 s25, $0x2  }
0x8a: {  	s25 =	sor.u32 $0x4000, s25;
	s26 =	smov.u32 s30  }
0x8b: {  	[spmem:s1] =	stream.indirect.scatter.add.f32 [tilespmem:s25], [sflag:$0x2], $0x80, s24, s19, $0xb8;
	[tilespmem:$0x1D000] =	vst v63  }
0x8c: {  	s25 =	sand.u32 $0x1, s29;
	s24 =	sadd.s32 $0x80, s24;
	_ =	swait.ge [sflag:s18], $0x2800  }
0x8d: {  	s26 =	sxor.u32 $0x1, s25;
	[sflag:s18] =	ssyncset.done $0x0  }
0x8e: {  	s26 =	smul.u32 $0xA000, s26;
	[sflag:s18] =	ssyncadd.s32 $0xFFFFD800  }
0x8f: {  	s29 =	smul.u32 $0xA000, s25;
	_ =	swait.ge [sflag:s20], $0x2800  }
0x90: {  	s28 =	sadd.s32 $0xFFFFE080, s24;
	[sflag:s20] =	ssyncset.done $0x0;
	s26 =	sshrl.u32 s26, $0x2  }
0x91: {  	s25 =	sshrl.u32 s29, $0x2;
	[sflag:s20] =	ssyncadd.s32 $0xFFFFD800;
	s26 =	sor.u32 $0x4000, s26  }
0x92: {  	[tilespmem:s26], [sflag:$0x1] =	stream.indirect.gather [hbm4b:s4+s19], $0x80, s28, s19, $0xb8;
	[tilespmem:$0x1D000] =	vst v63  }
0x93: {  	s25 =	sor.u32 $0x4000, s25  }
0x94: {  	[spmem:s1] =	stream.indirect.scatter.add.f32 [tilespmem:s25], [sflag:$0x2], $0x80, s24, s19, $0xb8;
	[tilespmem:$0x1D000] =	vst v63  }
0x95: {  	_ =	swait.ge [sflag:s18], $0x2800  }
0x96: {  	[sflag:s18] =	ssyncset.done $0x0  }
0x97: {  	[sflag:s18] =	ssyncadd.s32 $0xFFFFD800  }
0x98: {  	_ =	swait.ge [sflag:s20], $0x2800  }
0x99: {  	[sflag:s20] =	ssyncset.done $0x0  }
0x9a: {  	[sflag:s20] =	ssyncadd.s32 $0xFFFFD800  }
0x9b: {  	[spmem:s1] =	stream.indirect.scatter.add.f32 [tilespmem:s17], [sflag:$0x2], $0x80, s23, s19, $0xb8;
	[tilespmem:$0x1D000] =	vst v63  }
0x9c: {  	_ =	swait.ge [sflag:s18], $0x2800  }
0x9d: {  	s30 =	sshll.u32 s2, $0x6;
	s3 =	sadd.s32 $0x1, s3;
	[sflag:s18] =	ssyncset.done $0x0  }
0x9e: {  	s31 =	sshrl.u32 s7, $0x3;
	p0 =	sne.s32 s3, s9;
	[sflag:s18] =	ssyncadd.s32 $0xFFFFD800  }
.Ltmp3:
0x9f: {  	s24 =	sor.u32 $0x1C02, s30;
	[bflag:$0x0] =	sbarrier.arrive $0xFFFF;
	(pc) =	sbr.rel @p0 .LBB2_1-.Ltmp3, $4  }
0xa0: {  	[hbm:s8], [sflag:s24] =	dma.local [spmem:s31], $0x2800  }
0xa1: {  	_ =	swait.ge [sflag:s18], $0x2800  }
0xa2: {  	[sflag:s18] =	ssyncset.done $0x0  }
0xa3: {  	[sflag:s18] =	ssyncadd.s32 $0xFFFFD800  }
0xa4: {  	_ =	sfence.sel $0x180000  }
0xa5: {  	[bflag:$0x0] =	sbarrier.arrive $0xFFFF  }
0xa6: {  	p0 =	sne.s32 s2, $0x0;
	_ =	strace $0x9000004A  }
0xa7: {  	s0 =	sadd.s32 @!p0 $0x100000, s0;
	[bflag:$0x2] =	sbarrier.arrive $0xFFFF  }
0xa8: {  	[sflag:s0] =	ssyncadd.tile.s32 @!p0 $0x1;
	_ =	shalt  }
.Lfunc_end2:
_tile_overlayer_lowered:
.L_overlay_start_2:
0xa9: {  	(tag) =	ssettag $0x2  }
0xaa: {  	s0 =	rddreg [dreg:$0x0];
	s2 =	stileid.u32  }
0xab: {  	s1 =	rddreg [dreg:$0x1];
	p0 =	sne.s32 s2, $0x0  }
0xac: {  	s3 =	rddreg [dreg:$0x2];
	[bflag:$0x3] =	sbarrier.arrive $0xFFFF;
	s2 =	simm.s32 @!p0 $0x1C02  }
0xad: {  	[timem:s3], [sflag:s2] =	dma.local @!p0 [hbm:s0], s1  }
0xae: {  	s0 =	simm.s32 @!p0 $0x2  }
0xaf: {  	_ =	swait.ge @!p0 [sflag:s0], s1  }
0xb0: {  	s1 =	ssub.s32 @!p0 $0x0, s1;
	[sflag:s0] =	ssyncset.done @!p0 $0x0  }
0xb1: {  	[sflag:s0] =	ssyncadd.s32 @!p0 s1  }
0xb2: {  	[bflag:$0x3] =	sbarrier.arrive $0xFFFF  }
0xb3: {  	_ =	shalt  }

// kernel: kernel.7.cloned.1.call-start
scs
__scs_entry_jumppad:
0x0: {  	(pc) =	sbr.rel $0x88, $3  }
0x1: {  	(tag) =	ssettag $0x0;
	lr =	simm.s32 $0x1  }
0x2: {  	[smem:$0x3F97] =	sst lr;
	_ =	strace $0xD0000000  }
0x3: {  	_ = 	snop  }
0x4: {  	_ = 	snop  }
0x5: {  	_ = 	snop  }
0x6: {  	_ = 	snop  }
0x7: {  	_ = 	snop  }
__scs_overlays_trampoline_lowered:
0x8: {  	[smem:$0x3FA6] =	sst s0  }
0x9: {  	[smem:$0x3FA7] =	sst s1  }
0xa: {  	[smem:$0x3FA8] =	sst s2  }
0xb: {  	[smem:$0x3FA9] =	sst s3  }
0xc: {  	[smem:$0x3FAA] =	sst s4  }
0xd: {  	[smem:$0x3FAB] =	sst s5  }
0xe: {  	[smem:$0x3FAC] =	sst s6  }
0xf: {  	[smem:$0x3FAD] =	sst s7  }
0x10: {  	[smem:$0x3FAE] =	sst s8  }
0x11: {  	[smem:$0x3FAF] =	sst s9;
	s0 =	simm.s32 @!p0 $0x0  }
0x12: {  	s1 =	sld [smem:$0x3F95];
	s0 =	simm.s32 @p0 $0x1  }
0x13: {  	[smem:$0x3FB0] =	sst s0;
	s0 =	simm.s32 @!p1 $0x0  }
0x14: {  	s2 =	sld [smem:$0x3F94];
	s0 =	simm.s32 @p1 $0x1  }
0x15: {  	[smem:$0x3FB1] =	sst s0;
	s0 =	simm.s32 @!p2 $0x0  }
0x16: {  	s3 =	sld [smem:$0x3FDB];
	s0 =	simm.s32 @p2 $0x1  }
0x17: {  	s4 =	simm.s32 $0x1BF5;
	[smem:$0x3FB3] =	sst s0  }
0x18: {  	s0 =	sld [smem:$0x3F96];
	_ =	swait.ge [sflag:s4], $0x0  }
0x19: {  	s7 =	sld [smem:$0x3F97]  }
0x1a: {  	s8 =	sadd.s32 $0xFFFFE003, lr  }
0x1b: {  	s9 =	sadd.s32 $0xFFFFFEF7, lr;
	s5 =	simm.s32 $0xFFFFFFFF;
	p2 =	slt.u32 s8, $0xFFFFF086  }
0x1c: {  	p1 =	slt.u32 s9, $0xF7A;
	s5 =	simm.s32 @!p2 $0x0  }
0x1d: {  	s5 =	simm.s32 @p1 $0x1;
	p0 =	seq.s32 s7, s2  }
0x1e: {  	s7 =	smul.u32 @!p0 $0xF7A, s2;
	p2 =	seq.s32 @!p0 s5, $0x0  }
0x1f: {  	s9 =	smul.u32 $0xF7A, s1;
	s8 =	simm.s32 @!p0 $0x1BF5;
	p2 =	por !p2, p0  }
0x20: {  	[sflag:s8] =	ssyncset.s32 @!p0 $0xFFFFF086;
	s6 =	sadd.s32 @!p0 s3, s7;
	s7 =	simm.s32 @!p0 $0x108  }
0x21: {  	s3 =	sadd.s32 s3, s9;
	s6 =	sadd.s32 @!p0 $0x88, s6;
	s7 =	simm.s32 @p2 $0x1082  }
0x22: {  	[simem:s7], [sflag:s8] =	dma.local @!p0 [hbm:s6], $0xF7A  }
0x23: {  	s9 =	sor.u32 $0xD0000000, s2;
	s6 =	simm.s32 $0x108;
	_ =	swait.ge @!p0 [sflag:s8], $0x0  }
0x24: {  	s3 =	sadd.s32 $0x88, s3;
	s6 =	simm.s32 @!p1 $0x1082;
	[sflag:s4] =	ssyncset.s32 $0xFFFFF086  }
0x25: {  	[simem:s6], [sflag:s4] =	dma.local [hbm:s3], $0xF7A  }
0x26: {  	[smem:$0x3F97] =	sst s1;
	(tag) =	ssettag s2;
	_ =	strace s9  }
0x27: {  	s1 =	sld [smem:$0x3FA7]  }
0x28: {  	s2 =	sld [smem:$0x3FA8]  }
0x29: {  	s4 =	sld [smem:$0x3FAA]  }
0x2a: {  	p0 =	seq.s32 s5, $0x0;
	s5 =	sld [smem:$0x3FAB]  }
0x2b: {  	s6 =	sld [smem:$0x3FAC]  }
0x2c: {  	s7 =	sld [smem:$0x3FAD]  }
0x2d: {  	s3 =	simm.s32 $0x108;
	s8 =	sld [smem:$0x3FAE]  }
0x2e: {  	s3 =	simm.s32 @!p0 $0x1082;
	s9 =	sld [smem:$0x3FAF]  }
0x2f: {  	lr =	sadd.s32 s0, s3;
	s0 =	sld [smem:$0x3FA6]  }
0x30: {  	s3 =	sld [smem:$0x3FA9]  }
0x31: {  	[smem:$0x3FB2] =	sst s10  }
0x32: {  	s10 =	sld [smem:$0x3FB0];
	_ =	sdelay $0x3  }
0x33: {  	p0 =	seq.s32 s10, $0x1;
	s10 =	sld [smem:$0x3FB2];
	_ =	sdelay $0x3  }
0x34: {  	[smem:$0x3FB2] =	sst s10  }
0x35: {  	s10 =	sld [smem:$0x3FB1];
	_ =	sdelay $0x3  }
0x36: {  	p1 =	seq.s32 s10, $0x1;
	s10 =	sld [smem:$0x3FB2];
	_ =	sdelay $0x3  }
0x37: {  	[smem:$0x3FB2] =	sst s10  }
0x38: {  	s10 =	sld [smem:$0x3FB3]  }
0x39: {  	_ = 	snop;
	(pc) =	sbr.ind lr, $3  }
0x3a: {  	_ = 	snop  }
0x3b: {  	_ = 	snop  }
0x3c: {  	p2 =	seq.s32 s10, $0x1;
	s10 =	sld [smem:$0x3FB2]  }
0x3d: {  	_ =	shalt  }
0x3e: {  	_ =	shalt  }
0x3f: {  	_ =	shalt  }
0x40: {  	_ =	shalt  }
0x41: {  	_ =	shalt  }
0x42: {  	_ =	shalt  }
0x43: {  	_ =	shalt  }
0x44: {  	_ =	shalt  }
0x45: {  	_ =	shalt  }
0x46: {  	_ =	shalt  }
0x47: {  	_ =	shalt  }
0x48: {  	_ =	shalt  }
0x49: {  	_ =	shalt  }
0x4a: {  	_ =	shalt  }
0x4b: {  	_ =	shalt  }
0x4c: {  	_ =	shalt  }
0x4d: {  	_ =	shalt  }
0x4e: {  	_ =	shalt  }
0x4f: {  	_ =	shalt  }
0x50: {  	_ =	shalt  }
0x51: {  	_ =	shalt  }
0x52: {  	_ =	shalt  }
0x53: {  	_ =	shalt  }
0x54: {  	_ =	shalt  }
0x55: {  	_ =	shalt  }
0x56: {  	_ =	shalt  }
0x57: {  	_ =	shalt  }
0x58: {  	_ =	shalt  }
0x59: {  	_ =	shalt  }
0x5a: {  	_ =	shalt  }
0x5b: {  	_ =	shalt  }
0x5c: {  	_ =	shalt  }
0x5d: {  	_ =	shalt  }
0x5e: {  	_ =	shalt  }
0x5f: {  	_ =	shalt  }
0x60: {  	_ =	shalt  }
0x61: {  	_ =	shalt  }
0x62: {  	_ =	shalt  }
0x63: {  	_ =	shalt  }
0x64: {  	_ =	shalt  }
0x65: {  	_ =	shalt  }
0x66: {  	_ =	shalt  }
0x67: {  	_ =	shalt  }
0x68: {  	_ =	shalt  }
0x69: {  	_ =	shalt  }
0x6a: {  	_ =	shalt  }
0x6b: {  	_ =	shalt  }
0x6c: {  	_ =	shalt  }
0x6d: {  	_ =	shalt  }
0x6e: {  	_ =	shalt  }
0x6f: {  	_ =	shalt  }
0x70: {  	_ =	shalt  }
0x71: {  	_ =	shalt  }
0x72: {  	_ =	shalt  }
0x73: {  	_ =	shalt  }
0x74: {  	_ =	shalt  }
0x75: {  	_ =	shalt  }
0x76: {  	_ =	shalt  }
0x77: {  	_ =	shalt  }
0x78: {  	_ =	shalt  }
0x79: {  	_ =	shalt  }
0x7a: {  	_ =	shalt  }
0x7b: {  	_ =	shalt  }
0x7c: {  	_ =	shalt  }
0x7d: {  	_ =	shalt  }
0x7e: {  	_ =	shalt  }
0x7f: {  	_ =	shalt  }
0x80: {  	_ =	shalt  }
0x81: {  	_ =	shalt  }
0x82: {  	_ =	shalt  }
0x83: {  	_ =	shalt  }
0x84: {  	_ =	shalt  }
0x85: {  	_ =	shalt  }
0x86: {  	_ =	shalt  }
0x87: {  	_ =	shalt  }
.Lfunc_end0:
.L_simem_size_0:
called_computation_lowered:
.L_overlay_start_0:
0x88: {  	s2 =	sld [smem:$0x3FD9]  }
0x89: {  	s3 =	sld [smem:$0x3FFE];
	_ =	sdelay $0x1  }
0x8a: {  	s1 =	srdreg.scid  }
0x8b: {  	s0 =	sand.u32 $0x1, s1  }
0x8c: {  	s16 =	sshll.u32 s0, $0xA;
	s2 =	sadd.s32 s3, s2  }
0x8d: {  	s2 =	sadd.s32 s2, s16  }
0x8e: {  	[smem:$0x3FBE] =	sst s2  }
0x8f: {  	_ = 	snop  }
0x90: {  	(tm) =	ssettm $0x1  }
0x91: {  	s17 =	sld [smem:$0x3FFB];
	_ =	sdelay $0x3  }
0x92: {  	_ =	strace s17  }
0x93: {  	s2 =	sld [smem:$0x3FFC];
	_ =	sdelay $0x3  }
0x94: {  	_ =	strace s2  }
0x95: {  	s2 =	sld [smem:$0x3FFD];
	_ =	sdelay $0x3  }
0x96: {  	_ =	strace s2  }
0x97: {  	_ =	strace $0x8FFFFFFF  }
0x98: {  	s18 =	sld [smem:$0x3FDB];
	_ =	sdelay $0x1  }
0x99: {  	s19 =	simm.s32 $_scs_section_size  }
0x9a: {  	s4 =	simm.s32 $_size__tile_overlayer_lowered;
	s5 =	simm.s32 $_tile_overlayer_lowered  }
0x9b: {  	s22 =	simm.s32 $0x1BFF;
	s21 =	sshll.u32 s5, $0x1;
	s2 =	sadd.s32 s19, s18  }
0x9c: {  	s6 =	simm.s32 $0x0;
	s20 =	sshll.u32 s4, $0x1;
	s4 =	sadd.s32 s21, s2  }
0x9d: {  	[timem:s6], [sflag:s22] =	dma.local [hbm:s4], s20  }
0x9e: {  	_ =	swait.ge [sflag:s22], s20  }
0x9f: {  	s3 =	ssub.s32 $0x0, s20;
	[sflag:s22] =	ssyncset.done $0x0  }
0xa0: {  	[sflag:s22] =	ssyncadd.s32 s3;
	_ =	sdelay $0x1  }
0xa1: {  	s23 =	simm.s32 $0x1B8B  }
0xa2: {  	_ =	swait.ge [sflag:s23], $0x1  }
0xa3: {  	[sflag:s23] =	ssyncset.done $0x0  }
0xa4: {  	s25 =	simm.s32 $0x1B8E;
	s24 =	sld [smem:$0x3FFE];
	[sflag:s23] =	ssyncadd.s32 $0xFFFFFFFF  }
0xa5: {  	s26 =	simm.s32 $execute0_lowered;
	[smem:$0x3FD2] =	sst s25  }
0xa6: {  	s4 =	sshll.u32 s26, $0x1;
	_ =	strace $0x80000046;
	[dreg:$0x1] =	wrdreg $0xFFFFFFFF  }
0xa7: {  	s28 =	simm.s32 $_size_execute0_lowered;
	s2 =	sadd.s32 s2, s4;
	[dreg:$0x0] =	wrdreg $0x0  }
0xa8: {  	s4 =	sshll.u32 s28, $0x1;
	[dreg:$0x2] =	wrdreg s2  }
0xa9: {  	[dreg:$0x3] =	wrdreg s4  }
0xaa: {  	[dreg:$0x4] =	wrdreg $0xC0  }
0xab: {  	_ =	task [dreg:s6], $0x5FFFF  }
0xac: {  	[dreg:$0x1] =	wrdreg $0xFFFFFFFF  }
0xad: {  	[dreg:$0x0] =	wrdreg $0x60  }
0xae: {  	[dreg:$0x2] =	wrdreg s24  }
0xaf: {  	[dreg:$0x3] =	wrdreg $0x90000  }
0xb0: {  	[dreg:$0x4] =	wrdreg $0x9  }
0xb1: {  	_ =	task.clear_ibuf [dreg:s6], $0x5FFFF;
	_ =	strace $0x90000046  }
0xb2: {  	s29 =	simm.s32 $0x9;
	_ =	strace $0x80000048  }
0xb3: {  	_ =	swait.ge [sflag:s29], $0x1  }
0xb4: {  	[sflag:s29] =	ssyncadd.s32 $0xFFFFFFFF  }
0xb5: {  	_ =	strace $0x90000048  }
0xb6: {  	_ =	sfence  }
0xb7: {  	s30 =	sld [smem:$0x0];
	_ =	sdelay $0x2  }
0xb8: {  	s31 =	sshll.u32 s1, $0xD;
	s1 =	sshrl.u32 s1, $0x2  }
0xb9: {  	s3 =	sand.u32 $0x4000, s31;
	s1 =	sadd.s32 s1, s30  }
0xba: {  	s0 =	sor.u32 s3, s0;
	s1 =	sshll.u32 s1, $0x11  }
0xbb: {  	s0 =	sor.u32 s1, s0  }
0xbc: {  	s0 =	sadd.s32 $0x8F2B, s0  }
0xbd: {  	[sflag:s0] =	ssyncadd.remote.s32 $0x1  }
0xbe: {  	_ =	sfence.sel $0xFFFF  }
0xbf: {  	[dreg:$0x0] =	wrdreg $0xFFFFFFFF;
	(pc) =	sbr.abs _section_cstart, $3  }
0xc0: {  	[dreg:$0x1] =	wrdreg $0xFFFFFFFF  }
0xc1: {  	_ =	task.clear_ibuf [dreg:s6], $0x2FFFF;
	_ =	strace $0x9FFFFFFF  }
0xc2: {  	(tm) =	ssettm $0x7FFFFFFF  }
0xc3: {  	_ =	shalt  }
tec
execute0_lowered:
.L_overlay_start_1:
0x0: {  	(tag) =	ssettag $0x1  }
0x1: {  	s0 =	rddreg [dreg:$0x0]  }
0x2: {  	s2 =	rddreg [dreg:$0x1]  }
0x3: {  	s4 =	srdreg.scid;
	s1 =	stileid.u32  }
0x4: {  	s3 =	simm.s32 $0x0;
	s18 =	simm.s32 $0x4000;
	s19 =	simm.s32 $0x2  }
0x5: {  	s20 =	simm.s32 $0x50;
	s21 =	simm.s32 $0x1;
	s24 =	simm.s32 $0x3E00  }
0x6: {  	s25 =	simm.s32 $0x2000;
	s26 =	simm.s32 $0x0;
	s6 =	smul.u32 $0x280, s1  }
0x7: {  	s5 =	sand.u32 $0x1, s4;
	[smem:$0x7FF] =	sst s3;
	s30 =	smul.u32 $0x50000, s1  }
0x8: {  	s9 =	sshll.u32 s1, $0xC;
	s4 =	sadd.s32 $0x22400, s0;
	s7 =	smul.u32 $0x2800, s5  }
0x9: {  	_ =	strace $0x80000047;
	s8 =	sshll.u32 s5, $0x10;
	s5 =	ssub.s32 $0x2, s5  }
0xa: {  	s8 =	sor.u32 s9, s8;
	s31 =	sshrl.u32 s5, $0x1;
	s6 =	sadd.s32 s6, s7  }
0xb: {  	s8 =	sadd.s32 s8, s0;
	s10 =	ssub.s32 s5, s31;
	s7 =	sshrl.u32 s30, $0x2  }
0xc: {  	s6 =	sshll.u32 s6, $0x4;
	s5 =	sadd.s32 $0x2400, s8;
	s7 =	sadd.s32 s7, s2  }
0xd: {  	s10 =	smax.u32 s10, $0x1;
	s0 =	sadd.s32 s6, s0;
	s6 =	sadd.s32 $0x2800, s8  }
0xe: {  	s11 =	sadd.s32 $0x2800, s7;
	s12 =	sadd.s32 $0x5000, s7;
	s13 =	sadd.s32 $0x7800, s7  }
0xf: {  	s14 =	sadd.s32 $0xA000, s7;
	s15 =	sadd.s32 $0xC800, s7;
	s16 =	sadd.s32 $0xF000, s7  }
0x10: {  	v0 =	vimm.f32 $0.0e+00;
	v1 =	vimm.f32 $1.000000000e+00;
	s17 =	sadd.s32 $0x11800, s7;
	s8 =	sadd.s32 $0x4A400, s0;
	s9 =	sadd.s32 $0x9A400, s0  }
.LBB2_1:
0x11: {  	s28 =	simm.s32 $0x0;
	s29 =	simm.s32 $0x200  }
.LBB2_2:
0x12: {  	p0 =	sne.s32 s29, $0x9E00;
	[tilespmem:s28+$0x4070] =	vst v0  }
0x13: {  	[tilespmem:s28+$0x4000] =	vst v0  }
0x14: {  	[tilespmem:s28+$0x4010] =	vst v0  }
.Ltmp0:
0x15: {  	[tilespmem:s28+$0x4020] =	vst v0;
	(pc) =	sbr.rel @p0 .LBB2_2-.Ltmp0, $4  }
0x16: {  	[tilespmem:s28+$0x4030] =	vst v0  }
0x17: {  	[tilespmem:s28+$0x4040] =	vst v0  }
0x18: {  	[tilespmem:s28+$0x4050] =	vst v0  }
0x19: {  	[tilespmem:s28+$0x4060] =	vst v0;
	s28 =	sshra.s32 s29, $0x2;
	s29 =	sadd.s32 $0x200, s29  }
0x1a: {  	[tilespmem:s28+$0x4070] =	vst v0  }
0x1b: {  	[tilespmem:s28+$0x4000] =	vst v0  }
0x1c: {  	[tilespmem:s28+$0x4010] =	vst v0  }
0x1d: {  	[tilespmem:s28+$0x4020] =	vst v0  }
0x1e: {  	[tilespmem:s28+$0x4030] =	vst v0  }
0x1f: {  	[tilespmem:s28+$0x4040] =	vst v0  }
0x20: {  	[tilespmem:s28+$0x4050] =	vst v0  }
0x21: {  	[tilespmem:s28+$0x4060] =	vst v0  }
0x22: {  	[spmem:s7] =	stream.linear.scatter [tilespmem:s18], [sflag:$0x2], $0x2800, $0x38;
	[tilespmem:$0x1D000] =	vst v63  }
0x23: {  	_ =	swait.ge [sflag:s19], $0x2800  }
0x24: {  	[sflag:s19] =	ssyncset.done $0x0  }
0x25: {  	[sflag:s19] =	ssyncadd.s32 $0xFFFFD800  }
0x26: {  	[spmem:s11] =	stream.linear.scatter [tilespmem:s18], [sflag:$0x2], $0x2800, $0x38;
	[tilespmem:$0x1D000] =	vst v63  }
0x27: {  	_ =	swait.ge [sflag:s19], $0x2800  }
0x28: {  	[sflag:s19] =	ssyncset.done $0x0  }
0x29: {  	[sflag:s19] =	ssyncadd.s32 $0xFFFFD800  }
0x2a: {  	[spmem:s12] =	stream.linear.scatter [tilespmem:s18], [sflag:$0x2], $0x2800, $0x38;
	[tilespmem:$0x1D000] =	vst v63  }
0x2b: {  	_ =	swait.ge [sflag:s19], $0x2800  }
0x2c: {  	[sflag:s19] =	ssyncset.done $0x0  }
0x2d: {  	[sflag:s19] =	ssyncadd.s32 $0xFFFFD800  }
0x2e: {  	[spmem:s13] =	stream.linear.scatter [tilespmem:s18], [sflag:$0x2], $0x2800, $0x38;
	[tilespmem:$0x1D000] =	vst v63  }
0x2f: {  	_ =	swait.ge [sflag:s19], $0x2800  }
0x30: {  	[sflag:s19] =	ssyncset.done $0x0  }
0x31: {  	[sflag:s19] =	ssyncadd.s32 $0xFFFFD800  }
0x32: {  	[spmem:s14] =	stream.linear.scatter [tilespmem:s18], [sflag:$0x2], $0x2800, $0x38;
	[tilespmem:$0x1D000] =	vst v63  }
0x33: {  	_ =	swait.ge [sflag:s19], $0x2800  }
0x34: {  	[sflag:s19] =	ssyncset.done $0x0  }
0x35: {  	[sflag:s19] =	ssyncadd.s32 $0xFFFFD800  }
0x36: {  	[spmem:s15] =	stream.linear.scatter [tilespmem:s18], [sflag:$0x2], $0x2800, $0x38;
	[tilespmem:$0x1D000] =	vst v63  }
0x37: {  	_ =	swait.ge [sflag:s19], $0x2800  }
0x38: {  	[sflag:s19] =	ssyncset.done $0x0  }
0x39: {  	[sflag:s19] =	ssyncadd.s32 $0xFFFFD800  }
0x3a: {  	[spmem:s16] =	stream.linear.scatter [tilespmem:s18], [sflag:$0x2], $0x2800, $0x38;
	[tilespmem:$0x1D000] =	vst v63  }
0x3b: {  	_ =	swait.ge [sflag:s19], $0x2800  }
0x3c: {  	[sflag:s19] =	ssyncset.done $0x0  }
0x3d: {  	[sflag:s19] =	ssyncadd.s32 $0xFFFFD800  }
0x3e: {  	[spmem:s17] =	stream.linear.scatter [tilespmem:s18], [sflag:$0x2], $0x2800, $0x38;
	[tilespmem:$0x1D000] =	vst v63  }
0x3f: {  	_ =	swait.ge [sflag:s19], $0x2800  }
0x40: {  	[sflag:s19] =	ssyncset.done $0x0  }
0x41: {  	s0 =	simm.s32 $0x2000;
	s28 =	simm.s32 $0x0;
	[sflag:s19] =	ssyncadd.s32 $0xFFFFD800  }
0x42: {  	[tilespmem:s28], [sflag:$0x2] =	stream.strided.gather [hbm4b:s5+s0], $0x4000, s18, s0, $0x38;
	[tilespmem:$0x1D000] =	vst v63  }
0x43: {  	_ =	swait.ge [sflag:s19], $0x4000  }
0x44: {  	[sflag:s19] =	ssyncset.done $0x0  }
0x45: {  	[sflag:s19] =	ssyncadd.s32 $0xFFFFC000  }
0x46: {  	[bflag:$0x0] =	sbarrier.arrive $0xFFFF  }
0x47: {  	[tilespmem:s18], [sflag:$0x1] =	stream.indirect.gather [hbm4b:s4+s20], $0x80, s28, s20, $0xb8;
	[tilespmem:$0x1D000] =	vst v63  }
0x48: {  	s28 =	sand.u32 $0x1, s28  }
0x49: {  	s29 =	sxor.u32 $0x1, s28  }
0x4a: {  	s29 =	smul.u32 $0xA000, s29  }
0x4b: {  	_ =	swait.ge [sflag:s21], $0x2800;
	s28 =	smul.u32 $0xA000, s28  }
0x4c: {  	s30 =	simm.s32 $0x80;
	[sflag:s21] =	ssyncset.done $0x0;
	s29 =	sshrl.u32 s29, $0x2  }
0x4d: {  	[sflag:s21] =	ssyncadd.s32 $0xFFFFD800;
	s28 =	sshrl.u32 s28, $0x2;
	s29 =	sor.u32 $0x4000, s29  }
0x4e: {  	[tilespmem:s29], [sflag:$0x1] =	stream.indirect.gather [hbm4b:s4+s20], $0x80, s30, s20, $0xb8;
	[tilespmem:$0x1D000] =	vst v63  }
0x4f: {  	s28 =	sor.u32 $0x4000, s28  }
0x50: {  	[spmem:s2] =	stream.indirect.scatter.add.f32 [tilespmem:s28], [sflag:$0x2], $0x80, s0, s20, $0xb8;
	[tilespmem:$0x1D000] =	vst v63  }
0x51: {  	s28 =	simm.s32 $0x1;
	s0 =	simm.s32 $0x2  }
0x52: {  	s29 =	sand.u32 $0x1, s28;
	_ =	swait.ge [sflag:s19], $0x2800;
	s28 =	simm.s32 $0x2080  }
.LBB2_4:
0x53: {  	s30 =	sxor.u32 $0x1, s29  }
0x54: {  	[sflag:s19] =	ssyncset.done $0x0;
	s31 =	smov.u32 s0;
	s22 =	sadd.s32 $0x1, s0  }
0x55: {  	p0 =	sne.s32 s0, $0x3E;
	s0 =	smul.u32 $0xA000, s30;
	[sflag:s19] =	ssyncadd.s32 $0xFFFFD800  }
0x56: {  	_ =	swait.ge [sflag:s21], $0x2800  }
0x57: {  	s29 =	smul.u32 $0xA000, s29;
	[sflag:s21] =	ssyncset.done $0x0;
	s0 =	sshrl.u32 s0, $0x2  }
0x58: {  	s30 =	sadd.s32 $0xFFFFE080, s28;
	[sflag:s21] =	ssyncadd.s32 $0xFFFFD800;
	s0 =	sor.u32 $0x4000, s0  }
0x59: {  	[tilespmem:s0], [sflag:$0x1] =	stream.indirect.gather [hbm4b:s4+s20], $0x80, s30, s20, $0xb8;
	[tilespmem:$0x1D000] =	vst v63  }
.Ltmp1:
0x5a: {  	_ = 	snop;
	(pc) =	sbr.rel @p0 .LBB2_4-.Ltmp1, $4  }
0x5b: {  	s0 =	sshrl.u32 s29, $0x2  }
0x5c: {  	s29 =	sand.u32 $0x1, s31;
	s0 =	sor.u32 $0x4000, s0  }
0x5d: {  	[spmem:s2] =	stream.indirect.scatter.add.f32 [tilespmem:s0], [sflag:$0x2], $0x80, s28, s20, $0xb8;
	[tilespmem:$0x1D000] =	vst v63  }
0x5e: {  	s28 =	sadd.s32 $0x80, s28;
	s0 =	smov.u32 s22;
	_ =	swait.ge [sflag:s19], $0x2800  }
0x5f: {  	s0 =	sxor.u32 $0x1, s29;
	[sflag:s19] =	ssyncset.done $0x0  }
0x60: {  	s0 =	smul.u32 $0xA000, s0;
	[sflag:s19] =	ssyncadd.s32 $0xFFFFD800  }
0x61: {  	s22 =	smul.u32 $0xA000, s29;
	_ =	swait.ge [sflag:s21], $0x2800  }
0x62: {  	s29 =	sadd.s32 $0xFFFFE080, s28;
	[sflag:s21] =	ssyncset.done $0x0;
	s0 =	sshrl.u32 s0, $0x2  }
0x63: {  	s23 =	sshrl.u32 s22, $0x2;
	[sflag:s21] =	ssyncadd.s32 $0xFFFFD800;
	s0 =	sor.u32 $0x4000, s0  }
0x64: {  	[tilespmem:s0], [sflag:$0x1] =	stream.indirect.gather [hbm4b:s4+s20], $0x80, s29, s20, $0xb8;
	[tilespmem:$0x1D000] =	vst v63  }
0x65: {  	s0 =	sor.u32 $0x4000, s23  }
0x66: {  	[spmem:s2] =	stream.indirect.scatter.add.f32 [tilespmem:s0], [sflag:$0x2], $0x80, s28, s20, $0xb8;
	[tilespmem:$0x1D000] =	vst v63  }
0x67: {  	_ =	swait.ge [sflag:s19], $0x2800  }
0x68: {  	[sflag:s19] =	ssyncset.done $0x0  }
0x69: {  	[sflag:s19] =	ssyncadd.s32 $0xFFFFD800  }
0x6a: {  	_ =	swait.ge [sflag:s21], $0x2800  }
0x6b: {  	[sflag:s21] =	ssyncset.done $0x0  }
0x6c: {  	s31 =	simm.s32 $0x3F80;
	s1 =	simm.s32 $0x6800;
	[sflag:s21] =	ssyncadd.s32 $0xFFFFD800  }
0x6d: {  	[spmem:s2] =	stream.indirect.scatter.add.f32 [tilespmem:s1], [sflag:$0x2], $0x80, s31, s20, $0xb8;
	[tilespmem:$0x1D000] =	vst v63  }
0x6e: {  	_ =	swait.ge [sflag:s19], $0x2800  }
0x6f: {  	[sflag:s19] =	ssyncset.done $0x0  }
0x70: {  	s22 =	simm.s32 $0x0;
	[sflag:s19] =	ssyncadd.s32 $0xFFFFD800  }
0x71: {  	[tilespmem:s22], [sflag:$0x2] =	stream.linear.gather [hbm4b:s6+s22], $0x1E80, $0x38;
	[tilespmem:$0x1D000] =	vst v63  }
0x72: {  	s30 =	sadd.s32 $0x800, s6;
	s23 =	simm.s32 $0x2000  }
0x73: {  	[tilespmem:s23], [sflag:$0x2] =	stream.linear.gather [hbm4b:s30+s22], $0x1E80, $0x38;
	[tilespmem:$0x1D000] =	vst v63  }
0x74: {  	s0 =	sand.u32 $0x1, s22;
	_ =	swait.ge [sflag:s19], $0x3D00  }
0x75: {  	s28 =	sxor.u32 $0x1, s0;
	s0 =	smul.u32 $0xA000, s0;
	[sflag:s19] =	ssyncset.done $0x0  }
0x76: {  	s28 =	smul.u32 $0xA000, s28;
	[sflag:s19] =	ssyncadd.s32 $0xFFFFC300  }
0x77: {  	[tilespmem:s18], [sflag:$0x1] =	stream.indirect.gather [hbm4b:s4+s20], $0x80, s22, s20, $0xb8;
	[tilespmem:$0x1D000] =	vst v63  }
0x78: {  	s29 =	simm.s32 $0x80;
	_ =	swait.ge [sflag:s21], $0x2800  }
0x79: {  	s0 =	sshrl.u32 s0, $0x2;
	s28 =	sshrl.u32 s28, $0x2;
	[sflag:s21] =	ssyncset.done $0x0  }
0x7a: {  	s28 =	sor.u32 $0x4000, s28;
	s31 =	simm.s32 $0x1;
	[sflag:s21] =	ssyncadd.s32 $0xFFFFD800  }
0x7b: {  	[tilespmem:s28], [sflag:$0x1] =	stream.indirect.gather [hbm4b:s4+s20], $0x80, s29, s20, $0xb8;
	[tilespmem:$0x1D000] =	vst v63  }
0x7c: {  	s0 =	sor.u32 $0x4000, s0;
	s29 =	sand.u32 $0x1, s31  }
0x7d: {  	[spmem:s2] =	stream.indirect.scatter.add.f32 [tilespmem:s0], [sflag:$0x2], $0x80, s23, s20, $0xb8;
	[tilespmem:$0x1D000] =	vst v63  }
0x7e: {  	s28 =	simm.s32 $0x2080;
	s0 =	simm.s32 $0x2;
	_ =	swait.ge [sflag:s19], $0x2800  }
.LBB2_6:
0x7f: {  	s22 =	sxor.u32 $0x1, s29  }
0x80: {  	[sflag:s19] =	ssyncset.done $0x0;
	s31 =	smov.u32 s0;
	s23 =	sadd.s32 $0x1, s0  }
0x81: {  	p0 =	sne.s32 s0, $0x3B;
	s0 =	smul.u32 $0xA000, s22;
	[sflag:s19] =	ssyncadd.s32 $0xFFFFD800  }
0x82: {  	_ =	swait.ge [sflag:s21], $0x2800  }
0x83: {  	s22 =	smul.u32 $0xA000, s29;
	[sflag:s21] =	ssyncset.done $0x0;
	s0 =	sshrl.u32 s0, $0x2  }
0x84: {  	s29 =	sadd.s32 $0xFFFFE080, s28;
	[sflag:s21] =	ssyncadd.s32 $0xFFFFD800;
	s0 =	sor.u32 $0x4000, s0  }
0x85: {  	[tilespmem:s0], [sflag:$0x1] =	stream.indirect.gather [hbm4b:s4+s20], $0x80, s29, s20, $0xb8;
	[tilespmem:$0x1D000] =	vst v63  }
.Ltmp2:
0x86: {  	_ = 	snop;
	(pc) =	sbr.rel @p0 .LBB2_6-.Ltmp2, $4  }
0x87: {  	s0 =	sshrl.u32 s22, $0x2  }
0x88: {  	s29 =	sand.u32 $0x1, s31;
	s0 =	sor.u32 $0x4000, s0  }
0x89: {  	[spmem:s2] =	stream.indirect.scatter.add.f32 [tilespmem:s0], [sflag:$0x2], $0x80, s28, s20, $0xb8;
	[tilespmem:$0x1D000] =	vst v63  }
0x8a: {  	s28 =	sadd.s32 $0x80, s28;
	s0 =	smov.u32 s23;
	_ =	swait.ge [sflag:s19], $0x2800  }
0x8b: {  	s0 =	sxor.u32 $0x1, s29;
	[sflag:s19] =	ssyncset.done $0x0  }
0x8c: {  	s0 =	smul.u32 $0xA000, s0;
	[sflag:s19] =	ssyncadd.s32 $0xFFFFD800  }
0x8d: {  	s22 =	smul.u32 $0xA000, s29;
	_ =	swait.ge [sflag:s21], $0x2800  }
0x8e: {  	s23 =	sadd.s32 $0xFFFFE080, s28;
	[sflag:s21] =	ssyncset.done $0x0;
	s0 =	sshrl.u32 s0, $0x2  }
0x8f: {  	s22 =	sshrl.u32 s22, $0x2;
	[sflag:s21] =	ssyncadd.s32 $0xFFFFD800;
	s0 =	sor.u32 $0x4000, s0  }
0x90: {  	[tilespmem:s0], [sflag:$0x1] =	stream.indirect.gather [hbm4b:s4+s20], $0x80, s23, s20, $0xb8;
	[tilespmem:$0x1D000] =	vst v63  }
0x91: {  	s0 =	sor.u32 $0x4000, s22  }
0x92: {  	[spmem:s2] =	stream.indirect.scatter.add.f32 [tilespmem:s0], [sflag:$0x2], $0x80, s28, s20, $0xb8;
	[tilespmem:$0x1D000] =	vst v63  }
0x93: {  	_ =	swait.ge [sflag:s19], $0x2800  }
0x94: {  	[sflag:s19] =	ssyncset.done $0x0  }
0x95: {  	[sflag:s19] =	ssyncadd.s32 $0xFFFFD800  }
0x96: {  	_ =	swait.ge [sflag:s21], $0x2800  }
0x97: {  	[sflag:s21] =	ssyncset.done $0x0  }
0x98: {  	[sflag:s21] =	ssyncadd.s32 $0xFFFFD800  }
0x99: {  	[spmem:s2] =	stream.indirect.scatter.add.f32 [tilespmem:s18], [sflag:$0x2], $0x80, s24, s20, $0xb8;
	[tilespmem:$0x1D000] =	vst v63  }
0x9a: {  	_ =	swait.ge [sflag:s19], $0x2800  }
0x9b: {  	s23 =	stileid.u32;
	[sflag:s19] =	ssyncset.done $0x0  }
0x9c: {  	s0 =	sshll.u32 s23, $0x6;
	[sflag:s19] =	ssyncadd.s32 $0xFFFFD800  }
0x9d: {  	s29 =	sshrl.u32 s7, $0x3;
	s28 =	sor.u32 $0x1C02, s0;
	[bflag:$0x0] =	sbarrier.arrive $0xFFFF  }
0x9e: {  	[hbm:s8], [sflag:s28] =	dma.local [spmem:s29], $0x2800  }
0x9f: {  	_ =	swait.ge [sflag:s19], $0x2800  }
0xa0: {  	[sflag:s19] =	ssyncset.done $0x0  }
0xa1: {  	[sflag:s19] =	ssyncadd.s32 $0xFFFFD800  }
0xa2: {  	s31 =	simm.s32 $0x0;
	s0 =	simm.s32 $0x200;
	[bflag:$0x0] =	sbarrier.arrive $0xFFFF  }
.LBB2_8:
0xa3: {  	p0 =	sne.s32 s0, $0x9E00;
	[tilespmem:s31+$0x4070] =	vst v0  }
0xa4: {  	[tilespmem:s31+$0x4000] =	vst v0  }
0xa5: {  	[tilespmem:s31+$0x4010] =	vst v0  }
.Ltmp3:
0xa6: {  	[tilespmem:s31+$0x4020] =	vst v0;
	(pc) =	sbr.rel @p0 .LBB2_8-.Ltmp3, $4  }
0xa7: {  	[tilespmem:s31+$0x4030] =	vst v0  }
0xa8: {  	[tilespmem:s31+$0x4040] =	vst v0  }
0xa9: {  	[tilespmem:s31+$0x4050] =	vst v0  }
0xaa: {  	[tilespmem:s31+$0x4060] =	vst v0;
	s31 =	sshra.s32 s0, $0x2;
	s0 =	sadd.s32 $0x200, s0  }
0xab: {  	[tilespmem:s31+$0x4070] =	vst v0  }
0xac: {  	[tilespmem:s31+$0x4000] =	vst v0  }
0xad: {  	[tilespmem:s31+$0x4010] =	vst v0  }
0xae: {  	[tilespmem:s31+$0x4020] =	vst v0  }
0xaf: {  	[tilespmem:s31+$0x4030] =	vst v0  }
0xb0: {  	[tilespmem:s31+$0x4040] =	vst v0  }
0xb1: {  	[tilespmem:s31+$0x4050] =	vst v0  }
0xb2: {  	[tilespmem:s31+$0x4060] =	vst v0  }
0xb3: {  	[spmem:s7] =	stream.linear.scatter [tilespmem:s18], [sflag:$0x2], $0x2800, $0x38;
	[tilespmem:$0x1D000] =	vst v63  }
0xb4: {  	_ =	swait.ge [sflag:s19], $0x2800  }
0xb5: {  	[sflag:s19] =	ssyncset.done $0x0  }
0xb6: {  	[sflag:s19] =	ssyncadd.s32 $0xFFFFD800  }
0xb7: {  	[spmem:s11] =	stream.linear.scatter [tilespmem:s18], [sflag:$0x2], $0x2800, $0x38;
	[tilespmem:$0x1D000] =	vst v63  }
0xb8: {  	_ =	swait.ge [sflag:s19], $0x2800  }
0xb9: {  	[sflag:s19] =	ssyncset.done $0x0  }
0xba: {  	[sflag:s19] =	ssyncadd.s32 $0xFFFFD800  }
0xbb: {  	[spmem:s12] =	stream.linear.scatter [tilespmem:s18], [sflag:$0x2], $0x2800, $0x38;
	[tilespmem:$0x1D000] =	vst v63  }
0xbc: {  	_ =	swait.ge [sflag:s19], $0x2800  }
0xbd: {  	[sflag:s19] =	ssyncset.done $0x0  }
0xbe: {  	[sflag:s19] =	ssyncadd.s32 $0xFFFFD800  }
0xbf: {  	[spmem:s13] =	stream.linear.scatter [tilespmem:s18], [sflag:$0x2], $0x2800, $0x38;
	[tilespmem:$0x1D000] =	vst v63  }
0xc0: {  	_ =	swait.ge [sflag:s19], $0x2800  }
0xc1: {  	[sflag:s19] =	ssyncset.done $0x0  }
0xc2: {  	[sflag:s19] =	ssyncadd.s32 $0xFFFFD800  }
0xc3: {  	[spmem:s14] =	stream.linear.scatter [tilespmem:s18], [sflag:$0x2], $0x2800, $0x38;
	[tilespmem:$0x1D000] =	vst v63  }
0xc4: {  	_ =	swait.ge [sflag:s19], $0x2800  }
0xc5: {  	[sflag:s19] =	ssyncset.done $0x0  }
0xc6: {  	[sflag:s19] =	ssyncadd.s32 $0xFFFFD800  }
0xc7: {  	[spmem:s15] =	stream.linear.scatter [tilespmem:s18], [sflag:$0x2], $0x2800, $0x38;
	[tilespmem:$0x1D000] =	vst v63  }
0xc8: {  	_ =	swait.ge [sflag:s19], $0x2800  }
0xc9: {  	[sflag:s19] =	ssyncset.done $0x0  }
0xca: {  	[sflag:s19] =	ssyncadd.s32 $0xFFFFD800  }
0xcb: {  	[spmem:s16] =	stream.linear.scatter [tilespmem:s18], [sflag:$0x2], $0x2800, $0x38;
	[tilespmem:$0x1D000] =	vst v63  }
0xcc: {  	_ =	swait.ge [sflag:s19], $0x2800  }
0xcd: {  	[sflag:s19] =	ssyncset.done $0x0  }
0xce: {  	[sflag:s19] =	ssyncadd.s32 $0xFFFFD800  }
0xcf: {  	[spmem:s17] =	stream.linear.scatter [tilespmem:s18], [sflag:$0x2], $0x2800, $0x38;
	[tilespmem:$0x1D000] =	vst v63  }
0xd0: {  	_ =	swait.ge [sflag:s19], $0x2800  }
0xd1: {  	[sflag:s19] =	ssyncset.done $0x0  }
0xd2: {  	s31 =	simm.s32 $0x0;
	s0 =	simm.s32 $0x200;
	[sflag:s19] =	ssyncadd.s32 $0xFFFFD800  }
.LBB2_10:
0xd3: {  	p0 =	sne.s32 s0, $0x9E00;
	[tilespmem:s31+$0x4070] =	vst v1  }
0xd4: {  	[tilespmem:s31+$0x4000] =	vst v1  }
0xd5: {  	[tilespmem:s31+$0x4010] =	vst v1  }
.Ltmp4:
0xd6: {  	[tilespmem:s31+$0x4020] =	vst v1;
	(pc) =	sbr.rel @p0 .LBB2_10-.Ltmp4, $4  }
0xd7: {  	[tilespmem:s31+$0x4030] =	vst v1  }
0xd8: {  	[tilespmem:s31+$0x4040] =	vst v1  }
0xd9: {  	[tilespmem:s31+$0x4050] =	vst v1  }
0xda: {  	[tilespmem:s31+$0x4060] =	vst v1;
	s31 =	sshra.s32 s0, $0x2;
	s0 =	sadd.s32 $0x200, s0  }
0xdb: {  	[tilespmem:s31+$0x4070] =	vst v1  }
0xdc: {  	[tilespmem:s31+$0x4000] =	vst v1  }
0xdd: {  	[tilespmem:s31+$0x4010] =	vst v1  }
0xde: {  	[tilespmem:s31+$0x4020] =	vst v1  }
0xdf: {  	[tilespmem:s31+$0x4030] =	vst v1  }
0xe0: {  	[tilespmem:s31+$0x4040] =	vst v1  }
0xe1: {  	[tilespmem:s31+$0x4050] =	vst v1  }
0xe2: {  	[tilespmem:s31+$0x4060] =	vst v1  }
0xe3: {  	[bflag:$0x0] =	sbarrier.arrive $0xFFFF  }
0xe4: {  	[tilespmem:s3], [sflag:$0x2] =	stream.strided.gather [hbm4b:s5+s25], $0x4000, s18, s25, $0x38;
	[tilespmem:$0x1D000] =	vst v63  }
0xe5: {  	_ =	swait.ge [sflag:s19], $0x4000  }
0xe6: {  	[sflag:s19] =	ssyncset.done $0x0  }
0xe7: {  	s0 =	simm.s32 $0x2000;
	[sflag:s19] =	ssyncadd.s32 $0xFFFFC000  }
0xe8: {  	[spmem:s2] =	stream.indirect.scatter.add.f32 [tilespmem:s18], [sflag:$0x1], $0x80, s0, s20, $0xb8;
	[tilespmem:$0x1D000] =	vst v63  }
0xe9: {  	s1 =	simm.s32 $0x2080  }
0xea: {  	[spmem:s2] =	stream.indirect.scatter.add.f32 [tilespmem:s18], [sflag:$0x1], $0x80, s1, s20, $0xb8;
	[tilespmem:$0x1D000] =	vst v63  }
0xeb: {  	s22 =	simm.s32 $0x2100  }
0xec: {  	[spmem:s2] =	stream.indirect.scatter.add.f32 [tilespmem:s18], [sflag:$0x1], $0x80, s22, s20, $0xb8;
	[tilespmem:$0x1D000] =	vst v63  }
0xed: {  	s23 =	simm.s32 $0x2180  }
0xee: {  	[spmem:s2] =	stream.indirect.scatter.add.f32 [tilespmem:s18], [sflag:$0x1], $0x80, s23, s20, $0xb8;
	[tilespmem:$0x1D000] =	vst v63  }
0xef: {  	_ =	swait.ge [sflag:s21], $0x2800  }
0xf0: {  	[sflag:s21] =	ssyncset.done $0x0  }
0xf1: {  	[sflag:s21] =	ssyncadd.s32 $0xFFFFD800  }
0xf2: {  	_ =	swait.ge [sflag:s21], $0x2800  }
0xf3: {  	[sflag:s21] =	ssyncset.done $0x0  }
0xf4: {  	[sflag:s21] =	ssyncadd.s32 $0xFFFFD800  }
0xf5: {  	_ =	swait.ge [sflag:s21], $0x2800  }
0xf6: {  	[sflag:s21] =	ssyncset.done $0x0  }
0xf7: {  	[sflag:s21] =	ssyncadd.s32 $0xFFFFD800  }
0xf8: {  	_ =	swait.ge [sflag:s21], $0x2800  }
0xf9: {  	s31 =	simm.s32 $0xFFFFE200;
	s0 =	simm.s32 $0xFFFF9000;
	[sflag:s21] =	ssyncset.done $0x0  }
.LBB2_12:
0xfa: {  	s22 =	sadd.s32 $0x4000, s31  }
0xfb: {  	[sflag:s21] =	ssyncadd.s32 $0xFFFFD800;
	s23 =	smov.u32 s0;
	s1 =	sadd.s32 $0x800, s0  }
0xfc: {  	[spmem:s2] =	stream.indirect.scatter.add.f32 [tilespmem:s18], [sflag:$0x1], $0x80, s22, s20, $0xb8;
	[tilespmem:$0x1D000] =	vst v63  }
0xfd: {  	p0 =	seq.s32 s0, $0xFFFFF800;
	s0 =	sadd.s32 $0x4080, s31  }
0xfe: {  	[spmem:s2] =	stream.indirect.scatter.add.f32 [tilespmem:s18], [sflag:$0x1], $0x80, s0, s20, $0xb8;
	[tilespmem:$0x1D000] =	vst v63  }
0xff: {  	s0 =	sadd.s32 $0x4100, s31  }
0x100: {  	[spmem:s2] =	stream.indirect.scatter.add.f32 [tilespmem:s18], [sflag:$0x1], $0x80, s0, s20, $0xb8;
	[tilespmem:$0x1D000] =	vst v63  }
0x101: {  	s0 =	sadd.s32 $0x4180, s31  }
0x102: {  	[spmem:s2] =	stream.indirect.scatter.add.f32 [tilespmem:s18], [sflag:$0x1], $0x80, s0, s20, $0xb8;
	[tilespmem:$0x1D000] =	vst v63  }
0x103: {  	_ =	swait.ge [sflag:s21], $0x2800  }
0x104: {  	[sflag:s21] =	ssyncset.done $0x0  }
0x105: {  	[sflag:s21] =	ssyncadd.s32 $0xFFFFD800  }
0x106: {  	_ =	swait.ge [sflag:s21], $0x2800  }
0x107: {  	[sflag:s21] =	ssyncset.done $0x0  }
0x108: {  	[sflag:s21] =	ssyncadd.s32 $0xFFFFD800  }
.Ltmp5:
0x109: {  	_ =	swait.ge [sflag:s21], $0x2800;
	(pc) =	sbr.rel @!p0 .LBB2_12-.Ltmp5, $4  }
0x10a: {  	[sflag:s21] =	ssyncset.done $0x0  }
0x10b: {  	[sflag:s21] =	ssyncadd.s32 $0xFFFFD800  }
0x10c: {  	_ =	swait.ge [sflag:s21], $0x2800  }
0x10d: {  	s31 =	sshra.s32 s23, $0x2;
	s0 =	smov.u32 s1;
	[sflag:s21] =	ssyncset.done $0x0  }
0x10e: {  	s0 =	sadd.s32 $0x4000, s31;
	[sflag:s21] =	ssyncadd.s32 $0xFFFFD800  }
0x10f: {  	[spmem:s2] =	stream.indirect.scatter.add.f32 [tilespmem:s18], [sflag:$0x1], $0x80, s0, s20, $0xb8;
	[tilespmem:$0x1D000] =	vst v63  }
0x110: {  	s22 =	sadd.s32 $0x4080, s31  }
0x111: {  	[spmem:s2] =	stream.indirect.scatter.add.f32 [tilespmem:s18], [sflag:$0x1], $0x80, s22, s20, $0xb8;
	[tilespmem:$0x1D000] =	vst v63  }
0x112: {  	s23 =	sadd.s32 $0x4100, s31  }
0x113: {  	[spmem:s2] =	stream.indirect.scatter.add.f32 [tilespmem:s18], [sflag:$0x1], $0x80, s23, s20, $0xb8;
	[tilespmem:$0x1D000] =	vst v63  }
0x114: {  	s31 =	sadd.s32 $0x4180, s31  }
0x115: {  	[spmem:s2] =	stream.indirect.scatter.add.f32 [tilespmem:s18], [sflag:$0x1], $0x80, s31, s20, $0xb8;
	[tilespmem:$0x1D000] =	vst v63  }
0x116: {  	_ =	swait.ge [sflag:s21], $0x2800  }
0x117: {  	[sflag:s21] =	ssyncset.done $0x0  }
0x118: {  	[sflag:s21] =	ssyncadd.s32 $0xFFFFD800  }
0x119: {  	_ =	swait.ge [sflag:s21], $0x2800  }
0x11a: {  	[sflag:s21] =	ssyncset.done $0x0  }
0x11b: {  	[sflag:s21] =	ssyncadd.s32 $0xFFFFD800  }
0x11c: {  	_ =	swait.ge [sflag:s21], $0x2800  }
0x11d: {  	[sflag:s21] =	ssyncset.done $0x0  }
0x11e: {  	[sflag:s21] =	ssyncadd.s32 $0xFFFFD800  }
0x11f: {  	_ =	swait.ge [sflag:s21], $0x2800  }
0x120: {  	[sflag:s21] =	ssyncset.done $0x0  }
0x121: {  	[sflag:s21] =	ssyncadd.s32 $0xFFFFD800  }
0x122: {  	[tilespmem:s3], [sflag:$0x2] =	stream.linear.gather [hbm4b:s6+s3], $0x1E80, $0x38;
	[tilespmem:$0x1D000] =	vst v63  }
0x123: {  	_ = 	snop  }
0x124: {  	[tilespmem:s25], [sflag:$0x2] =	stream.linear.gather [hbm4b:s30+s3], $0x1E80, $0x38;
	[tilespmem:$0x1D000] =	vst v63  }
0x125: {  	_ =	swait.ge [sflag:s19], $0x3D00  }
0x126: {  	[sflag:s19] =	ssyncset.done $0x0  }
0x127: {  	s1 =	simm.s32 $0x2000;
	[sflag:s19] =	ssyncadd.s32 $0xFFFFC300  }
0x128: {  	[spmem:s2] =	stream.indirect.scatter.add.f32 [tilespmem:s18], [sflag:$0x1], $0x80, s1, s20, $0xb8;
	[tilespmem:$0x1D000] =	vst v63  }
0x129: {  	s22 =	simm.s32 $0x2080  }
0x12a: {  	[spmem:s2] =	stream.indirect.scatter.add.f32 [tilespmem:s18], [sflag:$0x1], $0x80, s22, s20, $0xb8;
	[tilespmem:$0x1D000] =	vst v63  }
0x12b: {  	s23 =	simm.s32 $0x2100  }
0x12c: {  	[spmem:s2] =	stream.indirect.scatter.add.f32 [tilespmem:s18], [sflag:$0x1], $0x80, s23, s20, $0xb8;
	[tilespmem:$0x1D000] =	vst v63  }
0x12d: {  	s31 =	simm.s32 $0x2180  }
0x12e: {  	[spmem:s2] =	stream.indirect.scatter.add.f32 [tilespmem:s18], [sflag:$0x1], $0x80, s31, s20, $0xb8;
	[tilespmem:$0x1D000] =	vst v63  }
0x12f: {  	_ =	swait.ge [sflag:s21], $0x2800  }
0x130: {  	[sflag:s21] =	ssyncset.done $0x0  }
0x131: {  	[sflag:s21] =	ssyncadd.s32 $0xFFFFD800  }
0x132: {  	_ =	swait.ge [sflag:s21], $0x2800  }
0x133: {  	[sflag:s21] =	ssyncset.done $0x0  }
0x134: {  	[sflag:s21] =	ssyncadd.s32 $0xFFFFD800  }
0x135: {  	_ =	swait.ge [sflag:s21], $0x2800  }
0x136: {  	[sflag:s21] =	ssyncset.done $0x0  }
0x137: {  	[sflag:s21] =	ssyncadd.s32 $0xFFFFD800  }
0x138: {  	_ =	swait.ge [sflag:s21], $0x2800  }
0x139: {  	s0 =	simm.s32 $0xFFFF9800;
	s30 =	simm.s32 $0xFFFFE400;
	[sflag:s21] =	ssyncset.done $0x0  }
.LBB2_14:
0x13a: {  	s1 =	sadd.s32 $0x3E00, s30  }
0x13b: {  	[sflag:s21] =	ssyncadd.s32 $0xFFFFD800;
	s22 =	smov.u32 s0;
	s23 =	sadd.s32 $0x800, s0  }
0x13c: {  	[spmem:s2] =	stream.indirect.scatter.add.f32 [tilespmem:s18], [sflag:$0x1], $0x80, s1, s20, $0xb8;
	[tilespmem:$0x1D000] =	vst v63  }
0x13d: {  	p0 =	sne.s32 s0, $0xFFFFF800;
	s0 =	sadd.s32 $0x3E80, s30  }
0x13e: {  	[spmem:s2] =	stream.indirect.scatter.add.f32 [tilespmem:s18], [sflag:$0x1], $0x80, s0, s20, $0xb8;
	[tilespmem:$0x1D000] =	vst v63  }
0x13f: {  	s0 =	sadd.s32 $0x3F00, s30  }
0x140: {  	[spmem:s2] =	stream.indirect.scatter.add.f32 [tilespmem:s18], [sflag:$0x1], $0x80, s0, s20, $0xb8;
	[tilespmem:$0x1D000] =	vst v63  }
0x141: {  	s0 =	sadd.s32 $0x3F80, s30  }
0x142: {  	[spmem:s2] =	stream.indirect.scatter.add.f32 [tilespmem:s18], [sflag:$0x1], $0x80, s0, s20, $0xb8;
	[tilespmem:$0x1D000] =	vst v63  }
0x143: {  	_ =	swait.ge [sflag:s21], $0x2800  }
0x144: {  	[sflag:s21] =	ssyncset.done $0x0  }
0x145: {  	[sflag:s21] =	ssyncadd.s32 $0xFFFFD800  }
0x146: {  	_ =	swait.ge [sflag:s21], $0x2800  }
0x147: {  	[sflag:s21] =	ssyncset.done $0x0  }
0x148: {  	[sflag:s21] =	ssyncadd.s32 $0xFFFFD800  }
.Ltmp6:
0x149: {  	_ =	swait.ge [sflag:s21], $0x2800;
	(pc) =	sbr.rel @p0 .LBB2_14-.Ltmp6, $4  }
0x14a: {  	[sflag:s21] =	ssyncset.done $0x0  }
0x14b: {  	[sflag:s21] =	ssyncadd.s32 $0xFFFFD800  }
0x14c: {  	_ =	swait.ge [sflag:s21], $0x2800  }
0x14d: {  	s30 =	sshra.s32 s22, $0x2;
	s0 =	smov.u32 s23;
	[sflag:s21] =	ssyncset.done $0x0  }
0x14e: {  	s0 =	sadd.s32 $0x3E00, s30;
	[sflag:s21] =	ssyncadd.s32 $0xFFFFD800  }
0x14f: {  	[spmem:s2] =	stream.indirect.scatter.add.f32 [tilespmem:s18], [sflag:$0x1], $0x80, s0, s20, $0xb8;
	[tilespmem:$0x1D000] =	vst v63  }
0x150: {  	s22 =	sadd.s32 $0x3E80, s30  }
0x151: {  	[spmem:s2] =	stream.indirect.scatter.add.f32 [tilespmem:s18], [sflag:$0x1], $0x80, s22, s20, $0xb8;
	[tilespmem:$0x1D000] =	vst v63  }
0x152: {  	s23 =	sadd.s32 $0x3F00, s30  }
0x153: {  	[spmem:s2] =	stream.indirect.scatter.add.f32 [tilespmem:s18], [sflag:$0x1], $0x80, s23, s20, $0xb8;
	[tilespmem:$0x1D000] =	vst v63  }
0x154: {  	s31 =	sadd.s32 $0x3F80, s30  }
0x155: {  	[spmem:s2] =	stream.indirect.scatter.add.f32 [tilespmem:s18], [sflag:$0x1], $0x80, s31, s20, $0xb8;
	[tilespmem:$0x1D000] =	vst v63  }
0x156: {  	_ =	swait.ge [sflag:s21], $0x2800  }
0x157: {  	[sflag:s21] =	ssyncset.done $0x0  }
0x158: {  	[sflag:s21] =	ssyncadd.s32 $0xFFFFD800  }
0x159: {  	_ =	swait.ge [sflag:s21], $0x2800  }
0x15a: {  	[sflag:s21] =	ssyncset.done $0x0  }
0x15b: {  	[sflag:s21] =	ssyncadd.s32 $0xFFFFD800  }
0x15c: {  	_ =	swait.ge [sflag:s21], $0x2800  }
0x15d: {  	[sflag:s21] =	ssyncset.done $0x0  }
0x15e: {  	[sflag:s21] =	ssyncadd.s32 $0xFFFFD800  }
0x15f: {  	_ =	swait.ge [sflag:s21], $0x2800  }
0x160: {  	[sflag:s21] =	ssyncset.done $0x0  }
0x161: {  	[sflag:s21] =	ssyncadd.s32 $0xFFFFD800  }
0x162: {  	[spmem:s2] =	stream.indirect.scatter.add.f32 [tilespmem:s18], [sflag:$0x2], $0x80, s24, s20, $0xb8;
	[tilespmem:$0x1D000] =	vst v63  }
0x163: {  	_ =	swait.ge [sflag:s19], $0x2800  }
0x164: {  	s26 =	sadd.s32 $0x1, s26;
	[sflag:s19] =	ssyncset.done $0x0  }
0x165: {  	p0 =	sne.s32 s26, s10;
	[sflag:s19] =	ssyncadd.s32 $0xFFFFD800  }
.Ltmp7:
0x166: {  	[bflag:$0x0] =	sbarrier.arrive $0xFFFF;
	(pc) =	sbr.rel @p0 .LBB2_1-.Ltmp7, $4  }
0x167: {  	[hbm:s9], [sflag:s28] =	dma.local [spmem:s29], $0x2800  }
0x168: {  	_ =	swait.ge [sflag:s19], $0x2800  }
0x169: {  	[sflag:s19] =	ssyncset.done $0x0  }
0x16a: {  	[sflag:s19] =	ssyncadd.s32 $0xFFFFD800  }
0x16b: {  	_ =	sfence.sel $0x180000  }
0x16c: {  	[bflag:$0x0] =	sbarrier.arrive $0xFFFF  }
0x16d: {  	_ =	strace $0x90000047  }
0x16e: {  	s0 =	stileid.u32;
	[bflag:$0x2] =	sbarrier.arrive $0xFFFF  }
0x16f: {  	p0 =	sne.s32 s0, $0x0;
	s0 =	rddreg [dreg:$0x2]  }
0x170: {  	s0 =	sadd.s32 @!p0 $0x100000, s0  }
0x171: {  	[sflag:s0] =	ssyncadd.tile.s32 @!p0 $0x1;
	_ =	shalt  }
.Lfunc_end2:
_tile_overlayer_lowered:
.L_overlay_start_2:
0x172: {  	(tag) =	ssettag $0x2  }
0x173: {  	s0 =	rddreg [dreg:$0x0];
	s2 =	stileid.u32  }
0x174: {  	s1 =	rddreg [dreg:$0x1];
	p0 =	sne.s32 s2, $0x0  }
0x175: {  	s3 =	rddreg [dreg:$0x2];
	[bflag:$0x3] =	sbarrier.arrive $0xFFFF;
	s2 =	simm.s32 @!p0 $0x1C02  }
0x176: {  	[timem:s3], [sflag:s2] =	dma.local @!p0 [hbm:s0], s1  }
0x177: {  	s0 =	simm.s32 @!p0 $0x2  }
0x178: {  	_ =	swait.ge @!p0 [sflag:s0], s1  }
0x179: {  	s1 =	ssub.s32 @!p0 $0x0, s1;
	[sflag:s0] =	ssyncset.done @!p0 $0x0  }
0x17a: {  	[sflag:s0] =	ssyncadd.s32 @!p0 s1  }
0x17b: {  	[bflag:$0x3] =	sbarrier.arrive $0xFFFF  }
0x17c: {  	_ =	shalt  }

</sc_bundles>
